<compile_context>
chip_gen: v7x
topology: tpu7x:2x2x1
jax: 0.10.2.dev20260603
libtpu: 0.0.44.dev20260713+nightly
codegen_flags: <defaults>
</compile_context>

<pallas_src>
import jax
import jax.numpy as jnp
from jax import lax
from jax.experimental import pallas as pl
from jax.experimental.pallas import tpu as pltpu
from jax.experimental.pallas import tpu_sc as plsc

N = 10000
E = 320000
D = 128
G = 200
C = 5

NC = 2
NS = 16
NW = NC * NS
EPT = E // NW
CHUNK = 125
GCH = 40
GROUPS = 2
RPT = 632
RPT_LAST = N - (NS - 1) * RPT


SPLITS = ((0, 64), (64, 61))


def _edge_agg_body(table_hbm, zeros_hbm, src_hbm, dst_hbm, out_hbm,
                   srcv, dstv, rows0, rows1, acc,
                   gsem0a, gsem0b, gsem1a, gsem1b,
                   ssem0a, ssem0b, ssem1a, ssem1b):
    cid = lax.axis_index("c")
    sid = lax.axis_index("s")
    wid = cid * NS + sid
    lo = sid * RPT

    def gather(j, rows, sems):
        for (o, n), sem in zip(SPLITS, sems):
            pltpu.async_copy(table_hbm.at[srcv.at[j, pl.ds(o, n)]],
                             rows.at[pl.ds(o, n)], sem)

    def gather_wait(j, rows, sems):
        for (o, n), sem in zip(SPLITS, sems):
            pltpu.make_async_copy(table_hbm.at[srcv.at[j, pl.ds(o, n)]],
                                  rows.at[pl.ds(o, n)], sem).wait()

    def scatter(j, rows, sems):
        for (o, n), sem in zip(SPLITS, sems):
            pltpu.async_copy(rows.at[pl.ds(o, n)],
                             acc.at[dstv.at[j, pl.ds(o, n)]], sem, add=True)

    def scatter_wait(j, rows, sems):
        for (o, n), sem in zip(SPLITS, sems):
            pltpu.make_async_copy(rows.at[pl.ds(o, n)],
                                  acc.at[dstv.at[j, pl.ds(o, n)]], sem).wait()

    gs0 = (gsem0a, gsem0b)
    gs1 = (gsem1a, gsem1b)
    ss0 = (ssem0a, ssem0b)
    ss1 = (ssem1a, ssem1b)

    pltpu.sync_copy(src_hbm.at[wid, 0], srcv)
    pltpu.sync_copy(dst_hbm.at[wid, 0], dstv)
    gather(0, rows0, gs0)
    gather(1, rows1, gs1)

    @pl.when((cid == 0) & (sid < NS - 1))
    def _():
        pltpu.sync_copy(table_hbm.at[pl.ds(lo, RPT)], acc.at[pl.ds(lo, RPT)])

    @pl.when((cid == 0) & (sid == NS - 1))
    def _():
        pltpu.sync_copy(table_hbm.at[pl.ds((NS - 1) * RPT, RPT_LAST)],
                        acc.at[pl.ds((NS - 1) * RPT, RPT_LAST)])

    @pl.when((cid != 0) & (sid < NS - 1))
    def _():
        pltpu.sync_copy(zeros_hbm.at[pl.ds(lo, RPT)], acc.at[pl.ds(lo, RPT)])

    @pl.when((cid != 0) & (sid == NS - 1))
    def _():
        pltpu.sync_copy(zeros_hbm.at[pl.ds((NS - 1) * RPT, RPT_LAST)],
                        acc.at[pl.ds((NS - 1) * RPT, RPT_LAST)])

    plsc.subcore_barrier()

    for g in range(GROUPS):
        if g > 0:
            pltpu.sync_copy(src_hbm.at[wid, g], srcv)
            pltpu.sync_copy(dst_hbm.at[wid, g], dstv)
            gather(0, rows0, gs0)
            gather(1, rows1, gs1)

        @pl.loop(0, GCH, step=2)
        def _(j):
            gather_wait(j, rows0, gs0)
            scatter(j, rows0, ss0)
            gather_wait(j + 1, rows1, gs1)
            scatter(j + 1, rows1, ss1)
            scatter_wait(j, rows0, ss0)

            @pl.when(j + 2 < GCH)
            def _():
                gather(j + 2, rows0, gs0)
            scatter_wait(j + 1, rows1, ss1)

            @pl.when(j + 3 < GCH)
            def _():
                gather(j + 3, rows1, gs1)

    plsc.subcore_barrier()

    @pl.when(sid < NS - 1)
    def _():
        pltpu.sync_copy(acc.at[pl.ds(lo, RPT)],
                        out_hbm.at[cid, pl.ds(lo, RPT)])

    @pl.when(sid == NS - 1)
    def _():
        pltpu.sync_copy(acc.at[pl.ds((NS - 1) * RPT, RPT_LAST)],
                        out_hbm.at[cid, pl.ds((NS - 1) * RPT, RPT_LAST)])


def _edge_agg(table, zeros, srcf, dstf):
    mesh = plsc.VectorSubcoreMesh(core_axis_name="c", subcore_axis_name="s")
    f = pl.kernel(
        _edge_agg_body,
        out_type=jax.ShapeDtypeStruct((NC, N, D), jnp.float32),
        mesh=mesh,
        scratch_types=[
            pltpu.VMEM((GCH, CHUNK), jnp.int32),
            pltpu.VMEM((GCH, CHUNK), jnp.int32),
            pltpu.VMEM((CHUNK, D), jnp.float32),
            pltpu.VMEM((CHUNK, D), jnp.float32),
            pltpu.VMEM_SHARED((N, D), jnp.float32),
        ] + [pltpu.SemaphoreType.DMA] * 8,
    )
    return f(table, zeros, srcf, dstf)


def _tc1_body(acc_ref, w_ref, b_ref, o_ref):
    h = acc_ref[0] + acc_ref[1]
    o_ref[...] = jnp.maximum(
        jnp.dot(h, w_ref[...], preferred_element_type=jnp.float32)
        + b_ref[...], 0.0)


def _tc2_body(acc_ref, w_ref, b_ref, gid_ref, lab_ref,
              emb_ref, proto_ref, sim_ref):
    h = acc_ref[0] + acc_ref[1]
    h2 = jnp.dot(h, w_ref[...], preferred_element_type=jnp.float32) + b_ref[...]
    gid = gid_ref[...]
    giota = lax.broadcasted_iota(jnp.int32, (G, N), 0)
    onehot = (gid == giota).astype(jnp.float32)
    g_sum = jnp.dot(onehot, h2, preferred_element_type=jnp.float32)
    g_cnt = jnp.sum(onehot, axis=1, keepdims=True)
    emb = g_sum / jnp.maximum(g_cnt, 1.0)
    lab = lab_ref[...]
    ciota = lax.broadcasted_iota(jnp.int32, (C, G), 0)
    oh2 = (lab == ciota).astype(jnp.float32)
    p_sum = jnp.dot(oh2, emb, preferred_element_type=jnp.float32)
    p_cnt = jnp.sum(oh2, axis=1, keepdims=True)
    proto = p_sum / jnp.maximum(p_cnt, 1.0)
    qn = emb / (jnp.sqrt(jnp.sum(emb * emb, axis=1, keepdims=True)) + 1e-8)
    pn = proto / (jnp.sqrt(jnp.sum(proto * proto, axis=1, keepdims=True))
                  + 1e-8)
    emb_ref[...] = emb
    proto_ref[...] = proto
    sim_ref[...] = lax.dot_general(
        qn, pn, (((1,), (1,)), ((), ())),
        preferred_element_type=jnp.float32)


def kernel(x, edge_index, graph_ids, graph_labels, W1, b1, W2, b2):
    f32 = jnp.float32
    zeros = jnp.zeros((N, D), f32)
    srcf = edge_index[0].reshape(NW, GROUPS, GCH, CHUNK)
    dstf = edge_index[1].reshape(NW, GROUPS, GCH, CHUNK)

    acc1 = _edge_agg(x, zeros, srcf, dstf)
    h1 = pl.pallas_call(
        _tc1_body,
        out_shape=jax.ShapeDtypeStruct((N, D), f32),
    )(acc1, W1, b1.reshape(1, D))

    acc2 = _edge_agg(h1, zeros, srcf, dstf)
    gid = graph_ids.reshape(1, N)
    lab = graph_labels.reshape(1, G)
    embedded, prototypes, similarities = pl.pallas_call(
        _tc2_body,
        out_shape=(
            jax.ShapeDtypeStruct((G, D), f32),
            jax.ShapeDtypeStruct((C, D), f32),
            jax.ShapeDtypeStruct((G, C), f32),
        ),
    )(acc2, W2, b2.reshape(1, D), gid, lab)
    return (embedded, prototypes, similarities)

# --- scband reference (transcript-rebuilt; emitter-appended) ---
"""Pipeline reference for scband-fully-graphical-module-62423054680551 (READ-ONLY COPY).

The authoritative reference and input builder live on the scoring server;
editing this copy changes nothing except your own understanding.
"""

import jax, jax.numpy as jnp
import numpy as np

N = 10000   # nodes
E = 320000  # edges
D = 128     # feature_dim
G = 200     # graphs in the episode batch
C = 5       # num_classes per episode


def setup_inputs(seed: int = 0) -> dict:
    key = jax.random.key(seed)
    ks = jax.random.split(key, 8)
    x = jax.random.normal(ks[0], (N, D), dtype=jnp.float32)
    edge_index = jax.random.randint(ks[1], (2, E), 0, N, dtype=jnp.int32)
    graph_ids = jnp.sort(jax.random.randint(ks[2], (N,), 0, G, dtype=jnp.int32))
    graph_labels = jax.random.randint(ks[3], (G,), 0, C, dtype=jnp.int32)
    # learned parameters of the 2-layer message-passing embedder (feature_dim=128)
    W1 = jax.random.normal(ks[4], (D, D), dtype=jnp.float32) * (1.0 / np.sqrt(D))
    b1 = jnp.zeros((D,), dtype=jnp.float32)
    W2 = jax.random.normal(ks[5], (D, D), dtype=jnp.float32) * (1.0 / np.sqrt(D))
    b2 = jnp.zeros((D,), dtype=jnp.float32)
    return {"x": x, "edge_index": edge_index, "graph_ids": graph_ids,
            "graph_labels": graph_labels, "W1": W1, "b1": b1, "W2": W2, "b2": b2}


def reference(x, edge_index, graph_ids, graph_labels, W1, b1, W2, b2):
    src = edge_index[0]
    dst = edge_index[1]
    # --- embedder: 2 rounds of GIN-style message passing (gather + scatter-add) ---
    m1 = jnp.take(x, src, axis=0)                       # gather messages
    agg1 = jax.ops.segment_sum(m1, dst, num_segments=N) # scatter-add to dst
    h1 = jax.nn.relu((x + agg1) @ W1 + b1)
    m2 = jnp.take(h1, src, axis=0)
    agg2 = jax.ops.segment_sum(m2, dst, num_segments=N)
    h2 = (h1 + agg2) @ W2 + b2
    # --- per-graph readout: mean over nodes of each graph (aggregating node) ---
    g_sum = jax.ops.segment_sum(h2, graph_ids, num_segments=G)
    g_cnt = jax.ops.segment_sum(jnp.ones((N, 1), dtype=h2.dtype), graph_ids, num_segments=G)
    embedded = g_sum / jnp.maximum(g_cnt, 1.0)          # (G, D) embedded graphs
    # --- class prototypes: mean of graph embeddings sharing a local label ---
    p_sum = jax.ops.segment_sum(embedded, graph_labels, num_segments=C)
    p_cnt = jax.ops.segment_sum(jnp.ones((G, 1), dtype=embedded.dtype), graph_labels, num_segments=C)
    prototypes = p_sum / jnp.maximum(p_cnt, 1.0)        # (C, D)
    # --- cosine similarities between embedded queries and class prototypes ---
    qn = embedded / (jnp.linalg.norm(embedded, axis=-1, keepdims=True) + 1e-8)
    pn = prototypes / (jnp.linalg.norm(prototypes, axis=-1, keepdims=True) + 1e-8)
    similarities = qn @ pn.T                            # (G, C)
    return (embedded, prototypes, similarities)

if __name__ == "__main__":
    import jax
    _d = setup_inputs()
    print(jax.jit(kernel)(*tuple(_d.values())))

</pallas_src>

<mosaic_0001>
#map = affine_map<(d0, d1) -> (0, 0)>
#map1 = affine_map<(d0, d1) -> (0, 0, 0, 0)>
#map2 = affine_map<(d0, d1) -> (0, 0, 0)>
module attributes {stable_mosaic.version = 14 : i64} {
  func.func @_edge_agg_body(%arg0: i32, %arg1: i32, %arg2: memref<10000x128xf32, #tpu.memory_space<hbm>>, %arg3: memref<10000x128xf32, #tpu.memory_space<hbm>>, %arg4: memref<32x2x40x125xi32, #tpu.memory_space<hbm>>, %arg5: memref<32x2x40x125xi32, #tpu.memory_space<hbm>>, %arg6: memref<2x10000x128xf32, #tpu.memory_space<hbm>>, %arg7: memref<40x125xi32, #tpu.memory_space<vmem>>, %arg8: memref<40x125xi32, #tpu.memory_space<vmem>>, %arg9: memref<125x128xf32, #tpu.memory_space<vmem>>, %arg10: memref<125x128xf32, #tpu.memory_space<vmem>>, %arg11: memref<10000x128xf32, #tpu.memory_space<vmem_shared>>, %arg12: memref<!tpu.dma_semaphore, #tpu.memory_space<semaphore_mem>>, %arg13: memref<!tpu.dma_semaphore, #tpu.memory_space<semaphore_mem>>, %arg14: memref<!tpu.dma_semaphore, #tpu.memory_space<semaphore_mem>>, %arg15: memref<!tpu.dma_semaphore, #tpu.memory_space<semaphore_mem>>, %arg16: memref<!tpu.dma_semaphore, #tpu.memory_space<semaphore_mem>>, %arg17: memref<!tpu.dma_semaphore, #tpu.memory_space<semaphore_mem>>, %arg18: memref<!tpu.dma_semaphore, #tpu.memory_space<semaphore_mem>>, %arg19: memref<!tpu.dma_semaphore, #tpu.memory_space<semaphore_mem>>) attributes {dimension_semantics = [#tpu.dimension_semantics<core_parallel>, #tpu.dimension_semantics<subcore_parallel>], iteration_bounds = array<i64: 2, 16>, scalar_prefetch = 0 : i64, scratch_operands = 13 : i64, tpu.core_type = #tpu.core_type<sc_vector_subcore>, window_params = [{transform_indices = #map}, {transform_indices = #map}, {transform_indices = #map1}, {transform_indices = #map1}, {transform_indices = #map2}]} {
    %mul3A = arith.constant 16 : i32
    %mul3A_0 = arith.muli %arg0, %mul3A : i32
    %add3A = arith.addi %mul3A_0, %arg1 : i32
    %mul3A_1 = arith.constant 632 : i32
    %mul3A_2 = arith.muli %arg1, %mul3A_1 : i32
    %run_scoped3A = arith.constant 0 : i32
    "tpu.region"() ({
      %run_scoped3A_131 = tpu.sem_alloc : memref<!tpu.dma_semaphore, #tpu.memory_space<semaphore_mem>>
      %dma_start3A_132 = arith.constant 0 : i32
      %dma_start3A_133 = arith.constant 0 : i32
      %dma_start3A_134 = tpu.memref_slice %arg4[%add3A, %run_scoped3A, %dma_start3A_132, %dma_start3A_133] : memref<32x2x40x125xi32, #tpu.memory_space<hbm>> -> memref<1x1x40x125xi32, #tpu.memory_space<hbm>>
      %dma_start3A_135 = tpu.memref_squeeze %dma_start3A_134 : memref<1x1x40x125xi32, #tpu.memory_space<hbm>> -> memref<40x125xi32, #tpu.memory_space<hbm>>
      %dma_start3A_136 = arith.constant 0 : i32
      %dma_start3A_137 = arith.constant 0 : i32
      %dma_start3A_138 = tpu.memref_slice %arg4[%add3A, %run_scoped3A, %dma_start3A_136, %dma_start3A_137] : memref<32x2x40x125xi32, #tpu.memory_space<hbm>> -> memref<1x1x40x125xi32, #tpu.memory_space<hbm>>
      %dma_start3A_139 = tpu.memref_squeeze %dma_start3A_138 : memref<1x1x40x125xi32, #tpu.memory_space<hbm>> -> memref<40x125xi32, #tpu.memory_space<hbm>>
      tpu.enqueue_dma source(%dma_start3A_139 : memref<40x125xi32, #tpu.memory_space<hbm>>) target(%arg7 : memref<40x125xi32, #tpu.memory_space<vmem>>) target_semaphore(%run_scoped3A_131 : memref<!tpu.dma_semaphore, #tpu.memory_space<semaphore_mem>>)
      %dma_wait3A = arith.constant 0 : i32
      %dma_wait3A_140 = arith.constant 0 : i32
      %dma_wait3A_141 = tpu.memref_slice %arg4[%add3A, %run_scoped3A, %dma_wait3A, %dma_wait3A_140] : memref<32x2x40x125xi32, #tpu.memory_space<hbm>> -> memref<1x1x40x125xi32, #tpu.memory_space<hbm>>
      %dma_wait3A_142 = tpu.memref_squeeze %dma_wait3A_141 : memref<1x1x40x125xi32, #tpu.memory_space<hbm>> -> memref<40x125xi32, #tpu.memory_space<hbm>>
      %dma_wait3A_143 = arith.constant 0 : i32
      %dma_wait3A_144 = arith.constant 0 : i32
      %dma_wait3A_145 = tpu.memref_slice %arg4[%add3A, %run_scoped3A, %dma_wait3A_143, %dma_wait3A_144] : memref<32x2x40x125xi32, #tpu.memory_space<hbm>> -> memref<1x1x40x125xi32, #tpu.memory_space<hbm>>
      %dma_wait3A_146 = tpu.memref_squeeze %dma_wait3A_145 : memref<1x1x40x125xi32, #tpu.memory_space<hbm>> -> memref<40x125xi32, #tpu.memory_space<hbm>>
      tpu.wait_dma2 semaphore(%run_scoped3A_131 : memref<!tpu.dma_semaphore, #tpu.memory_space<semaphore_mem>>) src(%dma_wait3A_146 : memref<40x125xi32, #tpu.memory_space<hbm>>) dst(%arg7 : memref<40x125xi32, #tpu.memory_space<vmem>>)
      tpu.yield
    }) : () -> ()
    %run_scoped3A_3 = arith.constant 0 : i32
    "tpu.region"() ({
      %run_scoped3A_131 = tpu.sem_alloc : memref<!tpu.dma_semaphore, #tpu.memory_space<semaphore_mem>>
      %dma_start3A_132 = arith.constant 0 : i32
      %dma_start3A_133 = arith.constant 0 : i32
      %dma_start3A_134 = tpu.memref_slice %arg5[%add3A, %run_scoped3A_3, %dma_start3A_132, %dma_start3A_133] : memref<32x2x40x125xi32, #tpu.memory_space<hbm>> -> memref<1x1x40x125xi32, #tpu.memory_space<hbm>>
      %dma_start3A_135 = tpu.memref_squeeze %dma_start3A_134 : memref<1x1x40x125xi32, #tpu.memory_space<hbm>> -> memref<40x125xi32, #tpu.memory_space<hbm>>
      %dma_start3A_136 = arith.constant 0 : i32
      %dma_start3A_137 = arith.constant 0 : i32
      %dma_start3A_138 = tpu.memref_slice %arg5[%add3A, %run_scoped3A_3, %dma_start3A_136, %dma_start3A_137] : memref<32x2x40x125xi32, #tpu.memory_space<hbm>> -> memref<1x1x40x125xi32, #tpu.memory_space<hbm>>
      %dma_start3A_139 = tpu.memref_squeeze %dma_start3A_138 : memref<1x1x40x125xi32, #tpu.memory_space<hbm>> -> memref<40x125xi32, #tpu.memory_space<hbm>>
      tpu.enqueue_dma source(%dma_start3A_139 : memref<40x125xi32, #tpu.memory_space<hbm>>) target(%arg8 : memref<40x125xi32, #tpu.memory_space<vmem>>) target_semaphore(%run_scoped3A_131 : memref<!tpu.dma_semaphore, #tpu.memory_space<semaphore_mem>>)
      %dma_wait3A = arith.constant 0 : i32
      %dma_wait3A_140 = arith.constant 0 : i32
      %dma_wait3A_141 = tpu.memref_slice %arg5[%add3A, %run_scoped3A_3, %dma_wait3A, %dma_wait3A_140] : memref<32x2x40x125xi32, #tpu.memory_space<hbm>> -> memref<1x1x40x125xi32, #tpu.memory_space<hbm>>
      %dma_wait3A_142 = tpu.memref_squeeze %dma_wait3A_141 : memref<1x1x40x125xi32, #tpu.memory_space<hbm>> -> memref<40x125xi32, #tpu.memory_space<hbm>>
      %dma_wait3A_143 = arith.constant 0 : i32
      %dma_wait3A_144 = arith.constant 0 : i32
      %dma_wait3A_145 = tpu.memref_slice %arg5[%add3A, %run_scoped3A_3, %dma_wait3A_143, %dma_wait3A_144] : memref<32x2x40x125xi32, #tpu.memory_space<hbm>> -> memref<1x1x40x125xi32, #tpu.memory_space<hbm>>
      %dma_wait3A_146 = tpu.memref_squeeze %dma_wait3A_145 : memref<1x1x40x125xi32, #tpu.memory_space<hbm>> -> memref<40x125xi32, #tpu.memory_space<hbm>>
      tpu.wait_dma2 semaphore(%run_scoped3A_131 : memref<!tpu.dma_semaphore, #tpu.memory_space<semaphore_mem>>) src(%dma_wait3A_146 : memref<40x125xi32, #tpu.memory_space<hbm>>) dst(%arg8 : memref<40x125xi32, #tpu.memory_space<vmem>>)
      tpu.yield
    }) : () -> ()
    %dma_start3A = arith.constant 0 : i32
    %dma_start3A_4 = arith.constant 0 : i32
    %dma_start3A_5 = arith.constant 0 : i32
    %dma_start3A_6 = tpu.memref_slice %arg9[%dma_start3A_4, %dma_start3A_5] : memref<125x128xf32, #tpu.memory_space<vmem>> -> memref<64x128xf32, #tpu.memory_space<vmem>>
    %dma_start3A_7 = arith.constant 0 : i32
    %dma_start3A_8 = tpu.memref_slice %arg7[%dma_start3A, %dma_start3A_7] : memref<40x125xi32, #tpu.memory_space<vmem>> -> memref<1x64xi32, #tpu.memory_space<vmem>>
    %dma_start3A_9 = tpu.memref_squeeze %dma_start3A_8 : memref<1x64xi32, #tpu.memory_space<vmem>> -> memref<64xi32, #tpu.memory_space<vmem>>
    %dma_start3A_10 = arith.constant 0 : i32
    %dma_start3A_11 = arith.constant 0 : i32
    %dma_start3A_12 = tpu.memref_slice %arg2[%dma_start3A_10, %dma_start3A_11] : memref<10000x128xf32, #tpu.memory_space<hbm>> -> memref<10000x128xf32, #tpu.memory_space<hbm>>
    tpu.enqueue_indirect_dma source(%dma_start3A_12 : memref<10000x128xf32, #tpu.memory_space<hbm>>) target(%dma_start3A_6 : memref<64x128xf32, #tpu.memory_space<vmem>>) offsets(%dma_start3A_9 : memref<64xi32, #tpu.memory_space<vmem>>) semaphore(%arg12 : memref<!tpu.dma_semaphore, #tpu.memory_space<semaphore_mem>>)
    %dma_start3A_13 = arith.constant 0 : i32
    %dma_start3A_14 = arith.constant 64 : i32
    %dma_start3A_15 = arith.constant 0 : i32
    %dma_start3A_16 = tpu.memref_slice %arg9[%dma_start3A_14, %dma_start3A_15] : memref<125x128xf32, #tpu.memory_space<vmem>> -> memref<61x128xf32, #tpu.memory_space<vmem>>
    %dma_start3A_17 = arith.constant 64 : i32
    %dma_start3A_18 = tpu.memref_slice %arg7[%dma_start3A_13, %dma_start3A_17] : memref<40x125xi32, #tpu.memory_space<vmem>> -> memref<1x61xi32, #tpu.memory_space<vmem>>
    %dma_start3A_19 = tpu.memref_squeeze %dma_start3A_18 : memref<1x61xi32, #tpu.memory_space<vmem>> -> memref<61xi32, #tpu.memory_space<vmem>>
    %dma_start3A_20 = arith.constant 0 : i32
    %dma_start3A_21 = arith.constant 0 : i32
    %dma_start3A_22 = tpu.memref_slice %arg2[%dma_start3A_20, %dma_start3A_21] : memref<10000x128xf32, #tpu.memory_space<hbm>> -> memref<10000x128xf32, #tpu.memory_space<hbm>>
    tpu.enqueue_indirect_dma source(%dma_start3A_22 : memref<10000x128xf32, #tpu.memory_space<hbm>>) target(%dma_start3A_16 : memref<61x128xf32, #tpu.memory_space<vmem>>) offsets(%dma_start3A_19 : memref<61xi32, #tpu.memory_space<vmem>>) semaphore(%arg13 : memref<!tpu.dma_semaphore, #tpu.memory_space<semaphore_mem>>)
    %dma_start3A_23 = arith.constant 1 : i32
    %dma_start3A_24 = arith.constant 0 : i32
    %dma_start3A_25 = arith.constant 0 : i32
    %dma_start3A_26 = tpu.memref_slice %arg10[%dma_start3A_24, %dma_start3A_25] : memref<125x128xf32, #tpu.memory_space<vmem>> -> memref<64x128xf32, #tpu.memory_space<vmem>>
    %dma_start3A_27 = arith.constant 0 : i32
    %dma_start3A_28 = tpu.memref_slice %arg7[%dma_start3A_23, %dma_start3A_27] : memref<40x125xi32, #tpu.memory_space<vmem>> -> memref<1x64xi32, #tpu.memory_space<vmem>>
    %dma_start3A_29 = tpu.memref_squeeze %dma_start3A_28 : memref<1x64xi32, #tpu.memory_space<vmem>> -> memref<64xi32, #tpu.memory_space<vmem>>
    %dma_start3A_30 = arith.constant 0 : i32
    %dma_start3A_31 = arith.constant 0 : i32
    %dma_start3A_32 = tpu.memref_slice %arg2[%dma_start3A_30, %dma_start3A_31] : memref<10000x128xf32, #tpu.memory_space<hbm>> -> memref<10000x128xf32, #tpu.memory_space<hbm>>
    tpu.enqueue_indirect_dma source(%dma_start3A_32 : memref<10000x128xf32, #tpu.memory_space<hbm>>) target(%dma_start3A_26 : memref<64x128xf32, #tpu.memory_space<vmem>>) offsets(%dma_start3A_29 : memref<64xi32, #tpu.memory_space<vmem>>) semaphore(%arg14 : memref<!tpu.dma_semaphore, #tpu.memory_space<semaphore_mem>>)
    %dma_start3A_33 = arith.constant 1 : i32
    %dma_start3A_34 = arith.constant 64 : i32
    %dma_start3A_35 = arith.constant 0 : i32
    %dma_start3A_36 = tpu.memref_slice %arg10[%dma_start3A_34, %dma_start3A_35] : memref<125x128xf32, #tpu.memory_space<vmem>> -> memref<61x128xf32, #tpu.memory_space<vmem>>
    %dma_start3A_37 = arith.constant 64 : i32
    %dma_start3A_38 = tpu.memref_slice %arg7[%dma_start3A_33, %dma_start3A_37] : memref<40x125xi32, #tpu.memory_space<vmem>> -> memref<1x61xi32, #tpu.memory_space<vmem>>
    %dma_start3A_39 = tpu.memref_squeeze %dma_start3A_38 : memref<1x61xi32, #tpu.memory_space<vmem>> -> memref<61xi32, #tpu.memory_space<vmem>>
    %dma_start3A_40 = arith.constant 0 : i32
    %dma_start3A_41 = arith.constant 0 : i32
    %dma_start3A_42 = tpu.memref_slice %arg2[%dma_start3A_40, %dma_start3A_41] : memref<10000x128xf32, #tpu.memory_space<hbm>> -> memref<10000x128xf32, #tpu.memory_space<hbm>>
    tpu.enqueue_indirect_dma source(%dma_start3A_42 : memref<10000x128xf32, #tpu.memory_space<hbm>>) target(%dma_start3A_36 : memref<61x128xf32, #tpu.memory_space<vmem>>) offsets(%dma_start3A_39 : memref<61xi32, #tpu.memory_space<vmem>>) semaphore(%arg15 : memref<!tpu.dma_semaphore, #tpu.memory_space<semaphore_mem>>)
    %eq3A = arith.constant 0 : i32
    %eq3A_43 = arith.cmpi eq, %arg0, %eq3A : i32
    %lt3A = arith.constant 15 : i32
    %lt3A_44 = arith.cmpi slt, %arg1, %lt3A : i32
    %and3A = arith.andi %eq3A_43, %lt3A_44 : i1
    %convert_element_type3A = arith.extui %and3A : i1 to i32
    %cond3A = arith.constant 0 : i32
    %cond3A_45 = arith.cmpi ne, %convert_element_type3A, %cond3A : i32
    scf.if %cond3A_45 {
      "tpu.region"() ({
        %run_scoped3A_131 = tpu.sem_alloc : memref<!tpu.dma_semaphore, #tpu.memory_space<semaphore_mem>>
        %dma_start3A_132 = arith.constant 0 : i32
        %dma_start3A_133 = tpu.memref_slice %arg11[%mul3A_2, %dma_start3A_132] : memref<10000x128xf32, #tpu.memory_space<vmem_shared>> -> memref<632x128xf32, #tpu.memory_space<vmem_shared>>
        %dma_start3A_134 = arith.constant 0 : i32
        %dma_start3A_135 = tpu.memref_slice %arg2[%mul3A_2, %dma_start3A_134] : memref<10000x128xf32, #tpu.memory_space<hbm>> -> memref<632x128xf32, #tpu.memory_space<hbm>>
        tpu.enqueue_dma source(%dma_start3A_135 : memref<632x128xf32, #tpu.memory_space<hbm>>) target(%dma_start3A_133 : memref<632x128xf32, #tpu.memory_space<vmem_shared>>) target_semaphore(%run_scoped3A_131 : memref<!tpu.dma_semaphore, #tpu.memory_space<semaphore_mem>>)
        %dma_wait3A = arith.constant 0 : i32
        %dma_wait3A_136 = tpu.memref_slice %arg11[%mul3A_2, %dma_wait3A] : memref<10000x128xf32, #tpu.memory_space<vmem_shared>> -> memref<632x128xf32, #tpu.memory_space<vmem_shared>>
        %dma_wait3A_137 = arith.constant 0 : i32
        %dma_wait3A_138 = tpu.memref_slice %arg2[%mul3A_2, %dma_wait3A_137] : memref<10000x128xf32, #tpu.memory_space<hbm>> -> memref<632x128xf32, #tpu.memory_space<hbm>>
        tpu.wait_dma2 semaphore(%run_scoped3A_131 : memref<!tpu.dma_semaphore, #tpu.memory_space<semaphore_mem>>) src(%dma_wait3A_138 : memref<632x128xf32, #tpu.memory_space<hbm>>) dst(%dma_wait3A_136 : memref<632x128xf32, #tpu.memory_space<vmem_shared>>)
        tpu.yield
      }) : () -> ()
    } else {
    }
    %eq3A_46 = arith.constant 0 : i32
    %eq3A_47 = arith.cmpi eq, %arg0, %eq3A_46 : i32
    %eq3A_48 = arith.constant 15 : i32
    %eq3A_49 = arith.cmpi eq, %arg1, %eq3A_48 : i32
    %and3A_50 = arith.andi %eq3A_47, %eq3A_49 : i1
    %convert_element_type3A_51 = arith.extui %and3A_50 : i1 to i32
    %cond3A_52 = arith.constant 0 : i32
    %cond3A_53 = arith.cmpi ne, %convert_element_type3A_51, %cond3A_52 : i32
    scf.if %cond3A_53 {
      "tpu.region"() ({
        %run_scoped3A_131 = tpu.sem_alloc : memref<!tpu.dma_semaphore, #tpu.memory_space<semaphore_mem>>
        %dma_start3A_132 = arith.constant 9480 : i32
        %dma_start3A_133 = arith.constant 0 : i32
        %dma_start3A_134 = tpu.memref_slice %arg11[%dma_start3A_132, %dma_start3A_133] : memref<10000x128xf32, #tpu.memory_space<vmem_shared>> -> memref<520x128xf32, #tpu.memory_space<vmem_shared>>
        %dma_start3A_135 = arith.constant 9480 : i32
        %dma_start3A_136 = arith.constant 0 : i32
        %dma_start3A_137 = tpu.memref_slice %arg2[%dma_start3A_135, %dma_start3A_136] : memref<10000x128xf32, #tpu.memory_space<hbm>> -> memref<520x128xf32, #tpu.memory_space<hbm>>
        tpu.enqueue_dma source(%dma_start3A_137 : memref<520x128xf32, #tpu.memory_space<hbm>>) target(%dma_start3A_134 : memref<520x128xf32, #tpu.memory_space<vmem_shared>>) target_semaphore(%run_scoped3A_131 : memref<!tpu.dma_semaphore, #tpu.memory_space<semaphore_mem>>)
        %dma_wait3A = arith.constant 9480 : i32
        %dma_wait3A_138 = arith.constant 0 : i32
        %dma_wait3A_139 = tpu.memref_slice %arg11[%dma_wait3A, %dma_wait3A_138] : memref<10000x128xf32, #tpu.memory_space<vmem_shared>> -> memref<520x128xf32, #tpu.memory_space<vmem_shared>>
        %dma_wait3A_140 = arith.constant 9480 : i32
        %dma_wait3A_141 = arith.constant 0 : i32
        %dma_wait3A_142 = tpu.memref_slice %arg2[%dma_wait3A_140, %dma_wait3A_141] : memref<10000x128xf32, #tpu.memory_space<hbm>> -> memref<520x128xf32, #tpu.memory_space<hbm>>
        tpu.wait_dma2 semaphore(%run_scoped3A_131 : memref<!tpu.dma_semaphore, #tpu.memory_space<semaphore_mem>>) src(%dma_wait3A_142 : memref<520x128xf32, #tpu.memory_space<hbm>>) dst(%dma_wait3A_139 : memref<520x128xf32, #tpu.memory_space<vmem_shared>>)
        tpu.yield
      }) : () -> ()
    } else {
    }
    %ne3A = arith.constant 0 : i32
    %ne3A_54 = arith.cmpi ne, %arg0, %ne3A : i32
    %lt3A_55 = arith.constant 15 : i32
    %lt3A_56 = arith.cmpi slt, %arg1, %lt3A_55 : i32
    %and3A_57 = arith.andi %ne3A_54, %lt3A_56 : i1
    %convert_element_type3A_58 = arith.extui %and3A_57 : i1 to i32
    %cond3A_59 = arith.constant 0 : i32
    %cond3A_60 = arith.cmpi ne, %convert_element_type3A_58, %cond3A_59 : i32
    scf.if %cond3A_60 {
      "tpu.region"() ({
        %run_scoped3A_131 = tpu.sem_alloc : memref<!tpu.dma_semaphore, #tpu.memory_space<semaphore_mem>>
        %dma_start3A_132 = arith.constant 0 : i32
        %dma_start3A_133 = tpu.memref_slice %arg11[%mul3A_2, %dma_start3A_132] : memref<10000x128xf32, #tpu.memory_space<vmem_shared>> -> memref<632x128xf32, #tpu.memory_space<vmem_shared>>
        %dma_start3A_134 = arith.constant 0 : i32
        %dma_start3A_135 = tpu.memref_slice %arg3[%mul3A_2, %dma_start3A_134] : memref<10000x128xf32, #tpu.memory_space<hbm>> -> memref<632x128xf32, #tpu.memory_space<hbm>>
        tpu.enqueue_dma source(%dma_start3A_135 : memref<632x128xf32, #tpu.memory_space<hbm>>) target(%dma_start3A_133 : memref<632x128xf32, #tpu.memory_space<vmem_shared>>) target_semaphore(%run_scoped3A_131 : memref<!tpu.dma_semaphore, #tpu.memory_space<semaphore_mem>>)
        %dma_wait3A = arith.constant 0 : i32
        %dma_wait3A_136 = tpu.memref_slice %arg11[%mul3A_2, %dma_wait3A] : memref<10000x128xf32, #tpu.memory_space<vmem_shared>> -> memref<632x128xf32, #tpu.memory_space<vmem_shared>>
        %dma_wait3A_137 = arith.constant 0 : i32
        %dma_wait3A_138 = tpu.memref_slice %arg3[%mul3A_2, %dma_wait3A_137] : memref<10000x128xf32, #tpu.memory_space<hbm>> -> memref<632x128xf32, #tpu.memory_space<hbm>>
        tpu.wait_dma2 semaphore(%run_scoped3A_131 : memref<!tpu.dma_semaphore, #tpu.memory_space<semaphore_mem>>) src(%dma_wait3A_138 : memref<632x128xf32, #tpu.memory_space<hbm>>) dst(%dma_wait3A_136 : memref<632x128xf32, #tpu.memory_space<vmem_shared>>)
        tpu.yield
      }) : () -> ()
    } else {
    }
    %ne3A_61 = arith.constant 0 : i32
    %ne3A_62 = arith.cmpi ne, %arg0, %ne3A_61 : i32
    %eq3A_63 = arith.constant 15 : i32
    %eq3A_64 = arith.cmpi eq, %arg1, %eq3A_63 : i32
    %and3A_65 = arith.andi %ne3A_62, %eq3A_64 : i1
    %convert_element_type3A_66 = arith.extui %and3A_65 : i1 to i32
    %cond3A_67 = arith.constant 0 : i32
    %cond3A_68 = arith.cmpi ne, %convert_element_type3A_66, %cond3A_67 : i32
    scf.if %cond3A_68 {
      "tpu.region"() ({
        %run_scoped3A_131 = tpu.sem_alloc : memref<!tpu.dma_semaphore, #tpu.memory_space<semaphore_mem>>
        %dma_start3A_132 = arith.constant 9480 : i32
        %dma_start3A_133 = arith.constant 0 : i32
        %dma_start3A_134 = tpu.memref_slice %arg11[%dma_start3A_132, %dma_start3A_133] : memref<10000x128xf32, #tpu.memory_space<vmem_shared>> -> memref<520x128xf32, #tpu.memory_space<vmem_shared>>
        %dma_start3A_135 = arith.constant 9480 : i32
        %dma_start3A_136 = arith.constant 0 : i32
        %dma_start3A_137 = tpu.memref_slice %arg3[%dma_start3A_135, %dma_start3A_136] : memref<10000x128xf32, #tpu.memory_space<hbm>> -> memref<520x128xf32, #tpu.memory_space<hbm>>
        tpu.enqueue_dma source(%dma_start3A_137 : memref<520x128xf32, #tpu.memory_space<hbm>>) target(%dma_start3A_134 : memref<520x128xf32, #tpu.memory_space<vmem_shared>>) target_semaphore(%run_scoped3A_131 : memref<!tpu.dma_semaphore, #tpu.memory_space<semaphore_mem>>)
        %dma_wait3A = arith.constant 9480 : i32
        %dma_wait3A_138 = arith.constant 0 : i32
        %dma_wait3A_139 = tpu.memref_slice %arg11[%dma_wait3A, %dma_wait3A_138] : memref<10000x128xf32, #tpu.memory_space<vmem_shared>> -> memref<520x128xf32, #tpu.memory_space<vmem_shared>>
        %dma_wait3A_140 = arith.constant 9480 : i32
        %dma_wait3A_141 = arith.constant 0 : i32
        %dma_wait3A_142 = tpu.memref_slice %arg3[%dma_wait3A_140, %dma_wait3A_141] : memref<10000x128xf32, #tpu.memory_space<hbm>> -> memref<520x128xf32, #tpu.memory_space<hbm>>
        tpu.wait_dma2 semaphore(%run_scoped3A_131 : memref<!tpu.dma_semaphore, #tpu.memory_space<semaphore_mem>>) src(%dma_wait3A_142 : memref<520x128xf32, #tpu.memory_space<hbm>>) dst(%dma_wait3A_139 : memref<520x128xf32, #tpu.memory_space<vmem_shared>>)
        tpu.yield
      }) : () -> ()
    } else {
    }
    %barrier3A = arith.constant 0 : index
    tpu.barrier barrier_id(%barrier3A)
    %scan3A = arith.constant 0 : i32
    %scan3A_69 = arith.constant 20 : i32
    %scan3A_70 = arith.addi %scan3A, %scan3A_69 : i32
    %scan3A_71 = arith.constant 1 : i32
    scf.for %scan3A_131 = %scan3A to %scan3A_70 step %scan3A_71  : i32 {
      %mul3A_132 = arith.constant 2 : i32
      %mul3A_133 = arith.muli %scan3A_131, %mul3A_132 : i32
      %add3A_134 = arith.constant 0 : i32
      %add3A_135 = arith.addi %add3A_134, %mul3A_133 : i32
      %dma_wait3A = arith.constant 0 : i32
      %dma_wait3A_136 = arith.constant 0 : i32
      %dma_wait3A_137 = tpu.memref_slice %arg9[%dma_wait3A, %dma_wait3A_136] : memref<125x128xf32, #tpu.memory_space<vmem>> -> memref<64x128xf32, #tpu.memory_space<vmem>>
      %dma_wait3A_138 = arith.constant 0 : i32
      %dma_wait3A_139 = tpu.memref_slice %arg7[%add3A_135, %dma_wait3A_138] : memref<40x125xi32, #tpu.memory_space<vmem>> -> memref<1x64xi32, #tpu.memory_space<vmem>>
      %dma_wait3A_140 = tpu.memref_squeeze %dma_wait3A_139 : memref<1x64xi32, #tpu.memory_space<vmem>> -> memref<64xi32, #tpu.memory_space<vmem>>
      %dma_wait3A_141 = arith.constant 0 : i32
      %dma_wait3A_142 = arith.constant 0 : i32
      %dma_wait3A_143 = tpu.memref_slice %arg2[%dma_wait3A_141, %dma_wait3A_142] : memref<10000x128xf32, #tpu.memory_space<hbm>> -> memref<10000x128xf32, #tpu.memory_space<hbm>>
      tpu.wait_indirect_dma semaphore(%arg12 : memref<!tpu.dma_semaphore, #tpu.memory_space<semaphore_mem>>) src(%dma_wait3A_143 : memref<10000x128xf32, #tpu.memory_space<hbm>>) dst(%dma_wait3A_137 : memref<64x128xf32, #tpu.memory_space<vmem>>)
      %dma_wait3A_144 = arith.constant 64 : i32
      %dma_wait3A_145 = arith.constant 0 : i32
      %dma_wait3A_146 = tpu.memref_slice %arg9[%dma_wait3A_144, %dma_wait3A_145] : memref<125x128xf32, #tpu.memory_space<vmem>> -> memref<61x128xf32, #tpu.memory_space<vmem>>
      %dma_wait3A_147 = arith.constant 64 : i32
      %dma_wait3A_148 = tpu.memref_slice %arg7[%add3A_135, %dma_wait3A_147] : memref<40x125xi32, #tpu.memory_space<vmem>> -> memref<1x61xi32, #tpu.memory_space<vmem>>
      %dma_wait3A_149 = tpu.memref_squeeze %dma_wait3A_148 : memref<1x61xi32, #tpu.memory_space<vmem>> -> memref<61xi32, #tpu.memory_space<vmem>>
      %dma_wait3A_150 = arith.constant 0 : i32
      %dma_wait3A_151 = arith.constant 0 : i32
      %dma_wait3A_152 = tpu.memref_slice %arg2[%dma_wait3A_150, %dma_wait3A_151] : memref<10000x128xf32, #tpu.memory_space<hbm>> -> memref<10000x128xf32, #tpu.memory_space<hbm>>
      tpu.wait_indirect_dma semaphore(%arg13 : memref<!tpu.dma_semaphore, #tpu.memory_space<semaphore_mem>>) src(%dma_wait3A_152 : memref<10000x128xf32, #tpu.memory_space<hbm>>) dst(%dma_wait3A_146 : memref<61x128xf32, #tpu.memory_space<vmem>>)
      %dma_start3A_153 = arith.constant 0 : i32
      %dma_start3A_154 = arith.constant 0 : i32
      %dma_start3A_155 = tpu.memref_slice %arg9[%dma_start3A_153, %dma_start3A_154] : memref<125x128xf32, #tpu.memory_space<vmem>> -> memref<64x128xf32, #tpu.memory_space<vmem>>
      %dma_start3A_156 = arith.constant 0 : i32
      %dma_start3A_157 = tpu.memref_slice %arg8[%add3A_135, %dma_start3A_156] : memref<40x125xi32, #tpu.memory_space<vmem>> -> memref<1x64xi32, #tpu.memory_space<vmem>>
      %dma_start3A_158 = tpu.memref_squeeze %dma_start3A_157 : memref<1x64xi32, #tpu.memory_space<vmem>> -> memref<64xi32, #tpu.memory_space<vmem>>
      %dma_start3A_159 = arith.constant 0 : i32
      %dma_start3A_160 = arith.constant 0 : i32
      %dma_start3A_161 = tpu.memref_slice %arg11[%dma_start3A_159, %dma_start3A_160] : memref<10000x128xf32, #tpu.memory_space<vmem_shared>> -> memref<10000x128xf32, #tpu.memory_space<vmem_shared>>
      tpu.enqueue_indirect_dma source(%dma_start3A_155 : memref<64x128xf32, #tpu.memory_space<vmem>>) target(%dma_start3A_161 : memref<10000x128xf32, #tpu.memory_space<vmem_shared>>) offsets(%dma_start3A_158 : memref<64xi32, #tpu.memory_space<vmem>>) semaphore(%arg16 : memref<!tpu.dma_semaphore, #tpu.memory_space<semaphore_mem>>) {add = true}
      %dma_start3A_162 = arith.constant 64 : i32
      %dma_start3A_163 = arith.constant 0 : i32
      %dma_start3A_164 = tpu.memref_slice %arg9[%dma_start3A_162, %dma_start3A_163] : memref<125x128xf32, #tpu.memory_space<vmem>> -> memref<61x128xf32, #tpu.memory_space<vmem>>
      %dma_start3A_165 = arith.constant 64 : i32
      %dma_start3A_166 = tpu.memref_slice %arg8[%add3A_135, %dma_start3A_165] : memref<40x125xi32, #tpu.memory_space<vmem>> -> memref<1x61xi32, #tpu.memory_space<vmem>>
      %dma_start3A_167 = tpu.memref_squeeze %dma_start3A_166 : memref<1x61xi32, #tpu.memory_space<vmem>> -> memref<61xi32, #tpu.memory_space<vmem>>
      %dma_start3A_168 = arith.constant 0 : i32
      %dma_start3A_169 = arith.constant 0 : i32
      %dma_start3A_170 = tpu.memref_slice %arg11[%dma_start3A_168, %dma_start3A_169] : memref<10000x128xf32, #tpu.memory_space<vmem_shared>> -> memref<10000x128xf32, #tpu.memory_space<vmem_shared>>
      tpu.enqueue_indirect_dma source(%dma_start3A_164 : memref<61x128xf32, #tpu.memory_space<vmem>>) target(%dma_start3A_170 : memref<10000x128xf32, #tpu.memory_space<vmem_shared>>) offsets(%dma_start3A_167 : memref<61xi32, #tpu.memory_space<vmem>>) semaphore(%arg17 : memref<!tpu.dma_semaphore, #tpu.memory_space<semaphore_mem>>) {add = true}
      %add3A_171 = arith.constant 1 : i32
      %add3A_172 = arith.addi %add3A_135, %add3A_171 : i32
      %dma_wait3A_173 = arith.constant 0 : i32
      %dma_wait3A_174 = arith.constant 0 : i32
      %dma_wait3A_175 = tpu.memref_slice %arg10[%dma_wait3A_173, %dma_wait3A_174] : memref<125x128xf32, #tpu.memory_space<vmem>> -> memref<64x128xf32, #tpu.memory_space<vmem>>
      %dma_wait3A_176 = arith.constant 0 : i32
      %dma_wait3A_177 = tpu.memref_slice %arg7[%add3A_172, %dma_wait3A_176] : memref<40x125xi32, #tpu.memory_space<vmem>> -> memref<1x64xi32, #tpu.memory_space<vmem>>
      %dma_wait3A_178 = tpu.memref_squeeze %dma_wait3A_177 : memref<1x64xi32, #tpu.memory_space<vmem>> -> memref<64xi32, #tpu.memory_space<vmem>>
      %dma_wait3A_179 = arith.constant 0 : i32
      %dma_wait3A_180 = arith.constant 0 : i32
      %dma_wait3A_181 = tpu.memref_slice %arg2[%dma_wait3A_179, %dma_wait3A_180] : memref<10000x128xf32, #tpu.memory_space<hbm>> -> memref<10000x128xf32, #tpu.memory_space<hbm>>
      tpu.wait_indirect_dma semaphore(%arg14 : memref<!tpu.dma_semaphore, #tpu.memory_space<semaphore_mem>>) src(%dma_wait3A_181 : memref<10000x128xf32, #tpu.memory_space<hbm>>) dst(%dma_wait3A_175 : memref<64x128xf32, #tpu.memory_space<vmem>>)
      %dma_wait3A_182 = arith.constant 64 : i32
      %dma_wait3A_183 = arith.constant 0 : i32
      %dma_wait3A_184 = tpu.memref_slice %arg10[%dma_wait3A_182, %dma_wait3A_183] : memref<125x128xf32, #tpu.memory_space<vmem>> -> memref<61x128xf32, #tpu.memory_space<vmem>>
      %dma_wait3A_185 = arith.constant 64 : i32
      %dma_wait3A_186 = tpu.memref_slice %arg7[%add3A_172, %dma_wait3A_185] : memref<40x125xi32, #tpu.memory_space<vmem>> -> memref<1x61xi32, #tpu.memory_space<vmem>>
      %dma_wait3A_187 = tpu.memref_squeeze %dma_wait3A_186 : memref<1x61xi32, #tpu.memory_space<vmem>> -> memref<61xi32, #tpu.memory_space<vmem>>
      %dma_wait3A_188 = arith.constant 0 : i32
      %dma_wait3A_189 = arith.constant 0 : i32
      %dma_wait3A_190 = tpu.memref_slice %arg2[%dma_wait3A_188, %dma_wait3A_189] : memref<10000x128xf32, #tpu.memory_space<hbm>> -> memref<10000x128xf32, #tpu.memory_space<hbm>>
      tpu.wait_indirect_dma semaphore(%arg15 : memref<!tpu.dma_semaphore, #tpu.memory_space<semaphore_mem>>) src(%dma_wait3A_190 : memref<10000x128xf32, #tpu.memory_space<hbm>>) dst(%dma_wait3A_184 : memref<61x128xf32, #tpu.memory_space<vmem>>)
      %add3A_191 = arith.constant 1 : i32
      %add3A_192 = arith.addi %add3A_135, %add3A_191 : i32
      %dma_start3A_193 = arith.constant 0 : i32
      %dma_start3A_194 = arith.constant 0 : i32
      %dma_start3A_195 = tpu.memref_slice %arg10[%dma_start3A_193, %dma_start3A_194] : memref<125x128xf32, #tpu.memory_space<vmem>> -> memref<64x128xf32, #tpu.memory_space<vmem>>
      %dma_start3A_196 = arith.constant 0 : i32
      %dma_start3A_197 = tpu.memref_slice %arg8[%add3A_192, %dma_start3A_196] : memref<40x125xi32, #tpu.memory_space<vmem>> -> memref<1x64xi32, #tpu.memory_space<vmem>>
      %dma_start3A_198 = tpu.memref_squeeze %dma_start3A_197 : memref<1x64xi32, #tpu.memory_space<vmem>> -> memref<64xi32, #tpu.memory_space<vmem>>
      %dma_start3A_199 = arith.constant 0 : i32
      %dma_start3A_200 = arith.constant 0 : i32
      %dma_start3A_201 = tpu.memref_slice %arg11[%dma_start3A_199, %dma_start3A_200] : memref<10000x128xf32, #tpu.memory_space<vmem_shared>> -> memref<10000x128xf32, #tpu.memory_space<vmem_shared>>
      tpu.enqueue_indirect_dma source(%dma_start3A_195 : memref<64x128xf32, #tpu.memory_space<vmem>>) target(%dma_start3A_201 : memref<10000x128xf32, #tpu.memory_space<vmem_shared>>) offsets(%dma_start3A_198 : memref<64xi32, #tpu.memory_space<vmem>>) semaphore(%arg18 : memref<!tpu.dma_semaphore, #tpu.memory_space<semaphore_mem>>) {add = true}
      %dma_start3A_202 = arith.constant 64 : i32
      %dma_start3A_203 = arith.constant 0 : i32
      %dma_start3A_204 = tpu.memref_slice %arg10[%dma_start3A_202, %dma_start3A_203] : memref<125x128xf32, #tpu.memory_space<vmem>> -> memref<61x128xf32, #tpu.memory_space<vmem>>
      %dma_start3A_205 = arith.constant 64 : i32
      %dma_start3A_206 = tpu.memref_slice %arg8[%add3A_192, %dma_start3A_205] : memref<40x125xi32, #tpu.memory_space<vmem>> -> memref<1x61xi32, #tpu.memory_space<vmem>>
      %dma_start3A_207 = tpu.memref_squeeze %dma_start3A_206 : memref<1x61xi32, #tpu.memory_space<vmem>> -> memref<61xi32, #tpu.memory_space<vmem>>
      %dma_start3A_208 = arith.constant 0 : i32
      %dma_start3A_209 = arith.constant 0 : i32
      %dma_start3A_210 = tpu.memref_slice %arg11[%dma_start3A_208, %dma_start3A_209] : memref<10000x128xf32, #tpu.memory_space<vmem_shared>> -> memref<10000x128xf32, #tpu.memory_space<vmem_shared>>
      tpu.enqueue_indirect_dma source(%dma_start3A_204 : memref<61x128xf32, #tpu.memory_space<vmem>>) target(%dma_start3A_210 : memref<10000x128xf32, #tpu.memory_space<vmem_shared>>) offsets(%dma_start3A_207 : memref<61xi32, #tpu.memory_space<vmem>>) semaphore(%arg19 : memref<!tpu.dma_semaphore, #tpu.memory_space<semaphore_mem>>) {add = true}
      %dma_wait3A_211 = arith.constant 0 : i32
      %dma_wait3A_212 = arith.constant 0 : i32
      %dma_wait3A_213 = tpu.memref_slice %arg9[%dma_wait3A_211, %dma_wait3A_212] : memref<125x128xf32, #tpu.memory_space<vmem>> -> memref<64x128xf32, #tpu.memory_space<vmem>>
      %dma_wait3A_214 = arith.constant 0 : i32
      %dma_wait3A_215 = tpu.memref_slice %arg8[%add3A_135, %dma_wait3A_214] : memref<40x125xi32, #tpu.memory_space<vmem>> -> memref<1x64xi32, #tpu.memory_space<vmem>>
      %dma_wait3A_216 = tpu.memref_squeeze %dma_wait3A_215 : memref<1x64xi32, #tpu.memory_space<vmem>> -> memref<64xi32, #tpu.memory_space<vmem>>
      %dma_wait3A_217 = arith.constant 0 : i32
      %dma_wait3A_218 = arith.constant 0 : i32
      %dma_wait3A_219 = tpu.memref_slice %arg11[%dma_wait3A_217, %dma_wait3A_218] : memref<10000x128xf32, #tpu.memory_space<vmem_shared>> -> memref<10000x128xf32, #tpu.memory_space<vmem_shared>>
      tpu.wait_indirect_dma semaphore(%arg16 : memref<!tpu.dma_semaphore, #tpu.memory_space<semaphore_mem>>) src(%dma_wait3A_213 : memref<64x128xf32, #tpu.memory_space<vmem>>) dst(%dma_wait3A_219 : memref<10000x128xf32, #tpu.memory_space<vmem_shared>>)
      %dma_wait3A_220 = arith.constant 64 : i32
      %dma_wait3A_221 = arith.constant 0 : i32
      %dma_wait3A_222 = tpu.memref_slice %arg9[%dma_wait3A_220, %dma_wait3A_221] : memref<125x128xf32, #tpu.memory_space<vmem>> -> memref<61x128xf32, #tpu.memory_space<vmem>>
      %dma_wait3A_223 = arith.constant 64 : i32
      %dma_wait3A_224 = tpu.memref_slice %arg8[%add3A_135, %dma_wait3A_223] : memref<40x125xi32, #tpu.memory_space<vmem>> -> memref<1x61xi32, #tpu.memory_space<vmem>>
      %dma_wait3A_225 = tpu.memref_squeeze %dma_wait3A_224 : memref<1x61xi32, #tpu.memory_space<vmem>> -> memref<61xi32, #tpu.memory_space<vmem>>
      %dma_wait3A_226 = arith.constant 0 : i32
      %dma_wait3A_227 = arith.constant 0 : i32
      %dma_wait3A_228 = tpu.memref_slice %arg11[%dma_wait3A_226, %dma_wait3A_227] : memref<10000x128xf32, #tpu.memory_space<vmem_shared>> -> memref<10000x128xf32, #tpu.memory_space<vmem_shared>>
      tpu.wait_indirect_dma semaphore(%arg17 : memref<!tpu.dma_semaphore, #tpu.memory_space<semaphore_mem>>) src(%dma_wait3A_222 : memref<61x128xf32, #tpu.memory_space<vmem>>) dst(%dma_wait3A_228 : memref<10000x128xf32, #tpu.memory_space<vmem_shared>>)
      %add3A_229 = arith.constant 2 : i32
      %add3A_230 = arith.addi %add3A_135, %add3A_229 : i32
      %lt3A_231 = arith.constant 40 : i32
      %lt3A_232 = arith.cmpi slt, %add3A_230, %lt3A_231 : i32
      %convert_element_type3A_233 = arith.extui %lt3A_232 : i1 to i32
      %cond3A_234 = arith.constant 0 : i32
      %cond3A_235 = arith.cmpi ne, %convert_element_type3A_233, %cond3A_234 : i32
      scf.if %cond3A_235 {
        %add3A_263 = arith.constant 2 : i32
        %add3A_264 = arith.addi %add3A_135, %add3A_263 : i32
        %dma_start3A_265 = arith.constant 0 : i32
        %dma_start3A_266 = arith.constant 0 : i32
        %dma_start3A_267 = tpu.memref_slice %arg9[%dma_start3A_265, %dma_start3A_266] : memref<125x128xf32, #tpu.memory_space<vmem>> -> memref<64x128xf32, #tpu.memory_space<vmem>>
        %dma_start3A_268 = arith.constant 0 : i32
        %dma_start3A_269 = tpu.memref_slice %arg7[%add3A_264, %dma_start3A_268] : memref<40x125xi32, #tpu.memory_space<vmem>> -> memref<1x64xi32, #tpu.memory_space<vmem>>
        %dma_start3A_270 = tpu.memref_squeeze %dma_start3A_269 : memref<1x64xi32, #tpu.memory_space<vmem>> -> memref<64xi32, #tpu.memory_space<vmem>>
        %dma_start3A_271 = arith.constant 0 : i32
        %dma_start3A_272 = arith.constant 0 : i32
        %dma_start3A_273 = tpu.memref_slice %arg2[%dma_start3A_271, %dma_start3A_272] : memref<10000x128xf32, #tpu.memory_space<hbm>> -> memref<10000x128xf32, #tpu.memory_space<hbm>>
        tpu.enqueue_indirect_dma source(%dma_start3A_273 : memref<10000x128xf32, #tpu.memory_space<hbm>>) target(%dma_start3A_267 : memref<64x128xf32, #tpu.memory_space<vmem>>) offsets(%dma_start3A_270 : memref<64xi32, #tpu.memory_space<vmem>>) semaphore(%arg12 : memref<!tpu.dma_semaphore, #tpu.memory_space<semaphore_mem>>)
        %dma_start3A_274 = arith.constant 64 : i32
        %dma_start3A_275 = arith.constant 0 : i32
        %dma_start3A_276 = tpu.memref_slice %arg9[%dma_start3A_274, %dma_start3A_275] : memref<125x128xf32, #tpu.memory_space<vmem>> -> memref<61x128xf32, #tpu.memory_space<vmem>>
        %dma_start3A_277 = arith.constant 64 : i32
        %dma_start3A_278 = tpu.memref_slice %arg7[%add3A_264, %dma_start3A_277] : memref<40x125xi32, #tpu.memory_space<vmem>> -> memref<1x61xi32, #tpu.memory_space<vmem>>
        %dma_start3A_279 = tpu.memref_squeeze %dma_start3A_278 : memref<1x61xi32, #tpu.memory_space<vmem>> -> memref<61xi32, #tpu.memory_space<vmem>>
        %dma_start3A_280 = arith.constant 0 : i32
        %dma_start3A_281 = arith.constant 0 : i32
        %dma_start3A_282 = tpu.memref_slice %arg2[%dma_start3A_280, %dma_start3A_281] : memref<10000x128xf32, #tpu.memory_space<hbm>> -> memref<10000x128xf32, #tpu.memory_space<hbm>>
        tpu.enqueue_indirect_dma source(%dma_start3A_282 : memref<10000x128xf32, #tpu.memory_space<hbm>>) target(%dma_start3A_276 : memref<61x128xf32, #tpu.memory_space<vmem>>) offsets(%dma_start3A_279 : memref<61xi32, #tpu.memory_space<vmem>>) semaphore(%arg13 : memref<!tpu.dma_semaphore, #tpu.memory_space<semaphore_mem>>)
      } else {
      }
      %add3A_236 = arith.constant 1 : i32
      %add3A_237 = arith.addi %add3A_135, %add3A_236 : i32
      %dma_wait3A_238 = arith.constant 0 : i32
      %dma_wait3A_239 = arith.constant 0 : i32
      %dma_wait3A_240 = tpu.memref_slice %arg10[%dma_wait3A_238, %dma_wait3A_239] : memref<125x128xf32, #tpu.memory_space<vmem>> -> memref<64x128xf32, #tpu.memory_space<vmem>>
      %dma_wait3A_241 = arith.constant 0 : i32
      %dma_wait3A_242 = tpu.memref_slice %arg8[%add3A_237, %dma_wait3A_241] : memref<40x125xi32, #tpu.memory_space<vmem>> -> memref<1x64xi32, #tpu.memory_space<vmem>>
      %dma_wait3A_243 = tpu.memref_squeeze %dma_wait3A_242 : memref<1x64xi32, #tpu.memory_space<vmem>> -> memref<64xi32, #tpu.memory_space<vmem>>
      %dma_wait3A_244 = arith.constant 0 : i32
      %dma_wait3A_245 = arith.constant 0 : i32
      %dma_wait3A_246 = tpu.memref_slice %arg11[%dma_wait3A_244, %dma_wait3A_245] : memref<10000x128xf32, #tpu.memory_space<vmem_shared>> -> memref<10000x128xf32, #tpu.memory_space<vmem_shared>>
      tpu.wait_indirect_dma semaphore(%arg18 : memref<!tpu.dma_semaphore, #tpu.memory_space<semaphore_mem>>) src(%dma_wait3A_240 : memref<64x128xf32, #tpu.memory_space<vmem>>) dst(%dma_wait3A_246 : memref<10000x128xf32, #tpu.memory_space<vmem_shared>>)
      %dma_wait3A_247 = arith.constant 64 : i32
      %dma_wait3A_248 = arith.constant 0 : i32
      %dma_wait3A_249 = tpu.memref_slice %arg10[%dma_wait3A_247, %dma_wait3A_248] : memref<125x128xf32, #tpu.memory_space<vmem>> -> memref<61x128xf32, #tpu.memory_space<vmem>>
      %dma_wait3A_250 = arith.constant 64 : i32
      %dma_wait3A_251 = tpu.memref_slice %arg8[%add3A_237, %dma_wait3A_250] : memref<40x125xi32, #tpu.memory_space<vmem>> -> memref<1x61xi32, #tpu.memory_space<vmem>>
      %dma_wait3A_252 = tpu.memref_squeeze %dma_wait3A_251 : memref<1x61xi32, #tpu.memory_space<vmem>> -> memref<61xi32, #tpu.memory_space<vmem>>
      %dma_wait3A_253 = arith.constant 0 : i32
      %dma_wait3A_254 = arith.constant 0 : i32
      %dma_wait3A_255 = tpu.memref_slice %arg11[%dma_wait3A_253, %dma_wait3A_254] : memref<10000x128xf32, #tpu.memory_space<vmem_shared>> -> memref<10000x128xf32, #tpu.memory_space<vmem_shared>>
      tpu.wait_indirect_dma semaphore(%arg19 : memref<!tpu.dma_semaphore, #tpu.memory_space<semaphore_mem>>) src(%dma_wait3A_249 : memref<61x128xf32, #tpu.memory_space<vmem>>) dst(%dma_wait3A_255 : memref<10000x128xf32, #tpu.memory_space<vmem_shared>>)
      %add3A_256 = arith.constant 3 : i32
      %add3A_257 = arith.addi %add3A_135, %add3A_256 : i32
      %lt3A_258 = arith.constant 40 : i32
      %lt3A_259 = arith.cmpi slt, %add3A_257, %lt3A_258 : i32
      %convert_element_type3A_260 = arith.extui %lt3A_259 : i1 to i32
      %cond3A_261 = arith.constant 0 : i32
      %cond3A_262 = arith.cmpi ne, %convert_element_type3A_260, %cond3A_261 : i32
      scf.if %cond3A_262 {
        %add3A_263 = arith.constant 3 : i32
        %add3A_264 = arith.addi %add3A_135, %add3A_263 : i32
        %dma_start3A_265 = arith.constant 0 : i32
        %dma_start3A_266 = arith.constant 0 : i32
        %dma_start3A_267 = tpu.memref_slice %arg10[%dma_start3A_265, %dma_start3A_266] : memref<125x128xf32, #tpu.memory_space<vmem>> -> memref<64x128xf32, #tpu.memory_space<vmem>>
        %dma_start3A_268 = arith.constant 0 : i32
        %dma_start3A_269 = tpu.memref_slice %arg7[%add3A_264, %dma_start3A_268] : memref<40x125xi32, #tpu.memory_space<vmem>> -> memref<1x64xi32, #tpu.memory_space<vmem>>
        %dma_start3A_270 = tpu.memref_squeeze %dma_start3A_269 : memref<1x64xi32, #tpu.memory_space<vmem>> -> memref<64xi32, #tpu.memory_space<vmem>>
        %dma_start3A_271 = arith.constant 0 : i32
        %dma_start3A_272 = arith.constant 0 : i32
        %dma_start3A_273 = tpu.memref_slice %arg2[%dma_start3A_271, %dma_start3A_272] : memref<10000x128xf32, #tpu.memory_space<hbm>> -> memref<10000x128xf32, #tpu.memory_space<hbm>>
        tpu.enqueue_indirect_dma source(%dma_start3A_273 : memref<10000x128xf32, #tpu.memory_space<hbm>>) target(%dma_start3A_267 : memref<64x128xf32, #tpu.memory_space<vmem>>) offsets(%dma_start3A_270 : memref<64xi32, #tpu.memory_space<vmem>>) semaphore(%arg14 : memref<!tpu.dma_semaphore, #tpu.memory_space<semaphore_mem>>)
        %dma_start3A_274 = arith.constant 64 : i32
        %dma_start3A_275 = arith.constant 0 : i32
        %dma_start3A_276 = tpu.memref_slice %arg10[%dma_start3A_274, %dma_start3A_275] : memref<125x128xf32, #tpu.memory_space<vmem>> -> memref<61x128xf32, #tpu.memory_space<vmem>>
        %dma_start3A_277 = arith.constant 64 : i32
        %dma_start3A_278 = tpu.memref_slice %arg7[%add3A_264, %dma_start3A_277] : memref<40x125xi32, #tpu.memory_space<vmem>> -> memref<1x61xi32, #tpu.memory_space<vmem>>
        %dma_start3A_279 = tpu.memref_squeeze %dma_start3A_278 : memref<1x61xi32, #tpu.memory_space<vmem>> -> memref<61xi32, #tpu.memory_space<vmem>>
        %dma_start3A_280 = arith.constant 0 : i32
        %dma_start3A_281 = arith.constant 0 : i32
        %dma_start3A_282 = tpu.memref_slice %arg2[%dma_start3A_280, %dma_start3A_281] : memref<10000x128xf32, #tpu.memory_space<hbm>> -> memref<10000x128xf32, #tpu.memory_space<hbm>>
        tpu.enqueue_indirect_dma source(%dma_start3A_282 : memref<10000x128xf32, #tpu.memory_space<hbm>>) target(%dma_start3A_276 : memref<61x128xf32, #tpu.memory_space<vmem>>) offsets(%dma_start3A_279 : memref<61xi32, #tpu.memory_space<vmem>>) semaphore(%arg15 : memref<!tpu.dma_semaphore, #tpu.memory_space<semaphore_mem>>)
      } else {
      }
    }
    %scan3A_72 = arith.constant 20 : i32
    %run_scoped3A_73 = arith.constant 1 : i32
    "tpu.region"() ({
      %run_scoped3A_131 = tpu.sem_alloc : memref<!tpu.dma_semaphore, #tpu.memory_space<semaphore_mem>>
      %dma_start3A_132 = arith.constant 0 : i32
      %dma_start3A_133 = arith.constant 0 : i32
      %dma_start3A_134 = tpu.memref_slice %arg4[%add3A, %run_scoped3A_73, %dma_start3A_132, %dma_start3A_133] : memref<32x2x40x125xi32, #tpu.memory_space<hbm>> -> memref<1x1x40x125xi32, #tpu.memory_space<hbm>>
      %dma_start3A_135 = tpu.memref_squeeze %dma_start3A_134 : memref<1x1x40x125xi32, #tpu.memory_space<hbm>> -> memref<40x125xi32, #tpu.memory_space<hbm>>
      %dma_start3A_136 = arith.constant 0 : i32
      %dma_start3A_137 = arith.constant 0 : i32
      %dma_start3A_138 = tpu.memref_slice %arg4[%add3A, %run_scoped3A_73, %dma_start3A_136, %dma_start3A_137] : memref<32x2x40x125xi32, #tpu.memory_space<hbm>> -> memref<1x1x40x125xi32, #tpu.memory_space<hbm>>
      %dma_start3A_139 = tpu.memref_squeeze %dma_start3A_138 : memref<1x1x40x125xi32, #tpu.memory_space<hbm>> -> memref<40x125xi32, #tpu.memory_space<hbm>>
      tpu.enqueue_dma source(%dma_start3A_139 : memref<40x125xi32, #tpu.memory_space<hbm>>) target(%arg7 : memref<40x125xi32, #tpu.memory_space<vmem>>) target_semaphore(%run_scoped3A_131 : memref<!tpu.dma_semaphore, #tpu.memory_space<semaphore_mem>>)
      %dma_wait3A = arith.constant 0 : i32
      %dma_wait3A_140 = arith.constant 0 : i32
      %dma_wait3A_141 = tpu.memref_slice %arg4[%add3A, %run_scoped3A_73, %dma_wait3A, %dma_wait3A_140] : memref<32x2x40x125xi32, #tpu.memory_space<hbm>> -> memref<1x1x40x125xi32, #tpu.memory_space<hbm>>
      %dma_wait3A_142 = tpu.memref_squeeze %dma_wait3A_141 : memref<1x1x40x125xi32, #tpu.memory_space<hbm>> -> memref<40x125xi32, #tpu.memory_space<hbm>>
      %dma_wait3A_143 = arith.constant 0 : i32
      %dma_wait3A_144 = arith.constant 0 : i32
      %dma_wait3A_145 = tpu.memref_slice %arg4[%add3A, %run_scoped3A_73, %dma_wait3A_143, %dma_wait3A_144] : memref<32x2x40x125xi32, #tpu.memory_space<hbm>> -> memref<1x1x40x125xi32, #tpu.memory_space<hbm>>
      %dma_wait3A_146 = tpu.memref_squeeze %dma_wait3A_145 : memref<1x1x40x125xi32, #tpu.memory_space<hbm>> -> memref<40x125xi32, #tpu.memory_space<hbm>>
      tpu.wait_dma2 semaphore(%run_scoped3A_131 : memref<!tpu.dma_semaphore, #tpu.memory_space<semaphore_mem>>) src(%dma_wait3A_146 : memref<40x125xi32, #tpu.memory_space<hbm>>) dst(%arg7 : memref<40x125xi32, #tpu.memory_space<vmem>>)
      tpu.yield
    }) : () -> ()
    %run_scoped3A_74 = arith.constant 1 : i32
    "tpu.region"() ({
      %run_scoped3A_131 = tpu.sem_alloc : memref<!tpu.dma_semaphore, #tpu.memory_space<semaphore_mem>>
      %dma_start3A_132 = arith.constant 0 : i32
      %dma_start3A_133 = arith.constant 0 : i32
      %dma_start3A_134 = tpu.memref_slice %arg5[%add3A, %run_scoped3A_74, %dma_start3A_132, %dma_start3A_133] : memref<32x2x40x125xi32, #tpu.memory_space<hbm>> -> memref<1x1x40x125xi32, #tpu.memory_space<hbm>>
      %dma_start3A_135 = tpu.memref_squeeze %dma_start3A_134 : memref<1x1x40x125xi32, #tpu.memory_space<hbm>> -> memref<40x125xi32, #tpu.memory_space<hbm>>
      %dma_start3A_136 = arith.constant 0 : i32
      %dma_start3A_137 = arith.constant 0 : i32
      %dma_start3A_138 = tpu.memref_slice %arg5[%add3A, %run_scoped3A_74, %dma_start3A_136, %dma_start3A_137] : memref<32x2x40x125xi32, #tpu.memory_space<hbm>> -> memref<1x1x40x125xi32, #tpu.memory_space<hbm>>
      %dma_start3A_139 = tpu.memref_squeeze %dma_start3A_138 : memref<1x1x40x125xi32, #tpu.memory_space<hbm>> -> memref<40x125xi32, #tpu.memory_space<hbm>>
      tpu.enqueue_dma source(%dma_start3A_139 : memref<40x125xi32, #tpu.memory_space<hbm>>) target(%arg8 : memref<40x125xi32, #tpu.memory_space<vmem>>) target_semaphore(%run_scoped3A_131 : memref<!tpu.dma_semaphore, #tpu.memory_space<semaphore_mem>>)
      %dma_wait3A = arith.constant 0 : i32
      %dma_wait3A_140 = arith.constant 0 : i32
      %dma_wait3A_141 = tpu.memref_slice %arg5[%add3A, %run_scoped3A_74, %dma_wait3A, %dma_wait3A_140] : memref<32x2x40x125xi32, #tpu.memory_space<hbm>> -> memref<1x1x40x125xi32, #tpu.memory_space<hbm>>
      %dma_wait3A_142 = tpu.memref_squeeze %dma_wait3A_141 : memref<1x1x40x125xi32, #tpu.memory_space<hbm>> -> memref<40x125xi32, #tpu.memory_space<hbm>>
      %dma_wait3A_143 = arith.constant 0 : i32
      %dma_wait3A_144 = arith.constant 0 : i32
      %dma_wait3A_145 = tpu.memref_slice %arg5[%add3A, %run_scoped3A_74, %dma_wait3A_143, %dma_wait3A_144] : memref<32x2x40x125xi32, #tpu.memory_space<hbm>> -> memref<1x1x40x125xi32, #tpu.memory_space<hbm>>
      %dma_wait3A_146 = tpu.memref_squeeze %dma_wait3A_145 : memref<1x1x40x125xi32, #tpu.memory_space<hbm>> -> memref<40x125xi32, #tpu.memory_space<hbm>>
      tpu.wait_dma2 semaphore(%run_scoped3A_131 : memref<!tpu.dma_semaphore, #tpu.memory_space<semaphore_mem>>) src(%dma_wait3A_146 : memref<40x125xi32, #tpu.memory_space<hbm>>) dst(%arg8 : memref<40x125xi32, #tpu.memory_space<vmem>>)
      tpu.yield
    }) : () -> ()
    %dma_start3A_75 = arith.constant 0 : i32
    %dma_start3A_76 = arith.constant 0 : i32
    %dma_start3A_77 = arith.constant 0 : i32
    %dma_start3A_78 = tpu.memref_slice %arg9[%dma_start3A_76, %dma_start3A_77] : memref<125x128xf32, #tpu.memory_space<vmem>> -> memref<64x128xf32, #tpu.memory_space<vmem>>
    %dma_start3A_79 = arith.constant 0 : i32
    %dma_start3A_80 = tpu.memref_slice %arg7[%dma_start3A_75, %dma_start3A_79] : memref<40x125xi32, #tpu.memory_space<vmem>> -> memref<1x64xi32, #tpu.memory_space<vmem>>
    %dma_start3A_81 = tpu.memref_squeeze %dma_start3A_80 : memref<1x64xi32, #tpu.memory_space<vmem>> -> memref<64xi32, #tpu.memory_space<vmem>>
    %dma_start3A_82 = arith.constant 0 : i32
    %dma_start3A_83 = arith.constant 0 : i32
    %dma_start3A_84 = tpu.memref_slice %arg2[%dma_start3A_82, %dma_start3A_83] : memref<10000x128xf32, #tpu.memory_space<hbm>> -> memref<10000x128xf32, #tpu.memory_space<hbm>>
    tpu.enqueue_indirect_dma source(%dma_start3A_84 : memref<10000x128xf32, #tpu.memory_space<hbm>>) target(%dma_start3A_78 : memref<64x128xf32, #tpu.memory_space<vmem>>) offsets(%dma_start3A_81 : memref<64xi32, #tpu.memory_space<vmem>>) semaphore(%arg12 : memref<!tpu.dma_semaphore, #tpu.memory_space<semaphore_mem>>)
    %dma_start3A_85 = arith.constant 0 : i32
    %dma_start3A_86 = arith.constant 64 : i32
    %dma_start3A_87 = arith.constant 0 : i32
    %dma_start3A_88 = tpu.memref_slice %arg9[%dma_start3A_86, %dma_start3A_87] : memref<125x128xf32, #tpu.memory_space<vmem>> -> memref<61x128xf32, #tpu.memory_space<vmem>>
    %dma_start3A_89 = arith.constant 64 : i32
    %dma_start3A_90 = tpu.memref_slice %arg7[%dma_start3A_85, %dma_start3A_89] : memref<40x125xi32, #tpu.memory_space<vmem>> -> memref<1x61xi32, #tpu.memory_space<vmem>>
    %dma_start3A_91 = tpu.memref_squeeze %dma_start3A_90 : memref<1x61xi32, #tpu.memory_space<vmem>> -> memref<61xi32, #tpu.memory_space<vmem>>
    %dma_start3A_92 = arith.constant 0 : i32
    %dma_start3A_93 = arith.constant 0 : i32
    %dma_start3A_94 = tpu.memref_slice %arg2[%dma_start3A_92, %dma_start3A_93] : memref<10000x128xf32, #tpu.memory_space<hbm>> -> memref<10000x128xf32, #tpu.memory_space<hbm>>
    tpu.enqueue_indirect_dma source(%dma_start3A_94 : memref<10000x128xf32, #tpu.memory_space<hbm>>) target(%dma_start3A_88 : memref<61x128xf32, #tpu.memory_space<vmem>>) offsets(%dma_start3A_91 : memref<61xi32, #tpu.memory_space<vmem>>) semaphore(%arg13 : memref<!tpu.dma_semaphore, #tpu.memory_space<semaphore_mem>>)
    %dma_start3A_95 = arith.constant 1 : i32
    %dma_start3A_96 = arith.constant 0 : i32
    %dma_start3A_97 = arith.constant 0 : i32
    %dma_start3A_98 = tpu.memref_slice %arg10[%dma_start3A_96, %dma_start3A_97] : memref<125x128xf32, #tpu.memory_space<vmem>> -> memref<64x128xf32, #tpu.memory_space<vmem>>
    %dma_start3A_99 = arith.constant 0 : i32
    %dma_start3A_100 = tpu.memref_slice %arg7[%dma_start3A_95, %dma_start3A_99] : memref<40x125xi32, #tpu.memory_space<vmem>> -> memref<1x64xi32, #tpu.memory_space<vmem>>
    %dma_start3A_101 = tpu.memref_squeeze %dma_start3A_100 : memref<1x64xi32, #tpu.memory_space<vmem>> -> memref<64xi32, #tpu.memory_space<vmem>>
    %dma_start3A_102 = arith.constant 0 : i32
    %dma_start3A_103 = arith.constant 0 : i32
    %dma_start3A_104 = tpu.memref_slice %arg2[%dma_start3A_102, %dma_start3A_103] : memref<10000x128xf32, #tpu.memory_space<hbm>> -> memref<10000x128xf32, #tpu.memory_space<hbm>>
    tpu.enqueue_indirect_dma source(%dma_start3A_104 : memref<10000x128xf32, #tpu.memory_space<hbm>>) target(%dma_start3A_98 : memref<64x128xf32, #tpu.memory_space<vmem>>) offsets(%dma_start3A_101 : memref<64xi32, #tpu.memory_space<vmem>>) semaphore(%arg14 : memref<!tpu.dma_semaphore, #tpu.memory_space<semaphore_mem>>)
    %dma_start3A_105 = arith.constant 1 : i32
    %dma_start3A_106 = arith.constant 64 : i32
    %dma_start3A_107 = arith.constant 0 : i32
    %dma_start3A_108 = tpu.memref_slice %arg10[%dma_start3A_106, %dma_start3A_107] : memref<125x128xf32, #tpu.memory_space<vmem>> -> memref<61x128xf32, #tpu.memory_space<vmem>>
    %dma_start3A_109 = arith.constant 64 : i32
    %dma_start3A_110 = tpu.memref_slice %arg7[%dma_start3A_105, %dma_start3A_109] : memref<40x125xi32, #tpu.memory_space<vmem>> -> memref<1x61xi32, #tpu.memory_space<vmem>>
    %dma_start3A_111 = tpu.memref_squeeze %dma_start3A_110 : memref<1x61xi32, #tpu.memory_space<vmem>> -> memref<61xi32, #tpu.memory_space<vmem>>
    %dma_start3A_112 = arith.constant 0 : i32
    %dma_start3A_113 = arith.constant 0 : i32
    %dma_start3A_114 = tpu.memref_slice %arg2[%dma_start3A_112, %dma_start3A_113] : memref<10000x128xf32, #tpu.memory_space<hbm>> -> memref<10000x128xf32, #tpu.memory_space<hbm>>
    tpu.enqueue_indirect_dma source(%dma_start3A_114 : memref<10000x128xf32, #tpu.memory_space<hbm>>) target(%dma_start3A_108 : memref<61x128xf32, #tpu.memory_space<vmem>>) offsets(%dma_start3A_111 : memref<61xi32, #tpu.memory_space<vmem>>) semaphore(%arg15 : memref<!tpu.dma_semaphore, #tpu.memory_space<semaphore_mem>>)
    %scan3A_115 = arith.constant 0 : i32
    %scan3A_116 = arith.constant 20 : i32
    %scan3A_117 = arith.addi %scan3A_115, %scan3A_116 : i32
    %scan3A_118 = arith.constant 1 : i32
    scf.for %scan3A_131 = %scan3A_115 to %scan3A_117 step %scan3A_118  : i32 {
      %mul3A_132 = arith.constant 2 : i32
      %mul3A_133 = arith.muli %scan3A_131, %mul3A_132 : i32
      %add3A_134 = arith.constant 0 : i32
      %add3A_135 = arith.addi %add3A_134, %mul3A_133 : i32
      %dma_wait3A = arith.constant 0 : i32
      %dma_wait3A_136 = arith.constant 0 : i32
      %dma_wait3A_137 = tpu.memref_slice %arg9[%dma_wait3A, %dma_wait3A_136] : memref<125x128xf32, #tpu.memory_space<vmem>> -> memref<64x128xf32, #tpu.memory_space<vmem>>
      %dma_wait3A_138 = arith.constant 0 : i32
      %dma_wait3A_139 = tpu.memref_slice %arg7[%add3A_135, %dma_wait3A_138] : memref<40x125xi32, #tpu.memory_space<vmem>> -> memref<1x64xi32, #tpu.memory_space<vmem>>
      %dma_wait3A_140 = tpu.memref_squeeze %dma_wait3A_139 : memref<1x64xi32, #tpu.memory_space<vmem>> -> memref<64xi32, #tpu.memory_space<vmem>>
      %dma_wait3A_141 = arith.constant 0 : i32
      %dma_wait3A_142 = arith.constant 0 : i32
      %dma_wait3A_143 = tpu.memref_slice %arg2[%dma_wait3A_141, %dma_wait3A_142] : memref<10000x128xf32, #tpu.memory_space<hbm>> -> memref<10000x128xf32, #tpu.memory_space<hbm>>
      tpu.wait_indirect_dma semaphore(%arg12 : memref<!tpu.dma_semaphore, #tpu.memory_space<semaphore_mem>>) src(%dma_wait3A_143 : memref<10000x128xf32, #tpu.memory_space<hbm>>) dst(%dma_wait3A_137 : memref<64x128xf32, #tpu.memory_space<vmem>>)
      %dma_wait3A_144 = arith.constant 64 : i32
      %dma_wait3A_145 = arith.constant 0 : i32
      %dma_wait3A_146 = tpu.memref_slice %arg9[%dma_wait3A_144, %dma_wait3A_145] : memref<125x128xf32, #tpu.memory_space<vmem>> -> memref<61x128xf32, #tpu.memory_space<vmem>>
      %dma_wait3A_147 = arith.constant 64 : i32
      %dma_wait3A_148 = tpu.memref_slice %arg7[%add3A_135, %dma_wait3A_147] : memref<40x125xi32, #tpu.memory_space<vmem>> -> memref<1x61xi32, #tpu.memory_space<vmem>>
      %dma_wait3A_149 = tpu.memref_squeeze %dma_wait3A_148 : memref<1x61xi32, #tpu.memory_space<vmem>> -> memref<61xi32, #tpu.memory_space<vmem>>
      %dma_wait3A_150 = arith.constant 0 : i32
      %dma_wait3A_151 = arith.constant 0 : i32
      %dma_wait3A_152 = tpu.memref_slice %arg2[%dma_wait3A_150, %dma_wait3A_151] : memref<10000x128xf32, #tpu.memory_space<hbm>> -> memref<10000x128xf32, #tpu.memory_space<hbm>>
      tpu.wait_indirect_dma semaphore(%arg13 : memref<!tpu.dma_semaphore, #tpu.memory_space<semaphore_mem>>) src(%dma_wait3A_152 : memref<10000x128xf32, #tpu.memory_space<hbm>>) dst(%dma_wait3A_146 : memref<61x128xf32, #tpu.memory_space<vmem>>)
      %dma_start3A_153 = arith.constant 0 : i32
      %dma_start3A_154 = arith.constant 0 : i32
      %dma_start3A_155 = tpu.memref_slice %arg9[%dma_start3A_153, %dma_start3A_154] : memref<125x128xf32, #tpu.memory_space<vmem>> -> memref<64x128xf32, #tpu.memory_space<vmem>>
      %dma_start3A_156 = arith.constant 0 : i32
      %dma_start3A_157 = tpu.memref_slice %arg8[%add3A_135, %dma_start3A_156] : memref<40x125xi32, #tpu.memory_space<vmem>> -> memref<1x64xi32, #tpu.memory_space<vmem>>
      %dma_start3A_158 = tpu.memref_squeeze %dma_start3A_157 : memref<1x64xi32, #tpu.memory_space<vmem>> -> memref<64xi32, #tpu.memory_space<vmem>>
      %dma_start3A_159 = arith.constant 0 : i32
      %dma_start3A_160 = arith.constant 0 : i32
      %dma_start3A_161 = tpu.memref_slice %arg11[%dma_start3A_159, %dma_start3A_160] : memref<10000x128xf32, #tpu.memory_space<vmem_shared>> -> memref<10000x128xf32, #tpu.memory_space<vmem_shared>>
      tpu.enqueue_indirect_dma source(%dma_start3A_155 : memref<64x128xf32, #tpu.memory_space<vmem>>) target(%dma_start3A_161 : memref<10000x128xf32, #tpu.memory_space<vmem_shared>>) offsets(%dma_start3A_158 : memref<64xi32, #tpu.memory_space<vmem>>) semaphore(%arg16 : memref<!tpu.dma_semaphore, #tpu.memory_space<semaphore_mem>>) {add = true}
      %dma_start3A_162 = arith.constant 64 : i32
      %dma_start3A_163 = arith.constant 0 : i32
      %dma_start3A_164 = tpu.memref_slice %arg9[%dma_start3A_162, %dma_start3A_163] : memref<125x128xf32, #tpu.memory_space<vmem>> -> memref<61x128xf32, #tpu.memory_space<vmem>>
      %dma_start3A_165 = arith.constant 64 : i32
      %dma_start3A_166 = tpu.memref_slice %arg8[%add3A_135, %dma_start3A_165] : memref<40x125xi32, #tpu.memory_space<vmem>> -> memref<1x61xi32, #tpu.memory_space<vmem>>
      %dma_start3A_167 = tpu.memref_squeeze %dma_start3A_166 : memref<1x61xi32, #tpu.memory_space<vmem>> -> memref<61xi32, #tpu.memory_space<vmem>>
      %dma_start3A_168 = arith.constant 0 : i32
      %dma_start3A_169 = arith.constant 0 : i32
      %dma_start3A_170 = tpu.memref_slice %arg11[%dma_start3A_168, %dma_start3A_169] : memref<10000x128xf32, #tpu.memory_space<vmem_shared>> -> memref<10000x128xf32, #tpu.memory_space<vmem_shared>>
      tpu.enqueue_indirect_dma source(%dma_start3A_164 : memref<61x128xf32, #tpu.memory_space<vmem>>) target(%dma_start3A_170 : memref<10000x128xf32, #tpu.memory_space<vmem_shared>>) offsets(%dma_start3A_167 : memref<61xi32, #tpu.memory_space<vmem>>) semaphore(%arg17 : memref<!tpu.dma_semaphore, #tpu.memory_space<semaphore_mem>>) {add = true}
      %add3A_171 = arith.constant 1 : i32
      %add3A_172 = arith.addi %add3A_135, %add3A_171 : i32
      %dma_wait3A_173 = arith.constant 0 : i32
      %dma_wait3A_174 = arith.constant 0 : i32
      %dma_wait3A_175 = tpu.memref_slice %arg10[%dma_wait3A_173, %dma_wait3A_174] : memref<125x128xf32, #tpu.memory_space<vmem>> -> memref<64x128xf32, #tpu.memory_space<vmem>>
      %dma_wait3A_176 = arith.constant 0 : i32
      %dma_wait3A_177 = tpu.memref_slice %arg7[%add3A_172, %dma_wait3A_176] : memref<40x125xi32, #tpu.memory_space<vmem>> -> memref<1x64xi32, #tpu.memory_space<vmem>>
      %dma_wait3A_178 = tpu.memref_squeeze %dma_wait3A_177 : memref<1x64xi32, #tpu.memory_space<vmem>> -> memref<64xi32, #tpu.memory_space<vmem>>
      %dma_wait3A_179 = arith.constant 0 : i32
      %dma_wait3A_180 = arith.constant 0 : i32
      %dma_wait3A_181 = tpu.memref_slice %arg2[%dma_wait3A_179, %dma_wait3A_180] : memref<10000x128xf32, #tpu.memory_space<hbm>> -> memref<10000x128xf32, #tpu.memory_space<hbm>>
      tpu.wait_indirect_dma semaphore(%arg14 : memref<!tpu.dma_semaphore, #tpu.memory_space<semaphore_mem>>) src(%dma_wait3A_181 : memref<10000x128xf32, #tpu.memory_space<hbm>>) dst(%dma_wait3A_175 : memref<64x128xf32, #tpu.memory_space<vmem>>)
      %dma_wait3A_182 = arith.constant 64 : i32
      %dma_wait3A_183 = arith.constant 0 : i32
      %dma_wait3A_184 = tpu.memref_slice %arg10[%dma_wait3A_182, %dma_wait3A_183] : memref<125x128xf32, #tpu.memory_space<vmem>> -> memref<61x128xf32, #tpu.memory_space<vmem>>
      %dma_wait3A_185 = arith.constant 64 : i32
      %dma_wait3A_186 = tpu.memref_slice %arg7[%add3A_172, %dma_wait3A_185] : memref<40x125xi32, #tpu.memory_space<vmem>> -> memref<1x61xi32, #tpu.memory_space<vmem>>
      %dma_wait3A_187 = tpu.memref_squeeze %dma_wait3A_186 : memref<1x61xi32, #tpu.memory_space<vmem>> -> memref<61xi32, #tpu.memory_space<vmem>>
      %dma_wait3A_188 = arith.constant 0 : i32
      %dma_wait3A_189 = arith.constant 0 : i32
      %dma_wait3A_190 = tpu.memref_slice %arg2[%dma_wait3A_188, %dma_wait3A_189] : memref<10000x128xf32, #tpu.memory_space<hbm>> -> memref<10000x128xf32, #tpu.memory_space<hbm>>
      tpu.wait_indirect_dma semaphore(%arg15 : memref<!tpu.dma_semaphore, #tpu.memory_space<semaphore_mem>>) src(%dma_wait3A_190 : memref<10000x128xf32, #tpu.memory_space<hbm>>) dst(%dma_wait3A_184 : memref<61x128xf32, #tpu.memory_space<vmem>>)
      %add3A_191 = arith.constant 1 : i32
      %add3A_192 = arith.addi %add3A_135, %add3A_191 : i32
      %dma_start3A_193 = arith.constant 0 : i32
      %dma_start3A_194 = arith.constant 0 : i32
      %dma_start3A_195 = tpu.memref_slice %arg10[%dma_start3A_193, %dma_start3A_194] : memref<125x128xf32, #tpu.memory_space<vmem>> -> memref<64x128xf32, #tpu.memory_space<vmem>>
      %dma_start3A_196 = arith.constant 0 : i32
      %dma_start3A_197 = tpu.memref_slice %arg8[%add3A_192, %dma_start3A_196] : memref<40x125xi32, #tpu.memory_space<vmem>> -> memref<1x64xi32, #tpu.memory_space<vmem>>
      %dma_start3A_198 = tpu.memref_squeeze %dma_start3A_197 : memref<1x64xi32, #tpu.memory_space<vmem>> -> memref<64xi32, #tpu.memory_space<vmem>>
      %dma_start3A_199 = arith.constant 0 : i32
      %dma_start3A_200 = arith.constant 0 : i32
      %dma_start3A_201 = tpu.memref_slice %arg11[%dma_start3A_199, %dma_start3A_200] : memref<10000x128xf32, #tpu.memory_space<vmem_shared>> -> memref<10000x128xf32, #tpu.memory_space<vmem_shared>>
      tpu.enqueue_indirect_dma source(%dma_start3A_195 : memref<64x128xf32, #tpu.memory_space<vmem>>) target(%dma_start3A_201 : memref<10000x128xf32, #tpu.memory_space<vmem_shared>>) offsets(%dma_start3A_198 : memref<64xi32, #tpu.memory_space<vmem>>) semaphore(%arg18 : memref<!tpu.dma_semaphore, #tpu.memory_space<semaphore_mem>>) {add = true}
      %dma_start3A_202 = arith.constant 64 : i32
      %dma_start3A_203 = arith.constant 0 : i32
      %dma_start3A_204 = tpu.memref_slice %arg10[%dma_start3A_202, %dma_start3A_203] : memref<125x128xf32, #tpu.memory_space<vmem>> -> memref<61x128xf32, #tpu.memory_space<vmem>>
      %dma_start3A_205 = arith.constant 64 : i32
      %dma_start3A_206 = tpu.memref_slice %arg8[%add3A_192, %dma_start3A_205] : memref<40x125xi32, #tpu.memory_space<vmem>> -> memref<1x61xi32, #tpu.memory_space<vmem>>
      %dma_start3A_207 = tpu.memref_squeeze %dma_start3A_206 : memref<1x61xi32, #tpu.memory_space<vmem>> -> memref<61xi32, #tpu.memory_space<vmem>>
      %dma_start3A_208 = arith.constant 0 : i32
      %dma_start3A_209 = arith.constant 0 : i32
      %dma_start3A_210 = tpu.memref_slice %arg11[%dma_start3A_208, %dma_start3A_209] : memref<10000x128xf32, #tpu.memory_space<vmem_shared>> -> memref<10000x128xf32, #tpu.memory_space<vmem_shared>>
      tpu.enqueue_indirect_dma source(%dma_start3A_204 : memref<61x128xf32, #tpu.memory_space<vmem>>) target(%dma_start3A_210 : memref<10000x128xf32, #tpu.memory_space<vmem_shared>>) offsets(%dma_start3A_207 : memref<61xi32, #tpu.memory_space<vmem>>) semaphore(%arg19 : memref<!tpu.dma_semaphore, #tpu.memory_space<semaphore_mem>>) {add = true}
      %dma_wait3A_211 = arith.constant 0 : i32
      %dma_wait3A_212 = arith.constant 0 : i32
      %dma_wait3A_213 = tpu.memref_slice %arg9[%dma_wait3A_211, %dma_wait3A_212] : memref<125x128xf32, #tpu.memory_space<vmem>> -> memref<64x128xf32, #tpu.memory_space<vmem>>
      %dma_wait3A_214 = arith.constant 0 : i32
      %dma_wait3A_215 = tpu.memref_slice %arg8[%add3A_135, %dma_wait3A_214] : memref<40x125xi32, #tpu.memory_space<vmem>> -> memref<1x64xi32, #tpu.memory_space<vmem>>
      %dma_wait3A_216 = tpu.memref_squeeze %dma_wait3A_215 : memref<1x64xi32, #tpu.memory_space<vmem>> -> memref<64xi32, #tpu.memory_space<vmem>>
      %dma_wait3A_217 = arith.constant 0 : i32
      %dma_wait3A_218 = arith.constant 0 : i32
      %dma_wait3A_219 = tpu.memref_slice %arg11[%dma_wait3A_217, %dma_wait3A_218] : memref<10000x128xf32, #tpu.memory_space<vmem_shared>> -> memref<10000x128xf32, #tpu.memory_space<vmem_shared>>
      tpu.wait_indirect_dma semaphore(%arg16 : memref<!tpu.dma_semaphore, #tpu.memory_space<semaphore_mem>>) src(%dma_wait3A_213 : memref<64x128xf32, #tpu.memory_space<vmem>>) dst(%dma_wait3A_219 : memref<10000x128xf32, #tpu.memory_space<vmem_shared>>)
      %dma_wait3A_220 = arith.constant 64 : i32
      %dma_wait3A_221 = arith.constant 0 : i32
      %dma_wait3A_222 = tpu.memref_slice %arg9[%dma_wait3A_220, %dma_wait3A_221] : memref<125x128xf32, #tpu.memory_space<vmem>> -> memref<61x128xf32, #tpu.memory_space<vmem>>
      %dma_wait3A_223 = arith.constant 64 : i32
      %dma_wait3A_224 = tpu.memref_slice %arg8[%add3A_135, %dma_wait3A_223] : memref<40x125xi32, #tpu.memory_space<vmem>> -> memref<1x61xi32, #tpu.memory_space<vmem>>
      %dma_wait3A_225 = tpu.memref_squeeze %dma_wait3A_224 : memref<1x61xi32, #tpu.memory_space<vmem>> -> memref<61xi32, #tpu.memory_space<vmem>>
      %dma_wait3A_226 = arith.constant 0 : i32
      %dma_wait3A_227 = arith.constant 0 : i32
      %dma_wait3A_228 = tpu.memref_slice %arg11[%dma_wait3A_226, %dma_wait3A_227] : memref<10000x128xf32, #tpu.memory_space<vmem_shared>> -> memref<10000x128xf32, #tpu.memory_space<vmem_shared>>
      tpu.wait_indirect_dma semaphore(%arg17 : memref<!tpu.dma_semaphore, #tpu.memory_space<semaphore_mem>>) src(%dma_wait3A_222 : memref<61x128xf32, #tpu.memory_space<vmem>>) dst(%dma_wait3A_228 : memref<10000x128xf32, #tpu.memory_space<vmem_shared>>)
      %add3A_229 = arith.constant 2 : i32
      %add3A_230 = arith.addi %add3A_135, %add3A_229 : i32
      %lt3A_231 = arith.constant 40 : i32
      %lt3A_232 = arith.cmpi slt, %add3A_230, %lt3A_231 : i32
      %convert_element_type3A_233 = arith.extui %lt3A_232 : i1 to i32
      %cond3A_234 = arith.constant 0 : i32
      %cond3A_235 = arith.cmpi ne, %convert_element_type3A_233, %cond3A_234 : i32
      scf.if %cond3A_235 {
        %add3A_263 = arith.constant 2 : i32
        %add3A_264 = arith.addi %add3A_135, %add3A_263 : i32
        %dma_start3A_265 = arith.constant 0 : i32
        %dma_start3A_266 = arith.constant 0 : i32
        %dma_start3A_267 = tpu.memref_slice %arg9[%dma_start3A_265, %dma_start3A_266] : memref<125x128xf32, #tpu.memory_space<vmem>> -> memref<64x128xf32, #tpu.memory_space<vmem>>
        %dma_start3A_268 = arith.constant 0 : i32
        %dma_start3A_269 = tpu.memref_slice %arg7[%add3A_264, %dma_start3A_268] : memref<40x125xi32, #tpu.memory_space<vmem>> -> memref<1x64xi32, #tpu.memory_space<vmem>>
        %dma_start3A_270 = tpu.memref_squeeze %dma_start3A_269 : memref<1x64xi32, #tpu.memory_space<vmem>> -> memref<64xi32, #tpu.memory_space<vmem>>
        %dma_start3A_271 = arith.constant 0 : i32
        %dma_start3A_272 = arith.constant 0 : i32
        %dma_start3A_273 = tpu.memref_slice %arg2[%dma_start3A_271, %dma_start3A_272] : memref<10000x128xf32, #tpu.memory_space<hbm>> -> memref<10000x128xf32, #tpu.memory_space<hbm>>
        tpu.enqueue_indirect_dma source(%dma_start3A_273 : memref<10000x128xf32, #tpu.memory_space<hbm>>) target(%dma_start3A_267 : memref<64x128xf32, #tpu.memory_space<vmem>>) offsets(%dma_start3A_270 : memref<64xi32, #tpu.memory_space<vmem>>) semaphore(%arg12 : memref<!tpu.dma_semaphore, #tpu.memory_space<semaphore_mem>>)
        %dma_start3A_274 = arith.constant 64 : i32
        %dma_start3A_275 = arith.constant 0 : i32
        %dma_start3A_276 = tpu.memref_slice %arg9[%dma_start3A_274, %dma_start3A_275] : memref<125x128xf32, #tpu.memory_space<vmem>> -> memref<61x128xf32, #tpu.memory_space<vmem>>
        %dma_start3A_277 = arith.constant 64 : i32
        %dma_start3A_278 = tpu.memref_slice %arg7[%add3A_264, %dma_start3A_277] : memref<40x125xi32, #tpu.memory_space<vmem>> -> memref<1x61xi32, #tpu.memory_space<vmem>>
        %dma_start3A_279 = tpu.memref_squeeze %dma_start3A_278 : memref<1x61xi32, #tpu.memory_space<vmem>> -> memref<61xi32, #tpu.memory_space<vmem>>
        %dma_start3A_280 = arith.constant 0 : i32
        %dma_start3A_281 = arith.constant 0 : i32
        %dma_start3A_282 = tpu.memref_slice %arg2[%dma_start3A_280, %dma_start3A_281] : memref<10000x128xf32, #tpu.memory_space<hbm>> -> memref<10000x128xf32, #tpu.memory_space<hbm>>
        tpu.enqueue_indirect_dma source(%dma_start3A_282 : memref<10000x128xf32, #tpu.memory_space<hbm>>) target(%dma_start3A_276 : memref<61x128xf32, #tpu.memory_space<vmem>>) offsets(%dma_start3A_279 : memref<61xi32, #tpu.memory_space<vmem>>) semaphore(%arg13 : memref<!tpu.dma_semaphore, #tpu.memory_space<semaphore_mem>>)
      } else {
      }
      %add3A_236 = arith.constant 1 : i32
      %add3A_237 = arith.addi %add3A_135, %add3A_236 : i32
      %dma_wait3A_238 = arith.constant 0 : i32
      %dma_wait3A_239 = arith.constant 0 : i32
      %dma_wait3A_240 = tpu.memref_slice %arg10[%dma_wait3A_238, %dma_wait3A_239] : memref<125x128xf32, #tpu.memory_space<vmem>> -> memref<64x128xf32, #tpu.memory_space<vmem>>
      %dma_wait3A_241 = arith.constant 0 : i32
      %dma_wait3A_242 = tpu.memref_slice %arg8[%add3A_237, %dma_wait3A_241] : memref<40x125xi32, #tpu.memory_space<vmem>> -> memref<1x64xi32, #tpu.memory_space<vmem>>
      %dma_wait3A_243 = tpu.memref_squeeze %dma_wait3A_242 : memref<1x64xi32, #tpu.memory_space<vmem>> -> memref<64xi32, #tpu.memory_space<vmem>>
      %dma_wait3A_244 = arith.constant 0 : i32
      %dma_wait3A_245 = arith.constant 0 : i32
      %dma_wait3A_246 = tpu.memref_slice %arg11[%dma_wait3A_244, %dma_wait3A_245] : memref<10000x128xf32, #tpu.memory_space<vmem_shared>> -> memref<10000x128xf32, #tpu.memory_space<vmem_shared>>
      tpu.wait_indirect_dma semaphore(%arg18 : memref<!tpu.dma_semaphore, #tpu.memory_space<semaphore_mem>>) src(%dma_wait3A_240 : memref<64x128xf32, #tpu.memory_space<vmem>>) dst(%dma_wait3A_246 : memref<10000x128xf32, #tpu.memory_space<vmem_shared>>)
      %dma_wait3A_247 = arith.constant 64 : i32
      %dma_wait3A_248 = arith.constant 0 : i32
      %dma_wait3A_249 = tpu.memref_slice %arg10[%dma_wait3A_247, %dma_wait3A_248] : memref<125x128xf32, #tpu.memory_space<vmem>> -> memref<61x128xf32, #tpu.memory_space<vmem>>
      %dma_wait3A_250 = arith.constant 64 : i32
      %dma_wait3A_251 = tpu.memref_slice %arg8[%add3A_237, %dma_wait3A_250] : memref<40x125xi32, #tpu.memory_space<vmem>> -> memref<1x61xi32, #tpu.memory_space<vmem>>
      %dma_wait3A_252 = tpu.memref_squeeze %dma_wait3A_251 : memref<1x61xi32, #tpu.memory_space<vmem>> -> memref<61xi32, #tpu.memory_space<vmem>>
      %dma_wait3A_253 = arith.constant 0 : i32
      %dma_wait3A_254 = arith.constant 0 : i32
      %dma_wait3A_255 = tpu.memref_slice %arg11[%dma_wait3A_253, %dma_wait3A_254] : memref<10000x128xf32, #tpu.memory_space<vmem_shared>> -> memref<10000x128xf32, #tpu.memory_space<vmem_shared>>
      tpu.wait_indirect_dma semaphore(%arg19 : memref<!tpu.dma_semaphore, #tpu.memory_space<semaphore_mem>>) src(%dma_wait3A_249 : memref<61x128xf32, #tpu.memory_space<vmem>>) dst(%dma_wait3A_255 : memref<10000x128xf32, #tpu.memory_space<vmem_shared>>)
      %add3A_256 = arith.constant 3 : i32
      %add3A_257 = arith.addi %add3A_135, %add3A_256 : i32
      %lt3A_258 = arith.constant 40 : i32
      %lt3A_259 = arith.cmpi slt, %add3A_257, %lt3A_258 : i32
      %convert_element_type3A_260 = arith.extui %lt3A_259 : i1 to i32
      %cond3A_261 = arith.constant 0 : i32
      %cond3A_262 = arith.cmpi ne, %convert_element_type3A_260, %cond3A_261 : i32
      scf.if %cond3A_262 {
        %add3A_263 = arith.constant 3 : i32
        %add3A_264 = arith.addi %add3A_135, %add3A_263 : i32
        %dma_start3A_265 = arith.constant 0 : i32
        %dma_start3A_266 = arith.constant 0 : i32
        %dma_start3A_267 = tpu.memref_slice %arg10[%dma_start3A_265, %dma_start3A_266] : memref<125x128xf32, #tpu.memory_space<vmem>> -> memref<64x128xf32, #tpu.memory_space<vmem>>
        %dma_start3A_268 = arith.constant 0 : i32
        %dma_start3A_269 = tpu.memref_slice %arg7[%add3A_264, %dma_start3A_268] : memref<40x125xi32, #tpu.memory_space<vmem>> -> memref<1x64xi32, #tpu.memory_space<vmem>>
        %dma_start3A_270 = tpu.memref_squeeze %dma_start3A_269 : memref<1x64xi32, #tpu.memory_space<vmem>> -> memref<64xi32, #tpu.memory_space<vmem>>
        %dma_start3A_271 = arith.constant 0 : i32
        %dma_start3A_272 = arith.constant 0 : i32
        %dma_start3A_273 = tpu.memref_slice %arg2[%dma_start3A_271, %dma_start3A_272] : memref<10000x128xf32, #tpu.memory_space<hbm>> -> memref<10000x128xf32, #tpu.memory_space<hbm>>
        tpu.enqueue_indirect_dma source(%dma_start3A_273 : memref<10000x128xf32, #tpu.memory_space<hbm>>) target(%dma_start3A_267 : memref<64x128xf32, #tpu.memory_space<vmem>>) offsets(%dma_start3A_270 : memref<64xi32, #tpu.memory_space<vmem>>) semaphore(%arg14 : memref<!tpu.dma_semaphore, #tpu.memory_space<semaphore_mem>>)
        %dma_start3A_274 = arith.constant 64 : i32
        %dma_start3A_275 = arith.constant 0 : i32
        %dma_start3A_276 = tpu.memref_slice %arg10[%dma_start3A_274, %dma_start3A_275] : memref<125x128xf32, #tpu.memory_space<vmem>> -> memref<61x128xf32, #tpu.memory_space<vmem>>
        %dma_start3A_277 = arith.constant 64 : i32
        %dma_start3A_278 = tpu.memref_slice %arg7[%add3A_264, %dma_start3A_277] : memref<40x125xi32, #tpu.memory_space<vmem>> -> memref<1x61xi32, #tpu.memory_space<vmem>>
        %dma_start3A_279 = tpu.memref_squeeze %dma_start3A_278 : memref<1x61xi32, #tpu.memory_space<vmem>> -> memref<61xi32, #tpu.memory_space<vmem>>
        %dma_start3A_280 = arith.constant 0 : i32
        %dma_start3A_281 = arith.constant 0 : i32
        %dma_start3A_282 = tpu.memref_slice %arg2[%dma_start3A_280, %dma_start3A_281] : memref<10000x128xf32, #tpu.memory_space<hbm>> -> memref<10000x128xf32, #tpu.memory_space<hbm>>
        tpu.enqueue_indirect_dma source(%dma_start3A_282 : memref<10000x128xf32, #tpu.memory_space<hbm>>) target(%dma_start3A_276 : memref<61x128xf32, #tpu.memory_space<vmem>>) offsets(%dma_start3A_279 : memref<61xi32, #tpu.memory_space<vmem>>) semaphore(%arg15 : memref<!tpu.dma_semaphore, #tpu.memory_space<semaphore_mem>>)
      } else {
      }
    }
    %scan3A_119 = arith.constant 20 : i32
    %barrier3A_120 = arith.constant 0 : index
    tpu.barrier barrier_id(%barrier3A_120)
    %lt3A_121 = arith.constant 15 : i32
    %lt3A_122 = arith.cmpi slt, %arg1, %lt3A_121 : i32
    %convert_element_type3A_123 = arith.extui %lt3A_122 : i1 to i32
    %cond3A_124 = arith.constant 0 : i32
    %cond3A_125 = arith.cmpi ne, %convert_element_type3A_123, %cond3A_124 : i32
    scf.if %cond3A_125 {
      "tpu.region"() ({
        %run_scoped3A_131 = tpu.sem_alloc : memref<!tpu.dma_semaphore, #tpu.memory_space<semaphore_mem>>
        %dma_start3A_132 = arith.constant 0 : i32
        %dma_start3A_133 = tpu.memref_slice %arg6[%arg0, %mul3A_2, %dma_start3A_132] : memref<2x10000x128xf32, #tpu.memory_space<hbm>> -> memref<1x632x128xf32, #tpu.memory_space<hbm>>
        %dma_start3A_134 = tpu.memref_squeeze %dma_start3A_133 : memref<1x632x128xf32, #tpu.memory_space<hbm>> -> memref<632x128xf32, #tpu.memory_space<hbm>>
        %dma_start3A_135 = arith.constant 0 : i32
        %dma_start3A_136 = tpu.memref_slice %arg11[%mul3A_2, %dma_start3A_135] : memref<10000x128xf32, #tpu.memory_space<vmem_shared>> -> memref<632x128xf32, #tpu.memory_space<vmem_shared>>
        tpu.enqueue_dma source(%dma_start3A_136 : memref<632x128xf32, #tpu.memory_space<vmem_shared>>) target(%dma_start3A_134 : memref<632x128xf32, #tpu.memory_space<hbm>>) target_semaphore(%run_scoped3A_131 : memref<!tpu.dma_semaphore, #tpu.memory_space<semaphore_mem>>)
        %dma_wait3A = arith.constant 0 : i32
        %dma_wait3A_137 = tpu.memref_slice %arg6[%arg0, %mul3A_2, %dma_wait3A] : memref<2x10000x128xf32, #tpu.memory_space<hbm>> -> memref<1x632x128xf32, #tpu.memory_space<hbm>>
        %dma_wait3A_138 = tpu.memref_squeeze %dma_wait3A_137 : memref<1x632x128xf32, #tpu.memory_space<hbm>> -> memref<632x128xf32, #tpu.memory_space<hbm>>
        %dma_wait3A_139 = arith.constant 0 : i32
        %dma_wait3A_140 = tpu.memref_slice %arg11[%mul3A_2, %dma_wait3A_139] : memref<10000x128xf32, #tpu.memory_space<vmem_shared>> -> memref<632x128xf32, #tpu.memory_space<vmem_shared>>
        tpu.wait_dma2 semaphore(%run_scoped3A_131 : memref<!tpu.dma_semaphore, #tpu.memory_space<semaphore_mem>>) src(%dma_wait3A_140 : memref<632x128xf32, #tpu.memory_space<vmem_shared>>) dst(%dma_wait3A_138 : memref<632x128xf32, #tpu.memory_space<hbm>>)
        tpu.yield
      }) : () -> ()
    } else {
    }
    %eq3A_126 = arith.constant 15 : i32
    %eq3A_127 = arith.cmpi eq, %arg1, %eq3A_126 : i32
    %convert_element_type3A_128 = arith.extui %eq3A_127 : i1 to i32
    %cond3A_129 = arith.constant 0 : i32
    %cond3A_130 = arith.cmpi ne, %convert_element_type3A_128, %cond3A_129 : i32
    scf.if %cond3A_130 {
      "tpu.region"() ({
        %run_scoped3A_131 = tpu.sem_alloc : memref<!tpu.dma_semaphore, #tpu.memory_space<semaphore_mem>>
        %dma_start3A_132 = arith.constant 9480 : i32
        %dma_start3A_133 = arith.constant 0 : i32
        %dma_start3A_134 = tpu.memref_slice %arg6[%arg0, %dma_start3A_132, %dma_start3A_133] : memref<2x10000x128xf32, #tpu.memory_space<hbm>> -> memref<1x520x128xf32, #tpu.memory_space<hbm>>
        %dma_start3A_135 = tpu.memref_squeeze %dma_start3A_134 : memref<1x520x128xf32, #tpu.memory_space<hbm>> -> memref<520x128xf32, #tpu.memory_space<hbm>>
        %dma_start3A_136 = arith.constant 9480 : i32
        %dma_start3A_137 = arith.constant 0 : i32
        %dma_start3A_138 = tpu.memref_slice %arg11[%dma_start3A_136, %dma_start3A_137] : memref<10000x128xf32, #tpu.memory_space<vmem_shared>> -> memref<520x128xf32, #tpu.memory_space<vmem_shared>>
        tpu.enqueue_dma source(%dma_start3A_138 : memref<520x128xf32, #tpu.memory_space<vmem_shared>>) target(%dma_start3A_135 : memref<520x128xf32, #tpu.memory_space<hbm>>) target_semaphore(%run_scoped3A_131 : memref<!tpu.dma_semaphore, #tpu.memory_space<semaphore_mem>>)
        %dma_wait3A = arith.constant 9480 : i32
        %dma_wait3A_139 = arith.constant 0 : i32
        %dma_wait3A_140 = tpu.memref_slice %arg6[%arg0, %dma_wait3A, %dma_wait3A_139] : memref<2x10000x128xf32, #tpu.memory_space<hbm>> -> memref<1x520x128xf32, #tpu.memory_space<hbm>>
        %dma_wait3A_141 = tpu.memref_squeeze %dma_wait3A_140 : memref<1x520x128xf32, #tpu.memory_space<hbm>> -> memref<520x128xf32, #tpu.memory_space<hbm>>
        %dma_wait3A_142 = arith.constant 9480 : i32
        %dma_wait3A_143 = arith.constant 0 : i32
        %dma_wait3A_144 = tpu.memref_slice %arg11[%dma_wait3A_142, %dma_wait3A_143] : memref<10000x128xf32, #tpu.memory_space<vmem_shared>> -> memref<520x128xf32, #tpu.memory_space<vmem_shared>>
        tpu.wait_dma2 semaphore(%run_scoped3A_131 : memref<!tpu.dma_semaphore, #tpu.memory_space<semaphore_mem>>) src(%dma_wait3A_144 : memref<520x128xf32, #tpu.memory_space<vmem_shared>>) dst(%dma_wait3A_141 : memref<520x128xf32, #tpu.memory_space<hbm>>)
        tpu.yield
      }) : () -> ()
    } else {
    }
    return
  }
}

#map = affine_map<(d0, d1) -> (0, 0)>
#map1 = affine_map<(d0, d1) -> (0, 0, 0, 0)>
#map2 = affine_map<(d0, d1) -> (0, 0, 0)>
module attributes {stable_mosaic.version = 14 : i64} {
  func.func @_edge_agg_body(%arg0: i32, %arg1: i32, %arg2: memref<10000x128xf32, #tpu.memory_space<hbm>>, %arg3: memref<10000x128xf32, #tpu.memory_space<hbm>>, %arg4: memref<32x2x40x125xi32, #tpu.memory_space<hbm>>, %arg5: memref<32x2x40x125xi32, #tpu.memory_space<hbm>>, %arg6: memref<2x10000x128xf32, #tpu.memory_space<hbm>>, %arg7: memref<40x125xi32, #tpu.memory_space<vmem>>, %arg8: memref<40x125xi32, #tpu.memory_space<vmem>>, %arg9: memref<125x128xf32, #tpu.memory_space<vmem>>, %arg10: memref<125x128xf32, #tpu.memory_space<vmem>>, %arg11: memref<10000x128xf32, #tpu.memory_space<vmem_shared>>, %arg12: memref<!tpu.dma_semaphore, #tpu.memory_space<semaphore_mem>>, %arg13: memref<!tpu.dma_semaphore, #tpu.memory_space<semaphore_mem>>, %arg14: memref<!tpu.dma_semaphore, #tpu.memory_space<semaphore_mem>>, %arg15: memref<!tpu.dma_semaphore, #tpu.memory_space<semaphore_mem>>, %arg16: memref<!tpu.dma_semaphore, #tpu.memory_space<semaphore_mem>>, %arg17: memref<!tpu.dma_semaphore, #tpu.memory_space<semaphore_mem>>, %arg18: memref<!tpu.dma_semaphore, #tpu.memory_space<semaphore_mem>>, %arg19: memref<!tpu.dma_semaphore, #tpu.memory_space<semaphore_mem>>) attributes {dimension_semantics = [#tpu.dimension_semantics<core_parallel>, #tpu.dimension_semantics<subcore_parallel>], iteration_bounds = array<i64: 2, 16>, scalar_prefetch = 0 : i64, scratch_operands = 13 : i64, tpu.core_type = #tpu.core_type<sc_vector_subcore>, window_params = [{transform_indices = #map}, {transform_indices = #map}, {transform_indices = #map1}, {transform_indices = #map1}, {transform_indices = #map2}]} {
    %mul3A = arith.constant 16 : i32
    %mul3A_0 = arith.muli %arg0, %mul3A : i32
    %add3A = arith.addi %mul3A_0, %arg1 : i32
    %mul3A_1 = arith.constant 632 : i32
    %mul3A_2 = arith.muli %arg1, %mul3A_1 : i32
    %run_scoped3A = arith.constant 0 : i32
    "tpu.region"() ({
      %run_scoped3A_131 = tpu.sem_alloc : memref<!tpu.dma_semaphore, #tpu.memory_space<semaphore_mem>>
      %dma_start3A_132 = arith.constant 0 : i32
      %dma_start3A_133 = arith.constant 0 : i32
      %dma_start3A_134 = tpu.memref_slice %arg4[%add3A, %run_scoped3A, %dma_start3A_132, %dma_start3A_133] : memref<32x2x40x125xi32, #tpu.memory_space<hbm>> -> memref<1x1x40x125xi32, #tpu.memory_space<hbm>>
      %dma_start3A_135 = tpu.memref_squeeze %dma_start3A_134 : memref<1x1x40x125xi32, #tpu.memory_space<hbm>> -> memref<40x125xi32, #tpu.memory_space<hbm>>
      %dma_start3A_136 = arith.constant 0 : i32
      %dma_start3A_137 = arith.constant 0 : i32
      %dma_start3A_138 = tpu.memref_slice %arg4[%add3A, %run_scoped3A, %dma_start3A_136, %dma_start3A_137] : memref<32x2x40x125xi32, #tpu.memory_space<hbm>> -> memref<1x1x40x125xi32, #tpu.memory_space<hbm>>
      %dma_start3A_139 = tpu.memref_squeeze %dma_start3A_138 : memref<1x1x40x125xi32, #tpu.memory_space<hbm>> -> memref<40x125xi32, #tpu.memory_space<hbm>>
      tpu.enqueue_dma source(%dma_start3A_139 : memref<40x125xi32, #tpu.memory_space<hbm>>) target(%arg7 : memref<40x125xi32, #tpu.memory_space<vmem>>) target_semaphore(%run_scoped3A_131 : memref<!tpu.dma_semaphore, #tpu.memory_space<semaphore_mem>>)
      %dma_wait3A = arith.constant 0 : i32
      %dma_wait3A_140 = arith.constant 0 : i32
      %dma_wait3A_141 = tpu.memref_slice %arg4[%add3A, %run_scoped3A, %dma_wait3A, %dma_wait3A_140] : memref<32x2x40x125xi32, #tpu.memory_space<hbm>> -> memref<1x1x40x125xi32, #tpu.memory_space<hbm>>
      %dma_wait3A_142 = tpu.memref_squeeze %dma_wait3A_141 : memref<1x1x40x125xi32, #tpu.memory_space<hbm>> -> memref<40x125xi32, #tpu.memory_space<hbm>>
      %dma_wait3A_143 = arith.constant 0 : i32
      %dma_wait3A_144 = arith.constant 0 : i32
      %dma_wait3A_145 = tpu.memref_slice %arg4[%add3A, %run_scoped3A, %dma_wait3A_143, %dma_wait3A_144] : memref<32x2x40x125xi32, #tpu.memory_space<hbm>> -> memref<1x1x40x125xi32, #tpu.memory_space<hbm>>
      %dma_wait3A_146 = tpu.memref_squeeze %dma_wait3A_145 : memref<1x1x40x125xi32, #tpu.memory_space<hbm>> -> memref<40x125xi32, #tpu.memory_space<hbm>>
      tpu.wait_dma2 semaphore(%run_scoped3A_131 : memref<!tpu.dma_semaphore, #tpu.memory_space<semaphore_mem>>) src(%dma_wait3A_146 : memref<40x125xi32, #tpu.memory_space<hbm>>) dst(%arg7 : memref<40x125xi32, #tpu.memory_space<vmem>>)
      tpu.yield
    }) : () -> ()
    %run_scoped3A_3 = arith.constant 0 : i32
    "tpu.region"() ({
      %run_scoped3A_131 = tpu.sem_alloc : memref<!tpu.dma_semaphore, #tpu.memory_space<semaphore_mem>>
      %dma_start3A_132 = arith.constant 0 : i32
      %dma_start3A_133 = arith.constant 0 : i32
      %dma_start3A_134 = tpu.memref_slice %arg5[%add3A, %run_scoped3A_3, %dma_start3A_132, %dma_start3A_133] : memref<32x2x40x125xi32, #tpu.memory_space<hbm>> -> memref<1x1x40x125xi32, #tpu.memory_space<hbm>>
      %dma_start3A_135 = tpu.memref_squeeze %dma_start3A_134 : memref<1x1x40x125xi32, #tpu.memory_space<hbm>> -> memref<40x125xi32, #tpu.memory_space<hbm>>
      %dma_start3A_136 = arith.constant 0 : i32
      %dma_start3A_137 = arith.constant 0 : i32
      %dma_start3A_138 = tpu.memref_slice %arg5[%add3A, %run_scoped3A_3, %dma_start3A_136, %dma_start3A_137] : memref<32x2x40x125xi32, #tpu.memory_space<hbm>> -> memref<1x1x40x125xi32, #tpu.memory_space<hbm>>
      %dma_start3A_139 = tpu.memref_squeeze %dma_start3A_138 : memref<1x1x40x125xi32, #tpu.memory_space<hbm>> -> memref<40x125xi32, #tpu.memory_space<hbm>>
      tpu.enqueue_dma source(%dma_start3A_139 : memref<40x125xi32, #tpu.memory_space<hbm>>) target(%arg8 : memref<40x125xi32, #tpu.memory_space<vmem>>) target_semaphore(%run_scoped3A_131 : memref<!tpu.dma_semaphore, #tpu.memory_space<semaphore_mem>>)
      %dma_wait3A = arith.constant 0 : i32
      %dma_wait3A_140 = arith.constant 0 : i32
      %dma_wait3A_141 = tpu.memref_slice %arg5[%add3A, %run_scoped3A_3, %dma_wait3A, %dma_wait3A_140] : memref<32x2x40x125xi32, #tpu.memory_space<hbm>> -> memref<1x1x40x125xi32, #tpu.memory_space<hbm>>
      %dma_wait3A_142 = tpu.memref_squeeze %dma_wait3A_141 : memref<1x1x40x125xi32, #tpu.memory_space<hbm>> -> memref<40x125xi32, #tpu.memory_space<hbm>>
      %dma_wait3A_143 = arith.constant 0 : i32
      %dma_wait3A_144 = arith.constant 0 : i32
      %dma_wait3A_145 = tpu.memref_slice %arg5[%add3A, %run_scoped3A_3, %dma_wait3A_143, %dma_wait3A_144] : memref<32x2x40x125xi32, #tpu.memory_space<hbm>> -> memref<1x1x40x125xi32, #tpu.memory_space<hbm>>
      %dma_wait3A_146 = tpu.memref_squeeze %dma_wait3A_145 : memref<1x1x40x125xi32, #tpu.memory_space<hbm>> -> memref<40x125xi32, #tpu.memory_space<hbm>>
      tpu.wait_dma2 semaphore(%run_scoped3A_131 : memref<!tpu.dma_semaphore, #tpu.memory_space<semaphore_mem>>) src(%dma_wait3A_146 : memref<40x125xi32, #tpu.memory_space<hbm>>) dst(%arg8 : memref<40x125xi32, #tpu.memory_space<vmem>>)
      tpu.yield
    }) : () -> ()
    %dma_start3A = arith.constant 0 : i32
    %dma_start3A_4 = arith.constant 0 : i32
    %dma_start3A_5 = arith.constant 0 : i32
    %dma_start3A_6 = tpu.memref_slice %arg9[%dma_start3A_4, %dma_start3A_5] : memref<125x128xf32, #tpu.memory_space<vmem>> -> memref<64x128xf32, #tpu.memory_space<vmem>>
    %dma_start3A_7 = arith.constant 0 : i32
    %dma_start3A_8 = tpu.memref_slice %arg7[%dma_start3A, %dma_start3A_7] : memref<40x125xi32, #tpu.memory_space<vmem>> -> memref<1x64xi32, #tpu.memory_space<vmem>>
    %dma_start3A_9 = tpu.memref_squeeze %dma_start3A_8 : memref<1x64xi32, #tpu.memory_space<vmem>> -> memref<64xi32, #tpu.memory_space<vmem>>
    %dma_start3A_10 = arith.constant 0 : i32
    %dma_start3A_11 = arith.constant 0 : i32
    %dma_start3A_12 = tpu.memref_slice %arg2[%dma_start3A_10, %dma_start3A_11] : memref<10000x128xf32, #tpu.memory_space<hbm>> -> memref<10000x128xf32, #tpu.memory_space<hbm>>
    tpu.enqueue_indirect_dma source(%dma_start3A_12 : memref<10000x128xf32, #tpu.memory_space<hbm>>) target(%dma_start3A_6 : memref<64x128xf32, #tpu.memory_space<vmem>>) offsets(%dma_start3A_9 : memref<64xi32, #tpu.memory_space<vmem>>) semaphore(%arg12 : memref<!tpu.dma_semaphore, #tpu.memory_space<semaphore_mem>>)
    %dma_start3A_13 = arith.constant 0 : i32
    %dma_start3A_14 = arith.constant 64 : i32
    %dma_start3A_15 = arith.constant 0 : i32
    %dma_start3A_16 = tpu.memref_slice %arg9[%dma_start3A_14, %dma_start3A_15] : memref<125x128xf32, #tpu.memory_space<vmem>> -> memref<61x128xf32, #tpu.memory_space<vmem>>
    %dma_start3A_17 = arith.constant 64 : i32
    %dma_start3A_18 = tpu.memref_slice %arg7[%dma_start3A_13, %dma_start3A_17] : memref<40x125xi32, #tpu.memory_space<vmem>> -> memref<1x61xi32, #tpu.memory_space<vmem>>
    %dma_start3A_19 = tpu.memref_squeeze %dma_start3A_18 : memref<1x61xi32, #tpu.memory_space<vmem>> -> memref<61xi32, #tpu.memory_space<vmem>>
    %dma_start3A_20 = arith.constant 0 : i32
    %dma_start3A_21 = arith.constant 0 : i32
    %dma_start3A_22 = tpu.memref_slice %arg2[%dma_start3A_20, %dma_start3A_21] : memref<10000x128xf32, #tpu.memory_space<hbm>> -> memref<10000x128xf32, #tpu.memory_space<hbm>>
    tpu.enqueue_indirect_dma source(%dma_start3A_22 : memref<10000x128xf32, #tpu.memory_space<hbm>>) target(%dma_start3A_16 : memref<61x128xf32, #tpu.memory_space<vmem>>) offsets(%dma_start3A_19 : memref<61xi32, #tpu.memory_space<vmem>>) semaphore(%arg13 : memref<!tpu.dma_semaphore, #tpu.memory_space<semaphore_mem>>)
    %dma_start3A_23 = arith.constant 1 : i32
    %dma_start3A_24 = arith.constant 0 : i32
    %dma_start3A_25 = arith.constant 0 : i32
    %dma_start3A_26 = tpu.memref_slice %arg10[%dma_start3A_24, %dma_start3A_25] : memref<125x128xf32, #tpu.memory_space<vmem>> -> memref<64x128xf32, #tpu.memory_space<vmem>>
    %dma_start3A_27 = arith.constant 0 : i32
    %dma_start3A_28 = tpu.memref_slice %arg7[%dma_start3A_23, %dma_start3A_27] : memref<40x125xi32, #tpu.memory_space<vmem>> -> memref<1x64xi32, #tpu.memory_space<vmem>>
    %dma_start3A_29 = tpu.memref_squeeze %dma_start3A_28 : memref<1x64xi32, #tpu.memory_space<vmem>> -> memref<64xi32, #tpu.memory_space<vmem>>
    %dma_start3A_30 = arith.constant 0 : i32
    %dma_start3A_31 = arith.constant 0 : i32
    %dma_start3A_32 = tpu.memref_slice %arg2[%dma_start3A_30, %dma_start3A_31] : memref<10000x128xf32, #tpu.memory_space<hbm>> -> memref<10000x128xf32, #tpu.memory_space<hbm>>
    tpu.enqueue_indirect_dma source(%dma_start3A_32 : memref<10000x128xf32, #tpu.memory_space<hbm>>) target(%dma_start3A_26 : memref<64x128xf32, #tpu.memory_space<vmem>>) offsets(%dma_start3A_29 : memref<64xi32, #tpu.memory_space<vmem>>) semaphore(%arg14 : memref<!tpu.dma_semaphore, #tpu.memory_space<semaphore_mem>>)
    %dma_start3A_33 = arith.constant 1 : i32
    %dma_start3A_34 = arith.constant 64 : i32
    %dma_start3A_35 = arith.constant 0 : i32
    %dma_start3A_36 = tpu.memref_slice %arg10[%dma_start3A_34, %dma_start3A_35] : memref<125x128xf32, #tpu.memory_space<vmem>> -> memref<61x128xf32, #tpu.memory_space<vmem>>
    %dma_start3A_37 = arith.constant 64 : i32
    %dma_start3A_38 = tpu.memref_slice %arg7[%dma_start3A_33, %dma_start3A_37] : memref<40x125xi32, #tpu.memory_space<vmem>> -> memref<1x61xi32, #tpu.memory_space<vmem>>
    %dma_start3A_39 = tpu.memref_squeeze %dma_start3A_38 : memref<1x61xi32, #tpu.memory_space<vmem>> -> memref<61xi32, #tpu.memory_space<vmem>>
    %dma_start3A_40 = arith.constant 0 : i32
    %dma_start3A_41 = arith.constant 0 : i32
    %dma_start3A_42 = tpu.memref_slice %arg2[%dma_start3A_40, %dma_start3A_41] : memref<10000x128xf32, #tpu.memory_space<hbm>> -> memref<10000x128xf32, #tpu.memory_space<hbm>>
    tpu.enqueue_indirect_dma source(%dma_start3A_42 : memref<10000x128xf32, #tpu.memory_space<hbm>>) target(%dma_start3A_36 : memref<61x128xf32, #tpu.memory_space<vmem>>) offsets(%dma_start3A_39 : memref<61xi32, #tpu.memory_space<vmem>>) semaphore(%arg15 : memref<!tpu.dma_semaphore, #tpu.memory_space<semaphore_mem>>)
    %eq3A = arith.constant 0 : i32
    %eq3A_43 = arith.cmpi eq, %arg0, %eq3A : i32
    %lt3A = arith.constant 15 : i32
    %lt3A_44 = arith.cmpi slt, %arg1, %lt3A : i32
    %and3A = arith.andi %eq3A_43, %lt3A_44 : i1
    %convert_element_type3A = arith.extui %and3A : i1 to i32
    %cond3A = arith.constant 0 : i32
    %cond3A_45 = arith.cmpi ne, %convert_element_type3A, %cond3A : i32
    scf.if %cond3A_45 {
      "tpu.region"() ({
        %run_scoped3A_131 = tpu.sem_alloc : memref<!tpu.dma_semaphore, #tpu.memory_space<semaphore_mem>>
        %dma_start3A_132 = arith.constant 0 : i32
        %dma_start3A_133 = tpu.memref_slice %arg11[%mul3A_2, %dma_start3A_132] : memref<10000x128xf32, #tpu.memory_space<vmem_shared>> -> memref<632x128xf32, #tpu.memory_space<vmem_shared>>
        %dma_start3A_134 = arith.constant 0 : i32
        %dma_start3A_135 = tpu.memref_slice %arg2[%mul3A_2, %dma_start3A_134] : memref<10000x128xf32, #tpu.memory_space<hbm>> -> memref<632x128xf32, #tpu.memory_space<hbm>>
        tpu.enqueue_dma source(%dma_start3A_135 : memref<632x128xf32, #tpu.memory_space<hbm>>) target(%dma_start3A_133 : memref<632x128xf32, #tpu.memory_space<vmem_shared>>) target_semaphore(%run_scoped3A_131 : memref<!tpu.dma_semaphore, #tpu.memory_space<semaphore_mem>>)
        %dma_wait3A = arith.constant 0 : i32
        %dma_wait3A_136 = tpu.memref_slice %arg11[%mul3A_2, %dma_wait3A] : memref<10000x128xf32, #tpu.memory_space<vmem_shared>> -> memref<632x128xf32, #tpu.memory_space<vmem_shared>>
        %dma_wait3A_137 = arith.constant 0 : i32
        %dma_wait3A_138 = tpu.memref_slice %arg2[%mul3A_2, %dma_wait3A_137] : memref<10000x128xf32, #tpu.memory_space<hbm>> -> memref<632x128xf32, #tpu.memory_space<hbm>>
        tpu.wait_dma2 semaphore(%run_scoped3A_131 : memref<!tpu.dma_semaphore, #tpu.memory_space<semaphore_mem>>) src(%dma_wait3A_138 : memref<632x128xf32, #tpu.memory_space<hbm>>) dst(%dma_wait3A_136 : memref<632x128xf32, #tpu.memory_space<vmem_shared>>)
        tpu.yield
      }) : () -> ()
    } else {
    }
    %eq3A_46 = arith.constant 0 : i32
    %eq3A_47 = arith.cmpi eq, %arg0, %eq3A_46 : i32
    %eq3A_48 = arith.constant 15 : i32
    %eq3A_49 = arith.cmpi eq, %arg1, %eq3A_48 : i32
    %and3A_50 = arith.andi %eq3A_47, %eq3A_49 : i1
    %convert_element_type3A_51 = arith.extui %and3A_50 : i1 to i32
    %cond3A_52 = arith.constant 0 : i32
    %cond3A_53 = arith.cmpi ne, %convert_element_type3A_51, %cond3A_52 : i32
    scf.if %cond3A_53 {
      "tpu.region"() ({
        %run_scoped3A_131 = tpu.sem_alloc : memref<!tpu.dma_semaphore, #tpu.memory_space<semaphore_mem>>
        %dma_start3A_132 = arith.constant 9480 : i32
        %dma_start3A_133 = arith.constant 0 : i32
        %dma_start3A_134 = tpu.memref_slice %arg11[%dma_start3A_132, %dma_start3A_133] : memref<10000x128xf32, #tpu.memory_space<vmem_shared>> -> memref<520x128xf32, #tpu.memory_space<vmem_shared>>
        %dma_start3A_135 = arith.constant 9480 : i32
        %dma_start3A_136 = arith.constant 0 : i32
        %dma_start3A_137 = tpu.memref_slice %arg2[%dma_start3A_135, %dma_start3A_136] : memref<10000x128xf32, #tpu.memory_space<hbm>> -> memref<520x128xf32, #tpu.memory_space<hbm>>
        tpu.enqueue_dma source(%dma_start3A_137 : memref<520x128xf32, #tpu.memory_space<hbm>>) target(%dma_start3A_134 : memref<520x128xf32, #tpu.memory_space<vmem_shared>>) target_semaphore(%run_scoped3A_131 : memref<!tpu.dma_semaphore, #tpu.memory_space<semaphore_mem>>)
        %dma_wait3A = arith.constant 9480 : i32
        %dma_wait3A_138 = arith.constant 0 : i32
        %dma_wait3A_139 = tpu.memref_slice %arg11[%dma_wait3A, %dma_wait3A_138] : memref<10000x128xf32, #tpu.memory_space<vmem_shared>> -> memref<520x128xf32, #tpu.memory_space<vmem_shared>>
        %dma_wait3A_140 = arith.constant 9480 : i32
        %dma_wait3A_141 = arith.constant 0 : i32
        %dma_wait3A_142 = tpu.memref_slice %arg2[%dma_wait3A_140, %dma_wait3A_141] : memref<10000x128xf32, #tpu.memory_space<hbm>> -> memref<520x128xf32, #tpu.memory_space<hbm>>
        tpu.wait_dma2 semaphore(%run_scoped3A_131 : memref<!tpu.dma_semaphore, #tpu.memory_space<semaphore_mem>>) src(%dma_wait3A_142 : memref<520x128xf32, #tpu.memory_space<hbm>>) dst(%dma_wait3A_139 : memref<520x128xf32, #tpu.memory_space<vmem_shared>>)
        tpu.yield
      }) : () -> ()
    } else {
    }
    %ne3A = arith.constant 0 : i32
    %ne3A_54 = arith.cmpi ne, %arg0, %ne3A : i32
    %lt3A_55 = arith.constant 15 : i32
    %lt3A_56 = arith.cmpi slt, %arg1, %lt3A_55 : i32
    %and3A_57 = arith.andi %ne3A_54, %lt3A_56 : i1
    %convert_element_type3A_58 = arith.extui %and3A_57 : i1 to i32
    %cond3A_59 = arith.constant 0 : i32
    %cond3A_60 = arith.cmpi ne, %convert_element_type3A_58, %cond3A_59 : i32
    scf.if %cond3A_60 {
      "tpu.region"() ({
        %run_scoped3A_131 = tpu.sem_alloc : memref<!tpu.dma_semaphore, #tpu.memory_space<semaphore_mem>>
        %dma_start3A_132 = arith.constant 0 : i32
        %dma_start3A_133 = tpu.memref_slice %arg11[%mul3A_2, %dma_start3A_132] : memref<10000x128xf32, #tpu.memory_space<vmem_shared>> -> memref<632x128xf32, #tpu.memory_space<vmem_shared>>
        %dma_start3A_134 = arith.constant 0 : i32
        %dma_start3A_135 = tpu.memref_slice %arg3[%mul3A_2, %dma_start3A_134] : memref<10000x128xf32, #tpu.memory_space<hbm>> -> memref<632x128xf32, #tpu.memory_space<hbm>>
        tpu.enqueue_dma source(%dma_start3A_135 : memref<632x128xf32, #tpu.memory_space<hbm>>) target(%dma_start3A_133 : memref<632x128xf32, #tpu.memory_space<vmem_shared>>) target_semaphore(%run_scoped3A_131 : memref<!tpu.dma_semaphore, #tpu.memory_space<semaphore_mem>>)
        %dma_wait3A = arith.constant 0 : i32
        %dma_wait3A_136 = tpu.memref_slice %arg11[%mul3A_2, %dma_wait3A] : memref<10000x128xf32, #tpu.memory_space<vmem_shared>> -> memref<632x128xf32, #tpu.memory_space<vmem_shared>>
        %dma_wait3A_137 = arith.constant 0 : i32
        %dma_wait3A_138 = tpu.memref_slice %arg3[%mul3A_2, %dma_wait3A_137] : memref<10000x128xf32, #tpu.memory_space<hbm>> -> memref<632x128xf32, #tpu.memory_space<hbm>>
        tpu.wait_dma2 semaphore(%run_scoped3A_131 : memref<!tpu.dma_semaphore, #tpu.memory_space<semaphore_mem>>) src(%dma_wait3A_138 : memref<632x128xf32, #tpu.memory_space<hbm>>) dst(%dma_wait3A_136 : memref<632x128xf32, #tpu.memory_space<vmem_shared>>)
        tpu.yield
      }) : () -> ()
    } else {
    }
    %ne3A_61 = arith.constant 0 : i32
    %ne3A_62 = arith.cmpi ne, %arg0, %ne3A_61 : i32
    %eq3A_63 = arith.constant 15 : i32
    %eq3A_64 = arith.cmpi eq, %arg1, %eq3A_63 : i32
    %and3A_65 = arith.andi %ne3A_62, %eq3A_64 : i1
    %convert_element_type3A_66 = arith.extui %and3A_65 : i1 to i32
    %cond3A_67 = arith.constant 0 : i32
    %cond3A_68 = arith.cmpi ne, %convert_element_type3A_66, %cond3A_67 : i32
    scf.if %cond3A_68 {
      "tpu.region"() ({
        %run_scoped3A_131 = tpu.sem_alloc : memref<!tpu.dma_semaphore, #tpu.memory_space<semaphore_mem>>
        %dma_start3A_132 = arith.constant 9480 : i32
        %dma_start3A_133 = arith.constant 0 : i32
        %dma_start3A_134 = tpu.memref_slice %arg11[%dma_start3A_132, %dma_start3A_133] : memref<10000x128xf32, #tpu.memory_space<vmem_shared>> -> memref<520x128xf32, #tpu.memory_space<vmem_shared>>
        %dma_start3A_135 = arith.constant 9480 : i32
        %dma_start3A_136 = arith.constant 0 : i32
        %dma_start3A_137 = tpu.memref_slice %arg3[%dma_start3A_135, %dma_start3A_136] : memref<10000x128xf32, #tpu.memory_space<hbm>> -> memref<520x128xf32, #tpu.memory_space<hbm>>
        tpu.enqueue_dma source(%dma_start3A_137 : memref<520x128xf32, #tpu.memory_space<hbm>>) target(%dma_start3A_134 : memref<520x128xf32, #tpu.memory_space<vmem_shared>>) target_semaphore(%run_scoped3A_131 : memref<!tpu.dma_semaphore, #tpu.memory_space<semaphore_mem>>)
        %dma_wait3A = arith.constant 9480 : i32
        %dma_wait3A_138 = arith.constant 0 : i32
        %dma_wait3A_139 = tpu.memref_slice %arg11[%dma_wait3A, %dma_wait3A_138] : memref<10000x128xf32, #tpu.memory_space<vmem_shared>> -> memref<520x128xf32, #tpu.memory_space<vmem_shared>>
        %dma_wait3A_140 = arith.constant 9480 : i32
        %dma_wait3A_141 = arith.constant 0 : i32
        %dma_wait3A_142 = tpu.memref_slice %arg3[%dma_wait3A_140, %dma_wait3A_141] : memref<10000x128xf32, #tpu.memory_space<hbm>> -> memref<520x128xf32, #tpu.memory_space<hbm>>
        tpu.wait_dma2 semaphore(%run_scoped3A_131 : memref<!tpu.dma_semaphore, #tpu.memory_space<semaphore_mem>>) src(%dma_wait3A_142 : memref<520x128xf32, #tpu.memory_space<hbm>>) dst(%dma_wait3A_139 : memref<520x128xf32, #tpu.memory_space<vmem_shared>>)
        tpu.yield
      }) : () -> ()
    } else {
    }
    %barrier3A = arith.constant 0 : index
    tpu.barrier barrier_id(%barrier3A)
    %scan3A = arith.constant 0 : i32
    %scan3A_69 = arith.constant 20 : i32
    %scan3A_70 = arith.addi %scan3A, %scan3A_69 : i32
    %scan3A_71 = arith.constant 1 : i32
    scf.for %scan3A_131 = %scan3A to %scan3A_70 step %scan3A_71  : i32 {
      %mul3A_132 = arith.constant 2 : i32
      %mul3A_133 = arith.muli %scan3A_131, %mul3A_132 : i32
      %add3A_134 = arith.constant 0 : i32
      %add3A_135 = arith.addi %add3A_134, %mul3A_133 : i32
      %dma_wait3A = arith.constant 0 : i32
      %dma_wait3A_136 = arith.constant 0 : i32
      %dma_wait3A_137 = tpu.memref_slice %arg9[%dma_wait3A, %dma_wait3A_136] : memref<125x128xf32, #tpu.memory_space<vmem>> -> memref<64x128xf32, #tpu.memory_space<vmem>>
      %dma_wait3A_138 = arith.constant 0 : i32
      %dma_wait3A_139 = tpu.memref_slice %arg7[%add3A_135, %dma_wait3A_138] : memref<40x125xi32, #tpu.memory_space<vmem>> -> memref<1x64xi32, #tpu.memory_space<vmem>>
      %dma_wait3A_140 = tpu.memref_squeeze %dma_wait3A_139 : memref<1x64xi32, #tpu.memory_space<vmem>> -> memref<64xi32, #tpu.memory_space<vmem>>
      %dma_wait3A_141 = arith.constant 0 : i32
      %dma_wait3A_142 = arith.constant 0 : i32
      %dma_wait3A_143 = tpu.memref_slice %arg2[%dma_wait3A_141, %dma_wait3A_142] : memref<10000x128xf32, #tpu.memory_space<hbm>> -> memref<10000x128xf32, #tpu.memory_space<hbm>>
      tpu.wait_indirect_dma semaphore(%arg12 : memref<!tpu.dma_semaphore, #tpu.memory_space<semaphore_mem>>) src(%dma_wait3A_143 : memref<10000x128xf32, #tpu.memory_space<hbm>>) dst(%dma_wait3A_137 : memref<64x128xf32, #tpu.memory_space<vmem>>)
      %dma_wait3A_144 = arith.constant 64 : i32
      %dma_wait3A_145 = arith.constant 0 : i32
      %dma_wait3A_146 = tpu.memref_slice %arg9[%dma_wait3A_144, %dma_wait3A_145] : memref<125x128xf32, #tpu.memory_space<vmem>> -> memref<61x128xf32, #tpu.memory_space<vmem>>
      %dma_wait3A_147 = arith.constant 64 : i32
      %dma_wait3A_148 = tpu.memref_slice %arg7[%add3A_135, %dma_wait3A_147] : memref<40x125xi32, #tpu.memory_space<vmem>> -> memref<1x61xi32, #tpu.memory_space<vmem>>
      %dma_wait3A_149 = tpu.memref_squeeze %dma_wait3A_148 : memref<1x61xi32, #tpu.memory_space<vmem>> -> memref<61xi32, #tpu.memory_space<vmem>>
      %dma_wait3A_150 = arith.constant 0 : i32
      %dma_wait3A_151 = arith.constant 0 : i32
      %dma_wait3A_152 = tpu.memref_slice %arg2[%dma_wait3A_150, %dma_wait3A_151] : memref<10000x128xf32, #tpu.memory_space<hbm>> -> memref<10000x128xf32, #tpu.memory_space<hbm>>
      tpu.wait_indirect_dma semaphore(%arg13 : memref<!tpu.dma_semaphore, #tpu.memory_space<semaphore_mem>>) src(%dma_wait3A_152 : memref<10000x128xf32, #tpu.memory_space<hbm>>) dst(%dma_wait3A_146 : memref<61x128xf32, #tpu.memory_space<vmem>>)
      %dma_start3A_153 = arith.constant 0 : i32
      %dma_start3A_154 = arith.constant 0 : i32
      %dma_start3A_155 = tpu.memref_slice %arg9[%dma_start3A_153, %dma_start3A_154] : memref<125x128xf32, #tpu.memory_space<vmem>> -> memref<64x128xf32, #tpu.memory_space<vmem>>
      %dma_start3A_156 = arith.constant 0 : i32
      %dma_start3A_157 = tpu.memref_slice %arg8[%add3A_135, %dma_start3A_156] : memref<40x125xi32, #tpu.memory_space<vmem>> -> memref<1x64xi32, #tpu.memory_space<vmem>>
      %dma_start3A_158 = tpu.memref_squeeze %dma_start3A_157 : memref<1x64xi32, #tpu.memory_space<vmem>> -> memref<64xi32, #tpu.memory_space<vmem>>
      %dma_start3A_159 = arith.constant 0 : i32
      %dma_start3A_160 = arith.constant 0 : i32
      %dma_start3A_161 = tpu.memref_slice %arg11[%dma_start3A_159, %dma_start3A_160] : memref<10000x128xf32, #tpu.memory_space<vmem_shared>> -> memref<10000x128xf32, #tpu.memory_space<vmem_shared>>
      tpu.enqueue_indirect_dma source(%dma_start3A_155 : memref<64x128xf32, #tpu.memory_space<vmem>>) target(%dma_start3A_161 : memref<10000x128xf32, #tpu.memory_space<vmem_shared>>) offsets(%dma_start3A_158 : memref<64xi32, #tpu.memory_space<vmem>>) semaphore(%arg16 : memref<!tpu.dma_semaphore, #tpu.memory_space<semaphore_mem>>) {add = true}
      %dma_start3A_162 = arith.constant 64 : i32
      %dma_start3A_163 = arith.constant 0 : i32
      %dma_start3A_164 = tpu.memref_slice %arg9[%dma_start3A_162, %dma_start3A_163] : memref<125x128xf32, #tpu.memory_space<vmem>> -> memref<61x128xf32, #tpu.memory_space<vmem>>
      %dma_start3A_165 = arith.constant 64 : i32
      %dma_start3A_166 = tpu.memref_slice %arg8[%add3A_135, %dma_start3A_165] : memref<40x125xi32, #tpu.memory_space<vmem>> -> memref<1x61xi32, #tpu.memory_space<vmem>>
      %dma_start3A_167 = tpu.memref_squeeze %dma_start3A_166 : memref<1x61xi32, #tpu.memory_space<vmem>> -> memref<61xi32, #tpu.memory_space<vmem>>
      %dma_start3A_168 = arith.constant 0 : i32
      %dma_start3A_169 = arith.constant 0 : i32
      %dma_start3A_170 = tpu.memref_slice %arg11[%dma_start3A_168, %dma_start3A_169] : memref<10000x128xf32, #tpu.memory_space<vmem_shared>> -> memref<10000x128xf32, #tpu.memory_space<vmem_shared>>
      tpu.enqueue_indirect_dma source(%dma_start3A_164 : memref<61x128xf32, #tpu.memory_space<vmem>>) target(%dma_start3A_170 : memref<10000x128xf32, #tpu.memory_space<vmem_shared>>) offsets(%dma_start3A_167 : memref<61xi32, #tpu.memory_space<vmem>>) semaphore(%arg17 : memref<!tpu.dma_semaphore, #tpu.memory_space<semaphore_mem>>) {add = true}
      %add3A_171 = arith.constant 1 : i32
      %add3A_172 = arith.addi %add3A_135, %add3A_171 : i32
      %dma_wait3A_173 = arith.constant 0 : i32
      %dma_wait3A_174 = arith.constant 0 : i32
      %dma_wait3A_175 = tpu.memref_slice %arg10[%dma_wait3A_173, %dma_wait3A_174] : memref<125x128xf32, #tpu.memory_space<vmem>> -> memref<64x128xf32, #tpu.memory_space<vmem>>
      %dma_wait3A_176 = arith.constant 0 : i32
      %dma_wait3A_177 = tpu.memref_slice %arg7[%add3A_172, %dma_wait3A_176] : memref<40x125xi32, #tpu.memory_space<vmem>> -> memref<1x64xi32, #tpu.memory_space<vmem>>
      %dma_wait3A_178 = tpu.memref_squeeze %dma_wait3A_177 : memref<1x64xi32, #tpu.memory_space<vmem>> -> memref<64xi32, #tpu.memory_space<vmem>>
      %dma_wait3A_179 = arith.constant 0 : i32
      %dma_wait3A_180 = arith.constant 0 : i32
      %dma_wait3A_181 = tpu.memref_slice %arg2[%dma_wait3A_179, %dma_wait3A_180] : memref<10000x128xf32, #tpu.memory_space<hbm>> -> memref<10000x128xf32, #tpu.memory_space<hbm>>
      tpu.wait_indirect_dma semaphore(%arg14 : memref<!tpu.dma_semaphore, #tpu.memory_space<semaphore_mem>>) src(%dma_wait3A_181 : memref<10000x128xf32, #tpu.memory_space<hbm>>) dst(%dma_wait3A_175 : memref<64x128xf32, #tpu.memory_space<vmem>>)
      %dma_wait3A_182 = arith.constant 64 : i32
      %dma_wait3A_183 = arith.constant 0 : i32
      %dma_wait3A_184 = tpu.memref_slice %arg10[%dma_wait3A_182, %dma_wait3A_183] : memref<125x128xf32, #tpu.memory_space<vmem>> -> memref<61x128xf32, #tpu.memory_space<vmem>>
      %dma_wait3A_185 = arith.constant 64 : i32
      %dma_wait3A_186 = tpu.memref_slice %arg7[%add3A_172, %dma_wait3A_185] : memref<40x125xi32, #tpu.memory_space<vmem>> -> memref<1x61xi32, #tpu.memory_space<vmem>>
      %dma_wait3A_187 = tpu.memref_squeeze %dma_wait3A_186 : memref<1x61xi32, #tpu.memory_space<vmem>> -> memref<61xi32, #tpu.memory_space<vmem>>
      %dma_wait3A_188 = arith.constant 0 : i32
      %dma_wait3A_189 = arith.constant 0 : i32
      %dma_wait3A_190 = tpu.memref_slice %arg2[%dma_wait3A_188, %dma_wait3A_189] : memref<10000x128xf32, #tpu.memory_space<hbm>> -> memref<10000x128xf32, #tpu.memory_space<hbm>>
      tpu.wait_indirect_dma semaphore(%arg15 : memref<!tpu.dma_semaphore, #tpu.memory_space<semaphore_mem>>) src(%dma_wait3A_190 : memref<10000x128xf32, #tpu.memory_space<hbm>>) dst(%dma_wait3A_184 : memref<61x128xf32, #tpu.memory_space<vmem>>)
      %add3A_191 = arith.constant 1 : i32
      %add3A_192 = arith.addi %add3A_135, %add3A_191 : i32
      %dma_start3A_193 = arith.constant 0 : i32
      %dma_start3A_194 = arith.constant 0 : i32
      %dma_start3A_195 = tpu.memref_slice %arg10[%dma_start3A_193, %dma_start3A_194] : memref<125x128xf32, #tpu.memory_space<vmem>> -> memref<64x128xf32, #tpu.memory_space<vmem>>
      %dma_start3A_196 = arith.constant 0 : i32
      %dma_start3A_197 = tpu.memref_slice %arg8[%add3A_192, %dma_start3A_196] : memref<40x125xi32, #tpu.memory_space<vmem>> -> memref<1x64xi32, #tpu.memory_space<vmem>>
      %dma_start3A_198 = tpu.memref_squeeze %dma_start3A_197 : memref<1x64xi32, #tpu.memory_space<vmem>> -> memref<64xi32, #tpu.memory_space<vmem>>
      %dma_start3A_199 = arith.constant 0 : i32
      %dma_start3A_200 = arith.constant 0 : i32
      %dma_start3A_201 = tpu.memref_slice %arg11[%dma_start3A_199, %dma_start3A_200] : memref<10000x128xf32, #tpu.memory_space<vmem_shared>> -> memref<10000x128xf32, #tpu.memory_space<vmem_shared>>
      tpu.enqueue_indirect_dma source(%dma_start3A_195 : memref<64x128xf32, #tpu.memory_space<vmem>>) target(%dma_start3A_201 : memref<10000x128xf32, #tpu.memory_space<vmem_shared>>) offsets(%dma_start3A_198 : memref<64xi32, #tpu.memory_space<vmem>>) semaphore(%arg18 : memref<!tpu.dma_semaphore, #tpu.memory_space<semaphore_mem>>) {add = true}
      %dma_start3A_202 = arith.constant 64 : i32
      %dma_start3A_203 = arith.constant 0 : i32
      %dma_start3A_204 = tpu.memref_slice %arg10[%dma_start3A_202, %dma_start3A_203] : memref<125x128xf32, #tpu.memory_space<vmem>> -> memref<61x128xf32, #tpu.memory_space<vmem>>
      %dma_start3A_205 = arith.constant 64 : i32
      %dma_start3A_206 = tpu.memref_slice %arg8[%add3A_192, %dma_start3A_205] : memref<40x125xi32, #tpu.memory_space<vmem>> -> memref<1x61xi32, #tpu.memory_space<vmem>>
      %dma_start3A_207 = tpu.memref_squeeze %dma_start3A_206 : memref<1x61xi32, #tpu.memory_space<vmem>> -> memref<61xi32, #tpu.memory_space<vmem>>
      %dma_start3A_208 = arith.constant 0 : i32
      %dma_start3A_209 = arith.constant 0 : i32
      %dma_start3A_210 = tpu.memref_slice %arg11[%dma_start3A_208, %dma_start3A_209] : memref<10000x128xf32, #tpu.memory_space<vmem_shared>> -> memref<10000x128xf32, #tpu.memory_space<vmem_shared>>
      tpu.enqueue_indirect_dma source(%dma_start3A_204 : memref<61x128xf32, #tpu.memory_space<vmem>>) target(%dma_start3A_210 : memref<10000x128xf32, #tpu.memory_space<vmem_shared>>) offsets(%dma_start3A_207 : memref<61xi32, #tpu.memory_space<vmem>>) semaphore(%arg19 : memref<!tpu.dma_semaphore, #tpu.memory_space<semaphore_mem>>) {add = true}
      %dma_wait3A_211 = arith.constant 0 : i32
      %dma_wait3A_212 = arith.constant 0 : i32
      %dma_wait3A_213 = tpu.memref_slice %arg9[%dma_wait3A_211, %dma_wait3A_212] : memref<125x128xf32, #tpu.memory_space<vmem>> -> memref<64x128xf32, #tpu.memory_space<vmem>>
      %dma_wait3A_214 = arith.constant 0 : i32
      %dma_wait3A_215 = tpu.memref_slice %arg8[%add3A_135, %dma_wait3A_214] : memref<40x125xi32, #tpu.memory_space<vmem>> -> memref<1x64xi32, #tpu.memory_space<vmem>>
      %dma_wait3A_216 = tpu.memref_squeeze %dma_wait3A_215 : memref<1x64xi32, #tpu.memory_space<vmem>> -> memref<64xi32, #tpu.memory_space<vmem>>
      %dma_wait3A_217 = arith.constant 0 : i32
      %dma_wait3A_218 = arith.constant 0 : i32
      %dma_wait3A_219 = tpu.memref_slice %arg11[%dma_wait3A_217, %dma_wait3A_218] : memref<10000x128xf32, #tpu.memory_space<vmem_shared>> -> memref<10000x128xf32, #tpu.memory_space<vmem_shared>>
      tpu.wait_indirect_dma semaphore(%arg16 : memref<!tpu.dma_semaphore, #tpu.memory_space<semaphore_mem>>) src(%dma_wait3A_213 : memref<64x128xf32, #tpu.memory_space<vmem>>) dst(%dma_wait3A_219 : memref<10000x128xf32, #tpu.memory_space<vmem_shared>>)
      %dma_wait3A_220 = arith.constant 64 : i32
      %dma_wait3A_221 = arith.constant 0 : i32
      %dma_wait3A_222 = tpu.memref_slice %arg9[%dma_wait3A_220, %dma_wait3A_221] : memref<125x128xf32, #tpu.memory_space<vmem>> -> memref<61x128xf32, #tpu.memory_space<vmem>>
      %dma_wait3A_223 = arith.constant 64 : i32
      %dma_wait3A_224 = tpu.memref_slice %arg8[%add3A_135, %dma_wait3A_223] : memref<40x125xi32, #tpu.memory_space<vmem>> -> memref<1x61xi32, #tpu.memory_space<vmem>>
      %dma_wait3A_225 = tpu.memref_squeeze %dma_wait3A_224 : memref<1x61xi32, #tpu.memory_space<vmem>> -> memref<61xi32, #tpu.memory_space<vmem>>
      %dma_wait3A_226 = arith.constant 0 : i32
      %dma_wait3A_227 = arith.constant 0 : i32
      %dma_wait3A_228 = tpu.memref_slice %arg11[%dma_wait3A_226, %dma_wait3A_227] : memref<10000x128xf32, #tpu.memory_space<vmem_shared>> -> memref<10000x128xf32, #tpu.memory_space<vmem_shared>>
      tpu.wait_indirect_dma semaphore(%arg17 : memref<!tpu.dma_semaphore, #tpu.memory_space<semaphore_mem>>) src(%dma_wait3A_222 : memref<61x128xf32, #tpu.memory_space<vmem>>) dst(%dma_wait3A_228 : memref<10000x128xf32, #tpu.memory_space<vmem_shared>>)
      %add3A_229 = arith.constant 2 : i32
      %add3A_230 = arith.addi %add3A_135, %add3A_229 : i32
      %lt3A_231 = arith.constant 40 : i32
      %lt3A_232 = arith.cmpi slt, %add3A_230, %lt3A_231 : i32
      %convert_element_type3A_233 = arith.extui %lt3A_232 : i1 to i32
      %cond3A_234 = arith.constant 0 : i32
      %cond3A_235 = arith.cmpi ne, %convert_element_type3A_233, %cond3A_234 : i32
      scf.if %cond3A_235 {
        %add3A_263 = arith.constant 2 : i32
        %add3A_264 = arith.addi %add3A_135, %add3A_263 : i32
        %dma_start3A_265 = arith.constant 0 : i32
        %dma_start3A_266 = arith.constant 0 : i32
        %dma_start3A_267 = tpu.memref_slice %arg9[%dma_start3A_265, %dma_start3A_266] : memref<125x128xf32, #tpu.memory_space<vmem>> -> memref<64x128xf32, #tpu.memory_space<vmem>>
        %dma_start3A_268 = arith.constant 0 : i32
        %dma_start3A_269 = tpu.memref_slice %arg7[%add3A_264, %dma_start3A_268] : memref<40x125xi32, #tpu.memory_space<vmem>> -> memref<1x64xi32, #tpu.memory_space<vmem>>
        %dma_start3A_270 = tpu.memref_squeeze %dma_start3A_269 : memref<1x64xi32, #tpu.memory_space<vmem>> -> memref<64xi32, #tpu.memory_space<vmem>>
        %dma_start3A_271 = arith.constant 0 : i32
        %dma_start3A_272 = arith.constant 0 : i32
        %dma_start3A_273 = tpu.memref_slice %arg2[%dma_start3A_271, %dma_start3A_272] : memref<10000x128xf32, #tpu.memory_space<hbm>> -> memref<10000x128xf32, #tpu.memory_space<hbm>>
        tpu.enqueue_indirect_dma source(%dma_start3A_273 : memref<10000x128xf32, #tpu.memory_space<hbm>>) target(%dma_start3A_267 : memref<64x128xf32, #tpu.memory_space<vmem>>) offsets(%dma_start3A_270 : memref<64xi32, #tpu.memory_space<vmem>>) semaphore(%arg12 : memref<!tpu.dma_semaphore, #tpu.memory_space<semaphore_mem>>)
        %dma_start3A_274 = arith.constant 64 : i32
        %dma_start3A_275 = arith.constant 0 : i32
        %dma_start3A_276 = tpu.memref_slice %arg9[%dma_start3A_274, %dma_start3A_275] : memref<125x128xf32, #tpu.memory_space<vmem>> -> memref<61x128xf32, #tpu.memory_space<vmem>>
        %dma_start3A_277 = arith.constant 64 : i32
        %dma_start3A_278 = tpu.memref_slice %arg7[%add3A_264, %dma_start3A_277] : memref<40x125xi32, #tpu.memory_space<vmem>> -> memref<1x61xi32, #tpu.memory_space<vmem>>
        %dma_start3A_279 = tpu.memref_squeeze %dma_start3A_278 : memref<1x61xi32, #tpu.memory_space<vmem>> -> memref<61xi32, #tpu.memory_space<vmem>>
        %dma_start3A_280 = arith.constant 0 : i32
        %dma_start3A_281 = arith.constant 0 : i32
        %dma_start3A_282 = tpu.memref_slice %arg2[%dma_start3A_280, %dma_start3A_281] : memref<10000x128xf32, #tpu.memory_space<hbm>> -> memref<10000x128xf32, #tpu.memory_space<hbm>>
        tpu.enqueue_indirect_dma source(%dma_start3A_282 : memref<10000x128xf32, #tpu.memory_space<hbm>>) target(%dma_start3A_276 : memref<61x128xf32, #tpu.memory_space<vmem>>) offsets(%dma_start3A_279 : memref<61xi32, #tpu.memory_space<vmem>>) semaphore(%arg13 : memref<!tpu.dma_semaphore, #tpu.memory_space<semaphore_mem>>)
      } else {
      }
      %add3A_236 = arith.constant 1 : i32
      %add3A_237 = arith.addi %add3A_135, %add3A_236 : i32
      %dma_wait3A_238 = arith.constant 0 : i32
      %dma_wait3A_239 = arith.constant 0 : i32
      %dma_wait3A_240 = tpu.memref_slice %arg10[%dma_wait3A_238, %dma_wait3A_239] : memref<125x128xf32, #tpu.memory_space<vmem>> -> memref<64x128xf32, #tpu.memory_space<vmem>>
      %dma_wait3A_241 = arith.constant 0 : i32
      %dma_wait3A_242 = tpu.memref_slice %arg8[%add3A_237, %dma_wait3A_241] : memref<40x125xi32, #tpu.memory_space<vmem>> -> memref<1x64xi32, #tpu.memory_space<vmem>>
      %dma_wait3A_243 = tpu.memref_squeeze %dma_wait3A_242 : memref<1x64xi32, #tpu.memory_space<vmem>> -> memref<64xi32, #tpu.memory_space<vmem>>
      %dma_wait3A_244 = arith.constant 0 : i32
      %dma_wait3A_245 = arith.constant 0 : i32
      %dma_wait3A_246 = tpu.memref_slice %arg11[%dma_wait3A_244, %dma_wait3A_245] : memref<10000x128xf32, #tpu.memory_space<vmem_shared>> -> memref<10000x128xf32, #tpu.memory_space<vmem_shared>>
      tpu.wait_indirect_dma semaphore(%arg18 : memref<!tpu.dma_semaphore, #tpu.memory_space<semaphore_mem>>) src(%dma_wait3A_240 : memref<64x128xf32, #tpu.memory_space<vmem>>) dst(%dma_wait3A_246 : memref<10000x128xf32, #tpu.memory_space<vmem_shared>>)
      %dma_wait3A_247 = arith.constant 64 : i32
      %dma_wait3A_248 = arith.constant 0 : i32
      %dma_wait3A_249 = tpu.memref_slice %arg10[%dma_wait3A_247, %dma_wait3A_248] : memref<125x128xf32, #tpu.memory_space<vmem>> -> memref<61x128xf32, #tpu.memory_space<vmem>>
      %dma_wait3A_250 = arith.constant 64 : i32
      %dma_wait3A_251 = tpu.memref_slice %arg8[%add3A_237, %dma_wait3A_250] : memref<40x125xi32, #tpu.memory_space<vmem>> -> memref<1x61xi32, #tpu.memory_space<vmem>>
      %dma_wait3A_252 = tpu.memref_squeeze %dma_wait3A_251 : memref<1x61xi32, #tpu.memory_space<vmem>> -> memref<61xi32, #tpu.memory_space<vmem>>
      %dma_wait3A_253 = arith.constant 0 : i32
      %dma_wait3A_254 = arith.constant 0 : i32
      %dma_wait3A_255 = tpu.memref_slice %arg11[%dma_wait3A_253, %dma_wait3A_254] : memref<10000x128xf32, #tpu.memory_space<vmem_shared>> -> memref<10000x128xf32, #tpu.memory_space<vmem_shared>>
      tpu.wait_indirect_dma semaphore(%arg19 : memref<!tpu.dma_semaphore, #tpu.memory_space<semaphore_mem>>) src(%dma_wait3A_249 : memref<61x128xf32, #tpu.memory_space<vmem>>) dst(%dma_wait3A_255 : memref<10000x128xf32, #tpu.memory_space<vmem_shared>>)
      %add3A_256 = arith.constant 3 : i32
      %add3A_257 = arith.addi %add3A_135, %add3A_256 : i32
      %lt3A_258 = arith.constant 40 : i32
      %lt3A_259 = arith.cmpi slt, %add3A_257, %lt3A_258 : i32
      %convert_element_type3A_260 = arith.extui %lt3A_259 : i1 to i32
      %cond3A_261 = arith.constant 0 : i32
      %cond3A_262 = arith.cmpi ne, %convert_element_type3A_260, %cond3A_261 : i32
      scf.if %cond3A_262 {
        %add3A_263 = arith.constant 3 : i32
        %add3A_264 = arith.addi %add3A_135, %add3A_263 : i32
        %dma_start3A_265 = arith.constant 0 : i32
        %dma_start3A_266 = arith.constant 0 : i32
        %dma_start3A_267 = tpu.memref_slice %arg10[%dma_start3A_265, %dma_start3A_266] : memref<125x128xf32, #tpu.memory_space<vmem>> -> memref<64x128xf32, #tpu.memory_space<vmem>>
        %dma_start3A_268 = arith.constant 0 : i32
        %dma_start3A_269 = tpu.memref_slice %arg7[%add3A_264, %dma_start3A_268] : memref<40x125xi32, #tpu.memory_space<vmem>> -> memref<1x64xi32, #tpu.memory_space<vmem>>
        %dma_start3A_270 = tpu.memref_squeeze %dma_start3A_269 : memref<1x64xi32, #tpu.memory_space<vmem>> -> memref<64xi32, #tpu.memory_space<vmem>>
        %dma_start3A_271 = arith.constant 0 : i32
        %dma_start3A_272 = arith.constant 0 : i32
        %dma_start3A_273 = tpu.memref_slice %arg2[%dma_start3A_271, %dma_start3A_272] : memref<10000x128xf32, #tpu.memory_space<hbm>> -> memref<10000x128xf32, #tpu.memory_space<hbm>>
        tpu.enqueue_indirect_dma source(%dma_start3A_273 : memref<10000x128xf32, #tpu.memory_space<hbm>>) target(%dma_start3A_267 : memref<64x128xf32, #tpu.memory_space<vmem>>) offsets(%dma_start3A_270 : memref<64xi32, #tpu.memory_space<vmem>>) semaphore(%arg14 : memref<!tpu.dma_semaphore, #tpu.memory_space<semaphore_mem>>)
        %dma_start3A_274 = arith.constant 64 : i32
        %dma_start3A_275 = arith.constant 0 : i32
        %dma_start3A_276 = tpu.memref_slice %arg10[%dma_start3A_274, %dma_start3A_275] : memref<125x128xf32, #tpu.memory_space<vmem>> -> memref<61x128xf32, #tpu.memory_space<vmem>>
        %dma_start3A_277 = arith.constant 64 : i32
        %dma_start3A_278 = tpu.memref_slice %arg7[%add3A_264, %dma_start3A_277] : memref<40x125xi32, #tpu.memory_space<vmem>> -> memref<1x61xi32, #tpu.memory_space<vmem>>
        %dma_start3A_279 = tpu.memref_squeeze %dma_start3A_278 : memref<1x61xi32, #tpu.memory_space<vmem>> -> memref<61xi32, #tpu.memory_space<vmem>>
        %dma_start3A_280 = arith.constant 0 : i32
        %dma_start3A_281 = arith.constant 0 : i32
        %dma_start3A_282 = tpu.memref_slice %arg2[%dma_start3A_280, %dma_start3A_281] : memref<10000x128xf32, #tpu.memory_space<hbm>> -> memref<10000x128xf32, #tpu.memory_space<hbm>>
        tpu.enqueue_indirect_dma source(%dma_start3A_282 : memref<10000x128xf32, #tpu.memory_space<hbm>>) target(%dma_start3A_276 : memref<61x128xf32, #tpu.memory_space<vmem>>) offsets(%dma_start3A_279 : memref<61xi32, #tpu.memory_space<vmem>>) semaphore(%arg15 : memref<!tpu.dma_semaphore, #tpu.memory_space<semaphore_mem>>)
      } else {
      }
    }
    %scan3A_72 = arith.constant 20 : i32
    %run_scoped3A_73 = arith.constant 1 : i32
    "tpu.region"() ({
      %run_scoped3A_131 = tpu.sem_alloc : memref<!tpu.dma_semaphore, #tpu.memory_space<semaphore_mem>>
      %dma_start3A_132 = arith.constant 0 : i32
      %dma_start3A_133 = arith.constant 0 : i32
      %dma_start3A_134 = tpu.memref_slice %arg4[%add3A, %run_scoped3A_73, %dma_start3A_132, %dma_start3A_133] : memref<32x2x40x125xi32, #tpu.memory_space<hbm>> -> memref<1x1x40x125xi32, #tpu.memory_space<hbm>>
      %dma_start3A_135 = tpu.memref_squeeze %dma_start3A_134 : memref<1x1x40x125xi32, #tpu.memory_space<hbm>> -> memref<40x125xi32, #tpu.memory_space<hbm>>
      %dma_start3A_136 = arith.constant 0 : i32
      %dma_start3A_137 = arith.constant 0 : i32
      %dma_start3A_138 = tpu.memref_slice %arg4[%add3A, %run_scoped3A_73, %dma_start3A_136, %dma_start3A_137] : memref<32x2x40x125xi32, #tpu.memory_space<hbm>> -> memref<1x1x40x125xi32, #tpu.memory_space<hbm>>
      %dma_start3A_139 = tpu.memref_squeeze %dma_start3A_138 : memref<1x1x40x125xi32, #tpu.memory_space<hbm>> -> memref<40x125xi32, #tpu.memory_space<hbm>>
      tpu.enqueue_dma source(%dma_start3A_139 : memref<40x125xi32, #tpu.memory_space<hbm>>) target(%arg7 : memref<40x125xi32, #tpu.memory_space<vmem>>) target_semaphore(%run_scoped3A_131 : memref<!tpu.dma_semaphore, #tpu.memory_space<semaphore_mem>>)
      %dma_wait3A = arith.constant 0 : i32
      %dma_wait3A_140 = arith.constant 0 : i32
      %dma_wait3A_141 = tpu.memref_slice %arg4[%add3A, %run_scoped3A_73, %dma_wait3A, %dma_wait3A_140] : memref<32x2x40x125xi32, #tpu.memory_space<hbm>> -> memref<1x1x40x125xi32, #tpu.memory_space<hbm>>
      %dma_wait3A_142 = tpu.memref_squeeze %dma_wait3A_141 : memref<1x1x40x125xi32, #tpu.memory_space<hbm>> -> memref<40x125xi32, #tpu.memory_space<hbm>>
      %dma_wait3A_143 = arith.constant 0 : i32
      %dma_wait3A_144 = arith.constant 0 : i32
      %dma_wait3A_145 = tpu.memref_slice %arg4[%add3A, %run_scoped3A_73, %dma_wait3A_143, %dma_wait3A_144] : memref<32x2x40x125xi32, #tpu.memory_space<hbm>> -> memref<1x1x40x125xi32, #tpu.memory_space<hbm>>
      %dma_wait3A_146 = tpu.memref_squeeze %dma_wait3A_145 : memref<1x1x40x125xi32, #tpu.memory_space<hbm>> -> memref<40x125xi32, #tpu.memory_space<hbm>>
      tpu.wait_dma2 semaphore(%run_scoped3A_131 : memref<!tpu.dma_semaphore, #tpu.memory_space<semaphore_mem>>) src(%dma_wait3A_146 : memref<40x125xi32, #tpu.memory_space<hbm>>) dst(%arg7 : memref<40x125xi32, #tpu.memory_space<vmem>>)
      tpu.yield
    }) : () -> ()
    %run_scoped3A_74 = arith.constant 1 : i32
    "tpu.region"() ({
      %run_scoped3A_131 = tpu.sem_alloc : memref<!tpu.dma_semaphore, #tpu.memory_space<semaphore_mem>>
      %dma_start3A_132 = arith.constant 0 : i32
      %dma_start3A_133 = arith.constant 0 : i32
      %dma_start3A_134 = tpu.memref_slice %arg5[%add3A, %run_scoped3A_74, %dma_start3A_132, %dma_start3A_133] : memref<32x2x40x125xi32, #tpu.memory_space<hbm>> -> memref<1x1x40x125xi32, #tpu.memory_space<hbm>>
      %dma_start3A_135 = tpu.memref_squeeze %dma_start3A_134 : memref<1x1x40x125xi32, #tpu.memory_space<hbm>> -> memref<40x125xi32, #tpu.memory_space<hbm>>
      %dma_start3A_136 = arith.constant 0 : i32
      %dma_start3A_137 = arith.constant 0 : i32
      %dma_start3A_138 = tpu.memref_slice %arg5[%add3A, %run_scoped3A_74, %dma_start3A_136, %dma_start3A_137] : memref<32x2x40x125xi32, #tpu.memory_space<hbm>> -> memref<1x1x40x125xi32, #tpu.memory_space<hbm>>
      %dma_start3A_139 = tpu.memref_squeeze %dma_start3A_138 : memref<1x1x40x125xi32, #tpu.memory_space<hbm>> -> memref<40x125xi32, #tpu.memory_space<hbm>>
      tpu.enqueue_dma source(%dma_start3A_139 : memref<40x125xi32, #tpu.memory_space<hbm>>) target(%arg8 : memref<40x125xi32, #tpu.memory_space<vmem>>) target_semaphore(%run_scoped3A_131 : memref<!tpu.dma_semaphore, #tpu.memory_space<semaphore_mem>>)
      %dma_wait3A = arith.constant 0 : i32
      %dma_wait3A_140 = arith.constant 0 : i32
      %dma_wait3A_141 = tpu.memref_slice %arg5[%add3A, %run_scoped3A_74, %dma_wait3A, %dma_wait3A_140] : memref<32x2x40x125xi32, #tpu.memory_space<hbm>> -> memref<1x1x40x125xi32, #tpu.memory_space<hbm>>
      %dma_wait3A_142 = tpu.memref_squeeze %dma_wait3A_141 : memref<1x1x40x125xi32, #tpu.memory_space<hbm>> -> memref<40x125xi32, #tpu.memory_space<hbm>>
      %dma_wait3A_143 = arith.constant 0 : i32
      %dma_wait3A_144 = arith.constant 0 : i32
      %dma_wait3A_145 = tpu.memref_slice %arg5[%add3A, %run_scoped3A_74, %dma_wait3A_143, %dma_wait3A_144] : memref<32x2x40x125xi32, #tpu.memory_space<hbm>> -> memref<1x1x40x125xi32, #tpu.memory_space<hbm>>
      %dma_wait3A_146 = tpu.memref_squeeze %dma_wait3A_145 : memref<1x1x40x125xi32, #tpu.memory_space<hbm>> -> memref<40x125xi32, #tpu.memory_space<hbm>>
      tpu.wait_dma2 semaphore(%run_scoped3A_131 : memref<!tpu.dma_semaphore, #tpu.memory_space<semaphore_mem>>) src(%dma_wait3A_146 : memref<40x125xi32, #tpu.memory_space<hbm>>) dst(%arg8 : memref<40x125xi32, #tpu.memory_space<vmem>>)
      tpu.yield
    }) : () -> ()
    %dma_start3A_75 = arith.constant 0 : i32
    %dma_start3A_76 = arith.constant 0 : i32
    %dma_start3A_77 = arith.constant 0 : i32
    %dma_start3A_78 = tpu.memref_slice %arg9[%dma_start3A_76, %dma_start3A_77] : memref<125x128xf32, #tpu.memory_space<vmem>> -> memref<64x128xf32, #tpu.memory_space<vmem>>
    %dma_start3A_79 = arith.constant 0 : i32
    %dma_start3A_80 = tpu.memref_slice %arg7[%dma_start3A_75, %dma_start3A_79] : memref<40x125xi32, #tpu.memory_space<vmem>> -> memref<1x64xi32, #tpu.memory_space<vmem>>
    %dma_start3A_81 = tpu.memref_squeeze %dma_start3A_80 : memref<1x64xi32, #tpu.memory_space<vmem>> -> memref<64xi32, #tpu.memory_space<vmem>>
    %dma_start3A_82 = arith.constant 0 : i32
    %dma_start3A_83 = arith.constant 0 : i32
    %dma_start3A_84 = tpu.memref_slice %arg2[%dma_start3A_82, %dma_start3A_83] : memref<10000x128xf32, #tpu.memory_space<hbm>> -> memref<10000x128xf32, #tpu.memory_space<hbm>>
    tpu.enqueue_indirect_dma source(%dma_start3A_84 : memref<10000x128xf32, #tpu.memory_space<hbm>>) target(%dma_start3A_78 : memref<64x128xf32, #tpu.memory_space<vmem>>) offsets(%dma_start3A_81 : memref<64xi32, #tpu.memory_space<vmem>>) semaphore(%arg12 : memref<!tpu.dma_semaphore, #tpu.memory_space<semaphore_mem>>)
    %dma_start3A_85 = arith.constant 0 : i32
    %dma_start3A_86 = arith.constant 64 : i32
    %dma_start3A_87 = arith.constant 0 : i32
    %dma_start3A_88 = tpu.memref_slice %arg9[%dma_start3A_86, %dma_start3A_87] : memref<125x128xf32, #tpu.memory_space<vmem>> -> memref<61x128xf32, #tpu.memory_space<vmem>>
    %dma_start3A_89 = arith.constant 64 : i32
    %dma_start3A_90 = tpu.memref_slice %arg7[%dma_start3A_85, %dma_start3A_89] : memref<40x125xi32, #tpu.memory_space<vmem>> -> memref<1x61xi32, #tpu.memory_space<vmem>>
    %dma_start3A_91 = tpu.memref_squeeze %dma_start3A_90 : memref<1x61xi32, #tpu.memory_space<vmem>> -> memref<61xi32, #tpu.memory_space<vmem>>
    %dma_start3A_92 = arith.constant 0 : i32
    %dma_start3A_93 = arith.constant 0 : i32
    %dma_start3A_94 = tpu.memref_slice %arg2[%dma_start3A_92, %dma_start3A_93] : memref<10000x128xf32, #tpu.memory_space<hbm>> -> memref<10000x128xf32, #tpu.memory_space<hbm>>
    tpu.enqueue_indirect_dma source(%dma_start3A_94 : memref<10000x128xf32, #tpu.memory_space<hbm>>) target(%dma_start3A_88 : memref<61x128xf32, #tpu.memory_space<vmem>>) offsets(%dma_start3A_91 : memref<61xi32, #tpu.memory_space<vmem>>) semaphore(%arg13 : memref<!tpu.dma_semaphore, #tpu.memory_space<semaphore_mem>>)
    %dma_start3A_95 = arith.constant 1 : i32
    %dma_start3A_96 = arith.constant 0 : i32
    %dma_start3A_97 = arith.constant 0 : i32
    %dma_start3A_98 = tpu.memref_slice %arg10[%dma_start3A_96, %dma_start3A_97] : memref<125x128xf32, #tpu.memory_space<vmem>> -> memref<64x128xf32, #tpu.memory_space<vmem>>
    %dma_start3A_99 = arith.constant 0 : i32
    %dma_start3A_100 = tpu.memref_slice %arg7[%dma_start3A_95, %dma_start3A_99] : memref<40x125xi32, #tpu.memory_space<vmem>> -> memref<1x64xi32, #tpu.memory_space<vmem>>
    %dma_start3A_101 = tpu.memref_squeeze %dma_start3A_100 : memref<1x64xi32, #tpu.memory_space<vmem>> -> memref<64xi32, #tpu.memory_space<vmem>>
    %dma_start3A_102 = arith.constant 0 : i32
    %dma_start3A_103 = arith.constant 0 : i32
    %dma_start3A_104 = tpu.memref_slice %arg2[%dma_start3A_102, %dma_start3A_103] : memref<10000x128xf32, #tpu.memory_space<hbm>> -> memref<10000x128xf32, #tpu.memory_space<hbm>>
    tpu.enqueue_indirect_dma source(%dma_start3A_104 : memref<10000x128xf32, #tpu.memory_space<hbm>>) target(%dma_start3A_98 : memref<64x128xf32, #tpu.memory_space<vmem>>) offsets(%dma_start3A_101 : memref<64xi32, #tpu.memory_space<vmem>>) semaphore(%arg14 : memref<!tpu.dma_semaphore, #tpu.memory_space<semaphore_mem>>)
    %dma_start3A_105 = arith.constant 1 : i32
    %dma_start3A_106 = arith.constant 64 : i32
    %dma_start3A_107 = arith.constant 0 : i32
    %dma_start3A_108 = tpu.memref_slice %arg10[%dma_start3A_106, %dma_start3A_107] : memref<125x128xf32, #tpu.memory_space<vmem>> -> memref<61x128xf32, #tpu.memory_space<vmem>>
    %dma_start3A_109 = arith.constant 64 : i32
    %dma_start3A_110 = tpu.memref_slice %arg7[%dma_start3A_105, %dma_start3A_109] : memref<40x125xi32, #tpu.memory_space<vmem>> -> memref<1x61xi32, #tpu.memory_space<vmem>>
    %dma_start3A_111 = tpu.memref_squeeze %dma_start3A_110 : memref<1x61xi32, #tpu.memory_space<vmem>> -> memref<61xi32, #tpu.memory_space<vmem>>
    %dma_start3A_112 = arith.constant 0 : i32
    %dma_start3A_113 = arith.constant 0 : i32
    %dma_start3A_114 = tpu.memref_slice %arg2[%dma_start3A_112, %dma_start3A_113] : memref<10000x128xf32, #tpu.memory_space<hbm>> -> memref<10000x128xf32, #tpu.memory_space<hbm>>
    tpu.enqueue_indirect_dma source(%dma_start3A_114 : memref<10000x128xf32, #tpu.memory_space<hbm>>) target(%dma_start3A_108 : memref<61x128xf32, #tpu.memory_space<vmem>>) offsets(%dma_start3A_111 : memref<61xi32, #tpu.memory_space<vmem>>) semaphore(%arg15 : memref<!tpu.dma_semaphore, #tpu.memory_space<semaphore_mem>>)
    %scan3A_115 = arith.constant 0 : i32
    %scan3A_116 = arith.constant 20 : i32
    %scan3A_117 = arith.addi %scan3A_115, %scan3A_116 : i32
    %scan3A_118 = arith.constant 1 : i32
    scf.for %scan3A_131 = %scan3A_115 to %scan3A_117 step %scan3A_118  : i32 {
      %mul3A_132 = arith.constant 2 : i32
      %mul3A_133 = arith.muli %scan3A_131, %mul3A_132 : i32
      %add3A_134 = arith.constant 0 : i32
      %add3A_135 = arith.addi %add3A_134, %mul3A_133 : i32
      %dma_wait3A = arith.constant 0 : i32
      %dma_wait3A_136 = arith.constant 0 : i32
      %dma_wait3A_137 = tpu.memref_slice %arg9[%dma_wait3A, %dma_wait3A_136] : memref<125x128xf32, #tpu.memory_space<vmem>> -> memref<64x128xf32, #tpu.memory_space<vmem>>
      %dma_wait3A_138 = arith.constant 0 : i32
      %dma_wait3A_139 = tpu.memref_slice %arg7[%add3A_135, %dma_wait3A_138] : memref<40x125xi32, #tpu.memory_space<vmem>> -> memref<1x64xi32, #tpu.memory_space<vmem>>
      %dma_wait3A_140 = tpu.memref_squeeze %dma_wait3A_139 : memref<1x64xi32, #tpu.memory_space<vmem>> -> memref<64xi32, #tpu.memory_space<vmem>>
      %dma_wait3A_141 = arith.constant 0 : i32
      %dma_wait3A_142 = arith.constant 0 : i32
      %dma_wait3A_143 = tpu.memref_slice %arg2[%dma_wait3A_141, %dma_wait3A_142] : memref<10000x128xf32, #tpu.memory_space<hbm>> -> memref<10000x128xf32, #tpu.memory_space<hbm>>
      tpu.wait_indirect_dma semaphore(%arg12 : memref<!tpu.dma_semaphore, #tpu.memory_space<semaphore_mem>>) src(%dma_wait3A_143 : memref<10000x128xf32, #tpu.memory_space<hbm>>) dst(%dma_wait3A_137 : memref<64x128xf32, #tpu.memory_space<vmem>>)
      %dma_wait3A_144 = arith.constant 64 : i32
      %dma_wait3A_145 = arith.constant 0 : i32
      %dma_wait3A_146 = tpu.memref_slice %arg9[%dma_wait3A_144, %dma_wait3A_145] : memref<125x128xf32, #tpu.memory_space<vmem>> -> memref<61x128xf32, #tpu.memory_space<vmem>>
      %dma_wait3A_147 = arith.constant 64 : i32
      %dma_wait3A_148 = tpu.memref_slice %arg7[%add3A_135, %dma_wait3A_147] : memref<40x125xi32, #tpu.memory_space<vmem>> -> memref<1x61xi32, #tpu.memory_space<vmem>>
      %dma_wait3A_149 = tpu.memref_squeeze %dma_wait3A_148 : memref<1x61xi32, #tpu.memory_space<vmem>> -> memref<61xi32, #tpu.memory_space<vmem>>
      %dma_wait3A_150 = arith.constant 0 : i32
      %dma_wait3A_151 = arith.constant 0 : i32
      %dma_wait3A_152 = tpu.memref_slice %arg2[%dma_wait3A_150, %dma_wait3A_151] : memref<10000x128xf32, #tpu.memory_space<hbm>> -> memref<10000x128xf32, #tpu.memory_space<hbm>>
      tpu.wait_indirect_dma semaphore(%arg13 : memref<!tpu.dma_semaphore, #tpu.memory_space<semaphore_mem>>) src(%dma_wait3A_152 : memref<10000x128xf32, #tpu.memory_space<hbm>>) dst(%dma_wait3A_146 : memref<61x128xf32, #tpu.memory_space<vmem>>)
      %dma_start3A_153 = arith.constant 0 : i32
      %dma_start3A_154 = arith.constant 0 : i32
      %dma_start3A_155 = tpu.memref_slice %arg9[%dma_start3A_153, %dma_start3A_154] : memref<125x128xf32, #tpu.memory_space<vmem>> -> memref<64x128xf32, #tpu.memory_space<vmem>>
      %dma_start3A_156 = arith.constant 0 : i32
      %dma_start3A_157 = tpu.memref_slice %arg8[%add3A_135, %dma_start3A_156] : memref<40x125xi32, #tpu.memory_space<vmem>> -> memref<1x64xi32, #tpu.memory_space<vmem>>
      %dma_start3A_158 = tpu.memref_squeeze %dma_start3A_157 : memref<1x64xi32, #tpu.memory_space<vmem>> -> memref<64xi32, #tpu.memory_space<vmem>>
      %dma_start3A_159 = arith.constant 0 : i32
      %dma_start3A_160 = arith.constant 0 : i32
      %dma_start3A_161 = tpu.memref_slice %arg11[%dma_start3A_159, %dma_start3A_160] : memref<10000x128xf32, #tpu.memory_space<vmem_shared>> -> memref<10000x128xf32, #tpu.memory_space<vmem_shared>>
      tpu.enqueue_indirect_dma source(%dma_start3A_155 : memref<64x128xf32, #tpu.memory_space<vmem>>) target(%dma_start3A_161 : memref<10000x128xf32, #tpu.memory_space<vmem_shared>>) offsets(%dma_start3A_158 : memref<64xi32, #tpu.memory_space<vmem>>) semaphore(%arg16 : memref<!tpu.dma_semaphore, #tpu.memory_space<semaphore_mem>>) {add = true}
      %dma_start3A_162 = arith.constant 64 : i32
      %dma_start3A_163 = arith.constant 0 : i32
      %dma_start3A_164 = tpu.memref_slice %arg9[%dma_start3A_162, %dma_start3A_163] : memref<125x128xf32, #tpu.memory_space<vmem>> -> memref<61x128xf32, #tpu.memory_space<vmem>>
      %dma_start3A_165 = arith.constant 64 : i32
      %dma_start3A_166 = tpu.memref_slice %arg8[%add3A_135, %dma_start3A_165] : memref<40x125xi32, #tpu.memory_space<vmem>> -> memref<1x61xi32, #tpu.memory_space<vmem>>
      %dma_start3A_167 = tpu.memref_squeeze %dma_start3A_166 : memref<1x61xi32, #tpu.memory_space<vmem>> -> memref<61xi32, #tpu.memory_space<vmem>>
      %dma_start3A_168 = arith.constant 0 : i32
      %dma_start3A_169 = arith.constant 0 : i32
      %dma_start3A_170 = tpu.memref_slice %arg11[%dma_start3A_168, %dma_start3A_169] : memref<10000x128xf32, #tpu.memory_space<vmem_shared>> -> memref<10000x128xf32, #tpu.memory_space<vmem_shared>>
      tpu.enqueue_indirect_dma source(%dma_start3A_164 : memref<61x128xf32, #tpu.memory_space<vmem>>) target(%dma_start3A_170 : memref<10000x128xf32, #tpu.memory_space<vmem_shared>>) offsets(%dma_start3A_167 : memref<61xi32, #tpu.memory_space<vmem>>) semaphore(%arg17 : memref<!tpu.dma_semaphore, #tpu.memory_space<semaphore_mem>>) {add = true}
      %add3A_171 = arith.constant 1 : i32
      %add3A_172 = arith.addi %add3A_135, %add3A_171 : i32
      %dma_wait3A_173 = arith.constant 0 : i32
      %dma_wait3A_174 = arith.constant 0 : i32
      %dma_wait3A_175 = tpu.memref_slice %arg10[%dma_wait3A_173, %dma_wait3A_174] : memref<125x128xf32, #tpu.memory_space<vmem>> -> memref<64x128xf32, #tpu.memory_space<vmem>>
      %dma_wait3A_176 = arith.constant 0 : i32
      %dma_wait3A_177 = tpu.memref_slice %arg7[%add3A_172, %dma_wait3A_176] : memref<40x125xi32, #tpu.memory_space<vmem>> -> memref<1x64xi32, #tpu.memory_space<vmem>>
      %dma_wait3A_178 = tpu.memref_squeeze %dma_wait3A_177 : memref<1x64xi32, #tpu.memory_space<vmem>> -> memref<64xi32, #tpu.memory_space<vmem>>
      %dma_wait3A_179 = arith.constant 0 : i32
      %dma_wait3A_180 = arith.constant 0 : i32
      %dma_wait3A_181 = tpu.memref_slice %arg2[%dma_wait3A_179, %dma_wait3A_180] : memref<10000x128xf32, #tpu.memory_space<hbm>> -> memref<10000x128xf32, #tpu.memory_space<hbm>>
      tpu.wait_indirect_dma semaphore(%arg14 : memref<!tpu.dma_semaphore, #tpu.memory_space<semaphore_mem>>) src(%dma_wait3A_181 : memref<10000x128xf32, #tpu.memory_space<hbm>>) dst(%dma_wait3A_175 : memref<64x128xf32, #tpu.memory_space<vmem>>)
      %dma_wait3A_182 = arith.constant 64 : i32
      %dma_wait3A_183 = arith.constant 0 : i32
      %dma_wait3A_184 = tpu.memref_slice %arg10[%dma_wait3A_182, %dma_wait3A_183] : memref<125x128xf32, #tpu.memory_space<vmem>> -> memref<61x128xf32, #tpu.memory_space<vmem>>
      %dma_wait3A_185 = arith.constant 64 : i32
      %dma_wait3A_186 = tpu.memref_slice %arg7[%add3A_172, %dma_wait3A_185] : memref<40x125xi32, #tpu.memory_space<vmem>> -> memref<1x61xi32, #tpu.memory_space<vmem>>
      %dma_wait3A_187 = tpu.memref_squeeze %dma_wait3A_186 : memref<1x61xi32, #tpu.memory_space<vmem>> -> memref<61xi32, #tpu.memory_space<vmem>>
      %dma_wait3A_188 = arith.constant 0 : i32
      %dma_wait3A_189 = arith.constant 0 : i32
      %dma_wait3A_190 = tpu.memref_slice %arg2[%dma_wait3A_188, %dma_wait3A_189] : memref<10000x128xf32, #tpu.memory_space<hbm>> -> memref<10000x128xf32, #tpu.memory_space<hbm>>
      tpu.wait_indirect_dma semaphore(%arg15 : memref<!tpu.dma_semaphore, #tpu.memory_space<semaphore_mem>>) src(%dma_wait3A_190 : memref<10000x128xf32, #tpu.memory_space<hbm>>) dst(%dma_wait3A_184 : memref<61x128xf32, #tpu.memory_space<vmem>>)
      %add3A_191 = arith.constant 1 : i32
      %add3A_192 = arith.addi %add3A_135, %add3A_191 : i32
      %dma_start3A_193 = arith.constant 0 : i32
      %dma_start3A_194 = arith.constant 0 : i32
      %dma_start3A_195 = tpu.memref_slice %arg10[%dma_start3A_193, %dma_start3A_194] : memref<125x128xf32, #tpu.memory_space<vmem>> -> memref<64x128xf32, #tpu.memory_space<vmem>>
      %dma_start3A_196 = arith.constant 0 : i32
      %dma_start3A_197 = tpu.memref_slice %arg8[%add3A_192, %dma_start3A_196] : memref<40x125xi32, #tpu.memory_space<vmem>> -> memref<1x64xi32, #tpu.memory_space<vmem>>
      %dma_start3A_198 = tpu.memref_squeeze %dma_start3A_197 : memref<1x64xi32, #tpu.memory_space<vmem>> -> memref<64xi32, #tpu.memory_space<vmem>>
      %dma_start3A_199 = arith.constant 0 : i32
      %dma_start3A_200 = arith.constant 0 : i32
      %dma_start3A_201 = tpu.memref_slice %arg11[%dma_start3A_199, %dma_start3A_200] : memref<10000x128xf32, #tpu.memory_space<vmem_shared>> -> memref<10000x128xf32, #tpu.memory_space<vmem_shared>>
      tpu.enqueue_indirect_dma source(%dma_start3A_195 : memref<64x128xf32, #tpu.memory_space<vmem>>) target(%dma_start3A_201 : memref<10000x128xf32, #tpu.memory_space<vmem_shared>>) offsets(%dma_start3A_198 : memref<64xi32, #tpu.memory_space<vmem>>) semaphore(%arg18 : memref<!tpu.dma_semaphore, #tpu.memory_space<semaphore_mem>>) {add = true}
      %dma_start3A_202 = arith.constant 64 : i32
      %dma_start3A_203 = arith.constant 0 : i32
      %dma_start3A_204 = tpu.memref_slice %arg10[%dma_start3A_202, %dma_start3A_203] : memref<125x128xf32, #tpu.memory_space<vmem>> -> memref<61x128xf32, #tpu.memory_space<vmem>>
      %dma_start3A_205 = arith.constant 64 : i32
      %dma_start3A_206 = tpu.memref_slice %arg8[%add3A_192, %dma_start3A_205] : memref<40x125xi32, #tpu.memory_space<vmem>> -> memref<1x61xi32, #tpu.memory_space<vmem>>
      %dma_start3A_207 = tpu.memref_squeeze %dma_start3A_206 : memref<1x61xi32, #tpu.memory_space<vmem>> -> memref<61xi32, #tpu.memory_space<vmem>>
      %dma_start3A_208 = arith.constant 0 : i32
      %dma_start3A_209 = arith.constant 0 : i32
      %dma_start3A_210 = tpu.memref_slice %arg11[%dma_start3A_208, %dma_start3A_209] : memref<10000x128xf32, #tpu.memory_space<vmem_shared>> -> memref<10000x128xf32, #tpu.memory_space<vmem_shared>>
      tpu.enqueue_indirect_dma source(%dma_start3A_204 : memref<61x128xf32, #tpu.memory_space<vmem>>) target(%dma_start3A_210 : memref<10000x128xf32, #tpu.memory_space<vmem_shared>>) offsets(%dma_start3A_207 : memref<61xi32, #tpu.memory_space<vmem>>) semaphore(%arg19 : memref<!tpu.dma_semaphore, #tpu.memory_space<semaphore_mem>>) {add = true}
      %dma_wait3A_211 = arith.constant 0 : i32
      %dma_wait3A_212 = arith.constant 0 : i32
      %dma_wait3A_213 = tpu.memref_slice %arg9[%dma_wait3A_211, %dma_wait3A_212] : memref<125x128xf32, #tpu.memory_space<vmem>> -> memref<64x128xf32, #tpu.memory_space<vmem>>
      %dma_wait3A_214 = arith.constant 0 : i32
      %dma_wait3A_215 = tpu.memref_slice %arg8[%add3A_135, %dma_wait3A_214] : memref<40x125xi32, #tpu.memory_space<vmem>> -> memref<1x64xi32, #tpu.memory_space<vmem>>
      %dma_wait3A_216 = tpu.memref_squeeze %dma_wait3A_215 : memref<1x64xi32, #tpu.memory_space<vmem>> -> memref<64xi32, #tpu.memory_space<vmem>>
      %dma_wait3A_217 = arith.constant 0 : i32
      %dma_wait3A_218 = arith.constant 0 : i32
      %dma_wait3A_219 = tpu.memref_slice %arg11[%dma_wait3A_217, %dma_wait3A_218] : memref<10000x128xf32, #tpu.memory_space<vmem_shared>> -> memref<10000x128xf32, #tpu.memory_space<vmem_shared>>
      tpu.wait_indirect_dma semaphore(%arg16 : memref<!tpu.dma_semaphore, #tpu.memory_space<semaphore_mem>>) src(%dma_wait3A_213 : memref<64x128xf32, #tpu.memory_space<vmem>>) dst(%dma_wait3A_219 : memref<10000x128xf32, #tpu.memory_space<vmem_shared>>)
      %dma_wait3A_220 = arith.constant 64 : i32
      %dma_wait3A_221 = arith.constant 0 : i32
      %dma_wait3A_222 = tpu.memref_slice %arg9[%dma_wait3A_220, %dma_wait3A_221] : memref<125x128xf32, #tpu.memory_space<vmem>> -> memref<61x128xf32, #tpu.memory_space<vmem>>
      %dma_wait3A_223 = arith.constant 64 : i32
      %dma_wait3A_224 = tpu.memref_slice %arg8[%add3A_135, %dma_wait3A_223] : memref<40x125xi32, #tpu.memory_space<vmem>> -> memref<1x61xi32, #tpu.memory_space<vmem>>
      %dma_wait3A_225 = tpu.memref_squeeze %dma_wait3A_224 : memref<1x61xi32, #tpu.memory_space<vmem>> -> memref<61xi32, #tpu.memory_space<vmem>>
      %dma_wait3A_226 = arith.constant 0 : i32
      %dma_wait3A_227 = arith.constant 0 : i32
      %dma_wait3A_228 = tpu.memref_slice %arg11[%dma_wait3A_226, %dma_wait3A_227] : memref<10000x128xf32, #tpu.memory_space<vmem_shared>> -> memref<10000x128xf32, #tpu.memory_space<vmem_shared>>
      tpu.wait_indirect_dma semaphore(%arg17 : memref<!tpu.dma_semaphore, #tpu.memory_space<semaphore_mem>>) src(%dma_wait3A_222 : memref<61x128xf32, #tpu.memory_space<vmem>>) dst(%dma_wait3A_228 : memref<10000x128xf32, #tpu.memory_space<vmem_shared>>)
      %add3A_229 = arith.constant 2 : i32
      %add3A_230 = arith.addi %add3A_135, %add3A_229 : i32
      %lt3A_231 = arith.constant 40 : i32
      %lt3A_232 = arith.cmpi slt, %add3A_230, %lt3A_231 : i32
      %convert_element_type3A_233 = arith.extui %lt3A_232 : i1 to i32
      %cond3A_234 = arith.constant 0 : i32
      %cond3A_235 = arith.cmpi ne, %convert_element_type3A_233, %cond3A_234 : i32
      scf.if %cond3A_235 {
        %add3A_263 = arith.constant 2 : i32
        %add3A_264 = arith.addi %add3A_135, %add3A_263 : i32
        %dma_start3A_265 = arith.constant 0 : i32
        %dma_start3A_266 = arith.constant 0 : i32
        %dma_start3A_267 = tpu.memref_slice %arg9[%dma_start3A_265, %dma_start3A_266] : memref<125x128xf32, #tpu.memory_space<vmem>> -> memref<64x128xf32, #tpu.memory_space<vmem>>
        %dma_start3A_268 = arith.constant 0 : i32
        %dma_start3A_269 = tpu.memref_slice %arg7[%add3A_264, %dma_start3A_268] : memref<40x125xi32, #tpu.memory_space<vmem>> -> memref<1x64xi32, #tpu.memory_space<vmem>>
        %dma_start3A_270 = tpu.memref_squeeze %dma_start3A_269 : memref<1x64xi32, #tpu.memory_space<vmem>> -> memref<64xi32, #tpu.memory_space<vmem>>
        %dma_start3A_271 = arith.constant 0 : i32
        %dma_start3A_272 = arith.constant 0 : i32
        %dma_start3A_273 = tpu.memref_slice %arg2[%dma_start3A_271, %dma_start3A_272] : memref<10000x128xf32, #tpu.memory_space<hbm>> -> memref<10000x128xf32, #tpu.memory_space<hbm>>
        tpu.enqueue_indirect_dma source(%dma_start3A_273 : memref<10000x128xf32, #tpu.memory_space<hbm>>) target(%dma_start3A_267 : memref<64x128xf32, #tpu.memory_space<vmem>>) offsets(%dma_start3A_270 : memref<64xi32, #tpu.memory_space<vmem>>) semaphore(%arg12 : memref<!tpu.dma_semaphore, #tpu.memory_space<semaphore_mem>>)
        %dma_start3A_274 = arith.constant 64 : i32
        %dma_start3A_275 = arith.constant 0 : i32
        %dma_start3A_276 = tpu.memref_slice %arg9[%dma_start3A_274, %dma_start3A_275] : memref<125x128xf32, #tpu.memory_space<vmem>> -> memref<61x128xf32, #tpu.memory_space<vmem>>
        %dma_start3A_277 = arith.constant 64 : i32
        %dma_start3A_278 = tpu.memref_slice %arg7[%add3A_264, %dma_start3A_277] : memref<40x125xi32, #tpu.memory_space<vmem>> -> memref<1x61xi32, #tpu.memory_space<vmem>>
        %dma_start3A_279 = tpu.memref_squeeze %dma_start3A_278 : memref<1x61xi32, #tpu.memory_space<vmem>> -> memref<61xi32, #tpu.memory_space<vmem>>
        %dma_start3A_280 = arith.constant 0 : i32
        %dma_start3A_281 = arith.constant 0 : i32
        %dma_start3A_282 = tpu.memref_slice %arg2[%dma_start3A_280, %dma_start3A_281] : memref<10000x128xf32, #tpu.memory_space<hbm>> -> memref<10000x128xf32, #tpu.memory_space<hbm>>
        tpu.enqueue_indirect_dma source(%dma_start3A_282 : memref<10000x128xf32, #tpu.memory_space<hbm>>) target(%dma_start3A_276 : memref<61x128xf32, #tpu.memory_space<vmem>>) offsets(%dma_start3A_279 : memref<61xi32, #tpu.memory_space<vmem>>) semaphore(%arg13 : memref<!tpu.dma_semaphore, #tpu.memory_space<semaphore_mem>>)
      } else {
      }
      %add3A_236 = arith.constant 1 : i32
      %add3A_237 = arith.addi %add3A_135, %add3A_236 : i32
      %dma_wait3A_238 = arith.constant 0 : i32
      %dma_wait3A_239 = arith.constant 0 : i32
      %dma_wait3A_240 = tpu.memref_slice %arg10[%dma_wait3A_238, %dma_wait3A_239] : memref<125x128xf32, #tpu.memory_space<vmem>> -> memref<64x128xf32, #tpu.memory_space<vmem>>
      %dma_wait3A_241 = arith.constant 0 : i32
      %dma_wait3A_242 = tpu.memref_slice %arg8[%add3A_237, %dma_wait3A_241] : memref<40x125xi32, #tpu.memory_space<vmem>> -> memref<1x64xi32, #tpu.memory_space<vmem>>
      %dma_wait3A_243 = tpu.memref_squeeze %dma_wait3A_242 : memref<1x64xi32, #tpu.memory_space<vmem>> -> memref<64xi32, #tpu.memory_space<vmem>>
      %dma_wait3A_244 = arith.constant 0 : i32
      %dma_wait3A_245 = arith.constant 0 : i32
      %dma_wait3A_246 = tpu.memref_slice %arg11[%dma_wait3A_244, %dma_wait3A_245] : memref<10000x128xf32, #tpu.memory_space<vmem_shared>> -> memref<10000x128xf32, #tpu.memory_space<vmem_shared>>
      tpu.wait_indirect_dma semaphore(%arg18 : memref<!tpu.dma_semaphore, #tpu.memory_space<semaphore_mem>>) src(%dma_wait3A_240 : memref<64x128xf32, #tpu.memory_space<vmem>>) dst(%dma_wait3A_246 : memref<10000x128xf32, #tpu.memory_space<vmem_shared>>)
      %dma_wait3A_247 = arith.constant 64 : i32
      %dma_wait3A_248 = arith.constant 0 : i32
      %dma_wait3A_249 = tpu.memref_slice %arg10[%dma_wait3A_247, %dma_wait3A_248] : memref<125x128xf32, #tpu.memory_space<vmem>> -> memref<61x128xf32, #tpu.memory_space<vmem>>
      %dma_wait3A_250 = arith.constant 64 : i32
      %dma_wait3A_251 = tpu.memref_slice %arg8[%add3A_237, %dma_wait3A_250] : memref<40x125xi32, #tpu.memory_space<vmem>> -> memref<1x61xi32, #tpu.memory_space<vmem>>
      %dma_wait3A_252 = tpu.memref_squeeze %dma_wait3A_251 : memref<1x61xi32, #tpu.memory_space<vmem>> -> memref<61xi32, #tpu.memory_space<vmem>>
      %dma_wait3A_253 = arith.constant 0 : i32
      %dma_wait3A_254 = arith.constant 0 : i32
      %dma_wait3A_255 = tpu.memref_slice %arg11[%dma_wait3A_253, %dma_wait3A_254] : memref<10000x128xf32, #tpu.memory_space<vmem_shared>> -> memref<10000x128xf32, #tpu.memory_space<vmem_shared>>
      tpu.wait_indirect_dma semaphore(%arg19 : memref<!tpu.dma_semaphore, #tpu.memory_space<semaphore_mem>>) src(%dma_wait3A_249 : memref<61x128xf32, #tpu.memory_space<vmem>>) dst(%dma_wait3A_255 : memref<10000x128xf32, #tpu.memory_space<vmem_shared>>)
      %add3A_256 = arith.constant 3 : i32
      %add3A_257 = arith.addi %add3A_135, %add3A_256 : i32
      %lt3A_258 = arith.constant 40 : i32
      %lt3A_259 = arith.cmpi slt, %add3A_257, %lt3A_258 : i32
      %convert_element_type3A_260 = arith.extui %lt3A_259 : i1 to i32
      %cond3A_261 = arith.constant 0 : i32
      %cond3A_262 = arith.cmpi ne, %convert_element_type3A_260, %cond3A_261 : i32
      scf.if %cond3A_262 {
        %add3A_263 = arith.constant 3 : i32
        %add3A_264 = arith.addi %add3A_135, %add3A_263 : i32
        %dma_start3A_265 = arith.constant 0 : i32
        %dma_start3A_266 = arith.constant 0 : i32
        %dma_start3A_267 = tpu.memref_slice %arg10[%dma_start3A_265, %dma_start3A_266] : memref<125x128xf32, #tpu.memory_space<vmem>> -> memref<64x128xf32, #tpu.memory_space<vmem>>
        %dma_start3A_268 = arith.constant 0 : i32
        %dma_start3A_269 = tpu.memref_slice %arg7[%add3A_264, %dma_start3A_268] : memref<40x125xi32, #tpu.memory_space<vmem>> -> memref<1x64xi32, #tpu.memory_space<vmem>>
        %dma_start3A_270 = tpu.memref_squeeze %dma_start3A_269 : memref<1x64xi32, #tpu.memory_space<vmem>> -> memref<64xi32, #tpu.memory_space<vmem>>
        %dma_start3A_271 = arith.constant 0 : i32
        %dma_start3A_272 = arith.constant 0 : i32
        %dma_start3A_273 = tpu.memref_slice %arg2[%dma_start3A_271, %dma_start3A_272] : memref<10000x128xf32, #tpu.memory_space<hbm>> -> memref<10000x128xf32, #tpu.memory_space<hbm>>
        tpu.enqueue_indirect_dma source(%dma_start3A_273 : memref<10000x128xf32, #tpu.memory_space<hbm>>) target(%dma_start3A_267 : memref<64x128xf32, #tpu.memory_space<vmem>>) offsets(%dma_start3A_270 : memref<64xi32, #tpu.memory_space<vmem>>) semaphore(%arg14 : memref<!tpu.dma_semaphore, #tpu.memory_space<semaphore_mem>>)
        %dma_start3A_274 = arith.constant 64 : i32
        %dma_start3A_275 = arith.constant 0 : i32
        %dma_start3A_276 = tpu.memref_slice %arg10[%dma_start3A_274, %dma_start3A_275] : memref<125x128xf32, #tpu.memory_space<vmem>> -> memref<61x128xf32, #tpu.memory_space<vmem>>
        %dma_start3A_277 = arith.constant 64 : i32
        %dma_start3A_278 = tpu.memref_slice %arg7[%add3A_264, %dma_start3A_277] : memref<40x125xi32, #tpu.memory_space<vmem>> -> memref<1x61xi32, #tpu.memory_space<vmem>>
        %dma_start3A_279 = tpu.memref_squeeze %dma_start3A_278 : memref<1x61xi32, #tpu.memory_space<vmem>> -> memref<61xi32, #tpu.memory_space<vmem>>
        %dma_start3A_280 = arith.constant 0 : i32
        %dma_start3A_281 = arith.constant 0 : i32
        %dma_start3A_282 = tpu.memref_slice %arg2[%dma_start3A_280, %dma_start3A_281] : memref<10000x128xf32, #tpu.memory_space<hbm>> -> memref<10000x128xf32, #tpu.memory_space<hbm>>
        tpu.enqueue_indirect_dma source(%dma_start3A_282 : memref<10000x128xf32, #tpu.memory_space<hbm>>) target(%dma_start3A_276 : memref<61x128xf32, #tpu.memory_space<vmem>>) offsets(%dma_start3A_279 : memref<61xi32, #tpu.memory_space<vmem>>) semaphore(%arg15 : memref<!tpu.dma_semaphore, #tpu.memory_space<semaphore_mem>>)
      } else {
      }
    }
    %scan3A_119 = arith.constant 20 : i32
    %barrier3A_120 = arith.constant 0 : index
    tpu.barrier barrier_id(%barrier3A_120)
    %lt3A_121 = arith.constant 15 : i32
    %lt3A_122 = arith.cmpi slt, %arg1, %lt3A_121 : i32
    %convert_element_type3A_123 = arith.extui %lt3A_122 : i1 to i32
    %cond3A_124 = arith.constant 0 : i32
    %cond3A_125 = arith.cmpi ne, %convert_element_type3A_123, %cond3A_124 : i32
    scf.if %cond3A_125 {
      "tpu.region"() ({
        %run_scoped3A_131 = tpu.sem_alloc : memref<!tpu.dma_semaphore, #tpu.memory_space<semaphore_mem>>
        %dma_start3A_132 = arith.constant 0 : i32
        %dma_start3A_133 = tpu.memref_slice %arg6[%arg0, %mul3A_2, %dma_start3A_132] : memref<2x10000x128xf32, #tpu.memory_space<hbm>> -> memref<1x632x128xf32, #tpu.memory_space<hbm>>
        %dma_start3A_134 = tpu.memref_squeeze %dma_start3A_133 : memref<1x632x128xf32, #tpu.memory_space<hbm>> -> memref<632x128xf32, #tpu.memory_space<hbm>>
        %dma_start3A_135 = arith.constant 0 : i32
        %dma_start3A_136 = tpu.memref_slice %arg11[%mul3A_2, %dma_start3A_135] : memref<10000x128xf32, #tpu.memory_space<vmem_shared>> -> memref<632x128xf32, #tpu.memory_space<vmem_shared>>
        tpu.enqueue_dma source(%dma_start3A_136 : memref<632x128xf32, #tpu.memory_space<vmem_shared>>) target(%dma_start3A_134 : memref<632x128xf32, #tpu.memory_space<hbm>>) target_semaphore(%run_scoped3A_131 : memref<!tpu.dma_semaphore, #tpu.memory_space<semaphore_mem>>)
        %dma_wait3A = arith.constant 0 : i32
        %dma_wait3A_137 = tpu.memref_slice %arg6[%arg0, %mul3A_2, %dma_wait3A] : memref<2x10000x128xf32, #tpu.memory_space<hbm>> -> memref<1x632x128xf32, #tpu.memory_space<hbm>>
        %dma_wait3A_138 = tpu.memref_squeeze %dma_wait3A_137 : memref<1x632x128xf32, #tpu.memory_space<hbm>> -> memref<632x128xf32, #tpu.memory_space<hbm>>
        %dma_wait3A_139 = arith.constant 0 : i32
        %dma_wait3A_140 = tpu.memref_slice %arg11[%mul3A_2, %dma_wait3A_139] : memref<10000x128xf32, #tpu.memory_space<vmem_shared>> -> memref<632x128xf32, #tpu.memory_space<vmem_shared>>
        tpu.wait_dma2 semaphore(%run_scoped3A_131 : memref<!tpu.dma_semaphore, #tpu.memory_space<semaphore_mem>>) src(%dma_wait3A_140 : memref<632x128xf32, #tpu.memory_space<vmem_shared>>) dst(%dma_wait3A_138 : memref<632x128xf32, #tpu.memory_space<hbm>>)
        tpu.yield
      }) : () -> ()
    } else {
    }
    %eq3A_126 = arith.constant 15 : i32
    %eq3A_127 = arith.cmpi eq, %arg1, %eq3A_126 : i32
    %convert_element_type3A_128 = arith.extui %eq3A_127 : i1 to i32
    %cond3A_129 = arith.constant 0 : i32
    %cond3A_130 = arith.cmpi ne, %convert_element_type3A_128, %cond3A_129 : i32
    scf.if %cond3A_130 {
      "tpu.region"() ({
        %run_scoped3A_131 = tpu.sem_alloc : memref<!tpu.dma_semaphore, #tpu.memory_space<semaphore_mem>>
        %dma_start3A_132 = arith.constant 9480 : i32
        %dma_start3A_133 = arith.constant 0 : i32
        %dma_start3A_134 = tpu.memref_slice %arg6[%arg0, %dma_start3A_132, %dma_start3A_133] : memref<2x10000x128xf32, #tpu.memory_space<hbm>> -> memref<1x520x128xf32, #tpu.memory_space<hbm>>
        %dma_start3A_135 = tpu.memref_squeeze %dma_start3A_134 : memref<1x520x128xf32, #tpu.memory_space<hbm>> -> memref<520x128xf32, #tpu.memory_space<hbm>>
        %dma_start3A_136 = arith.constant 9480 : i32
        %dma_start3A_137 = arith.constant 0 : i32
        %dma_start3A_138 = tpu.memref_slice %arg11[%dma_start3A_136, %dma_start3A_137] : memref<10000x128xf32, #tpu.memory_space<vmem_shared>> -> memref<520x128xf32, #tpu.memory_space<vmem_shared>>
        tpu.enqueue_dma source(%dma_start3A_138 : memref<520x128xf32, #tpu.memory_space<vmem_shared>>) target(%dma_start3A_135 : memref<520x128xf32, #tpu.memory_space<hbm>>) target_semaphore(%run_scoped3A_131 : memref<!tpu.dma_semaphore, #tpu.memory_space<semaphore_mem>>)
        %dma_wait3A = arith.constant 9480 : i32
        %dma_wait3A_139 = arith.constant 0 : i32
        %dma_wait3A_140 = tpu.memref_slice %arg6[%arg0, %dma_wait3A, %dma_wait3A_139] : memref<2x10000x128xf32, #tpu.memory_space<hbm>> -> memref<1x520x128xf32, #tpu.memory_space<hbm>>
        %dma_wait3A_141 = tpu.memref_squeeze %dma_wait3A_140 : memref<1x520x128xf32, #tpu.memory_space<hbm>> -> memref<520x128xf32, #tpu.memory_space<hbm>>
        %dma_wait3A_142 = arith.constant 9480 : i32
        %dma_wait3A_143 = arith.constant 0 : i32
        %dma_wait3A_144 = tpu.memref_slice %arg11[%dma_wait3A_142, %dma_wait3A_143] : memref<10000x128xf32, #tpu.memory_space<vmem_shared>> -> memref<520x128xf32, #tpu.memory_space<vmem_shared>>
        tpu.wait_dma2 semaphore(%run_scoped3A_131 : memref<!tpu.dma_semaphore, #tpu.memory_space<semaphore_mem>>) src(%dma_wait3A_144 : memref<520x128xf32, #tpu.memory_space<vmem_shared>>) dst(%dma_wait3A_141 : memref<520x128xf32, #tpu.memory_space<hbm>>)
        tpu.yield
      }) : () -> ()
    } else {
    }
    return
  }
}

module attributes {stable_mosaic.version = 14 : i64} {
  func.func @_tc1_body(%arg0: memref<2x10000x128xf32, #tpu.memory_space<vmem>>, %arg1: memref<128x128xf32, #tpu.memory_space<vmem>>, %arg2: memref<1x128xf32, #tpu.memory_space<vmem>>, %arg3: memref<10000x128xf32, #tpu.memory_space<vmem>>) attributes {dimension_semantics = [], scalar_prefetch = 0 : i64, scratch_operands = 0 : i64, tpu.core_type = #tpu.core_type<tc>} {
    %get3A = arith.constant 0 : index
    %get3A_0 = arith.constant 0 : index
    %get3A_1 = arith.constant 0 : index
    %get3A_2 = vector.load %arg0[%get3A, %get3A_0, %get3A_1] : memref<2x10000x128xf32, #tpu.memory_space<vmem>>, vector<1x10000x128xf32>
    %get3A_3 = vector.shape_cast %get3A_2 : vector<1x10000x128xf32> to vector<10000x128xf32>
    %get3A_4 = arith.constant 1 : index
    %get3A_5 = arith.constant 0 : index
    %get3A_6 = arith.constant 0 : index
    %get3A_7 = vector.load %arg0[%get3A_4, %get3A_5, %get3A_6] : memref<2x10000x128xf32, #tpu.memory_space<vmem>>, vector<1x10000x128xf32>
    %get3A_8 = vector.shape_cast %get3A_7 : vector<1x10000x128xf32> to vector<10000x128xf32>
    %add3A = arith.addf %get3A_3, %get3A_8 : vector<10000x128xf32>
    %get3A_9 = arith.constant 0 : index
    %get3A_10 = arith.constant 0 : index
    %get3A_11 = vector.load %arg1[%get3A_9, %get3A_10] : memref<128x128xf32, #tpu.memory_space<vmem>>, vector<128x128xf32>
    %dot_general3A = arith.constant dense<0.000000e+00> : vector<10000x128xf32>
    %dot_general3A_12 = tpu.matmul %add3A, %get3A_11, %dot_general3A {dimension_numbers = #tpu.dot_dimension_numbers<[1], [0], [0], [1], [0, 0, 1, 1], [], []>, transpose_lhs_hint = false} : vector<10000x128xf32>, vector<128x128xf32>, vector<10000x128xf32> -> vector<10000x128xf32>
    %get3A_13 = arith.constant 0 : index
    %get3A_14 = arith.constant 0 : index
    %get3A_15 = vector.load %arg2[%get3A_13, %get3A_14] : memref<1x128xf32, #tpu.memory_space<vmem>>, vector<1x128xf32>
    %add3A_16 = vector.broadcast %get3A_15 : vector<1x128xf32> to vector<10000x128xf32>
    %add3A_17 = arith.addf %dot_general3A_12, %add3A_16 : vector<10000x128xf32>
    %max3A = arith.constant 0.000000e+00 : f32
    %max3A_18 = vector.broadcast %max3A : f32 to vector<10000x128xf32>
    %max3A_19 = arith.maximumf %add3A_17, %max3A_18 : vector<10000x128xf32>
    %swap3A = arith.constant 0 : index
    %swap3A_20 = arith.constant 0 : index
    %swap3A_21 = vector.load %arg3[%swap3A, %swap3A_20] : memref<10000x128xf32, #tpu.memory_space<vmem>>, vector<10000x128xf32>
    tpu.vector_store %arg3[%swap3A, %swap3A_20], %max3A_19 {strides = array<i32>} : memref<10000x128xf32, #tpu.memory_space<vmem>>, vector<10000x128xf32>,
    return
  }
}

module attributes {stable_mosaic.version = 14 : i64} {
  func.func @_tc2_body(%arg0: memref<2x10000x128xf32, #tpu.memory_space<vmem>>, %arg1: memref<128x128xf32, #tpu.memory_space<vmem>>, %arg2: memref<1x128xf32, #tpu.memory_space<vmem>>, %arg3: memref<1x10000xi32, #tpu.memory_space<vmem>>, %arg4: memref<1x200xi32, #tpu.memory_space<vmem>>, %arg5: memref<200x128xf32, #tpu.memory_space<vmem>>, %arg6: memref<5x128xf32, #tpu.memory_space<vmem>>, %arg7: memref<200x5xf32, #tpu.memory_space<vmem>>) attributes {dimension_semantics = [], scalar_prefetch = 0 : i64, scratch_operands = 0 : i64, tpu.core_type = #tpu.core_type<tc>} {
    %get3A = arith.constant 0 : index
    %get3A_0 = arith.constant 0 : index
    %get3A_1 = arith.constant 0 : index
    %get3A_2 = vector.load %arg0[%get3A, %get3A_0, %get3A_1] : memref<2x10000x128xf32, #tpu.memory_space<vmem>>, vector<1x10000x128xf32>
    %get3A_3 = vector.shape_cast %get3A_2 : vector<1x10000x128xf32> to vector<10000x128xf32>
    %get3A_4 = arith.constant 1 : index
    %get3A_5 = arith.constant 0 : index
    %get3A_6 = arith.constant 0 : index
    %get3A_7 = vector.load %arg0[%get3A_4, %get3A_5, %get3A_6] : memref<2x10000x128xf32, #tpu.memory_space<vmem>>, vector<1x10000x128xf32>
    %get3A_8 = vector.shape_cast %get3A_7 : vector<1x10000x128xf32> to vector<10000x128xf32>
    %add3A = arith.addf %get3A_3, %get3A_8 : vector<10000x128xf32>
    %get3A_9 = arith.constant 0 : index
    %get3A_10 = arith.constant 0 : index
    %get3A_11 = vector.load %arg1[%get3A_9, %get3A_10] : memref<128x128xf32, #tpu.memory_space<vmem>>, vector<128x128xf32>
    %dot_general3A = arith.constant dense<0.000000e+00> : vector<10000x128xf32>
    %dot_general3A_12 = tpu.matmul %add3A, %get3A_11, %dot_general3A {dimension_numbers = #tpu.dot_dimension_numbers<[1], [0], [0], [1], [0, 0, 1, 1], [], []>, transpose_lhs_hint = false} : vector<10000x128xf32>, vector<128x128xf32>, vector<10000x128xf32> -> vector<10000x128xf32>
    %get3A_13 = arith.constant 0 : index
    %get3A_14 = arith.constant 0 : index
    %get3A_15 = vector.load %arg2[%get3A_13, %get3A_14] : memref<1x128xf32, #tpu.memory_space<vmem>>, vector<1x128xf32>
    %add3A_16 = vector.broadcast %get3A_15 : vector<1x128xf32> to vector<10000x128xf32>
    %add3A_17 = arith.addf %dot_general3A_12, %add3A_16 : vector<10000x128xf32>
    %get3A_18 = arith.constant 0 : index
    %get3A_19 = arith.constant 0 : index
    %get3A_20 = vector.load %arg3[%get3A_18, %get3A_19] : memref<1x10000xi32, #tpu.memory_space<vmem>>, vector<1x10000xi32>
    %iota3A = tpu.iota {dimensions = array<i32: 0>} : vector<200x10000xi32>
    %eq3A = vector.broadcast %get3A_20 : vector<1x10000xi32> to vector<200x10000xi32>
    %eq3A_21 = arith.cmpi eq, %eq3A, %iota3A : vector<200x10000xi32>
    %convert_element_type3A = arith.extui %eq3A_21 : vector<200x10000xi1> to vector<200x10000xi32>
    %convert_element_type3A_22 = arith.sitofp %convert_element_type3A : vector<200x10000xi32> to vector<200x10000xf32>
    %dot_general3A_23 = arith.constant dense<0.000000e+00> : vector<200x128xf32>
    %dot_general3A_24 = tpu.matmul %convert_element_type3A_22, %add3A_17, %dot_general3A_23 {dimension_numbers = #tpu.dot_dimension_numbers<[1], [0], [0], [1], [0, 0, 1, 1], [], []>, transpose_lhs_hint = false} : vector<200x10000xf32>, vector<10000x128xf32>, vector<200x128xf32> -> vector<200x128xf32>
    %reduce_sum3A = arith.constant dense<0.000000e+00> : vector<200xf32>
    %reduce_sum3A_25 = vector.multi_reduction <add>, %convert_element_type3A_22, %reduce_sum3A [1] : vector<200x10000xf32> to vector<200xf32>
    %broadcast_in_dim3A = vector.shape_cast %reduce_sum3A_25 : vector<200xf32> to vector<200x1xf32>
    %max3A = arith.constant 1.000000e+00 : f32
    %max3A_26 = vector.broadcast %max3A : f32 to vector<200x1xf32>
    %max3A_27 = arith.maximumf %broadcast_in_dim3A, %max3A_26 : vector<200x1xf32>
    %div3A = vector.broadcast %max3A_27 : vector<200x1xf32> to vector<200x128xf32>
    %div3A_28 = arith.divf %dot_general3A_24, %div3A : vector<200x128xf32>
    %get3A_29 = arith.constant 0 : index
    %get3A_30 = arith.constant 0 : index
    %get3A_31 = vector.load %arg4[%get3A_29, %get3A_30] : memref<1x200xi32, #tpu.memory_space<vmem>>, vector<1x200xi32>
    %iota3A_32 = tpu.iota {dimensions = array<i32: 0>} : vector<5x200xi32>
    %eq3A_33 = vector.broadcast %get3A_31 : vector<1x200xi32> to vector<5x200xi32>
    %eq3A_34 = arith.cmpi eq, %eq3A_33, %iota3A_32 : vector<5x200xi32>
    %convert_element_type3A_35 = arith.extui %eq3A_34 : vector<5x200xi1> to vector<5x200xi32>
    %convert_element_type3A_36 = arith.sitofp %convert_element_type3A_35 : vector<5x200xi32> to vector<5x200xf32>
    %dot_general3A_37 = arith.constant dense<0.000000e+00> : vector<5x128xf32>
    %dot_general3A_38 = tpu.matmul %convert_element_type3A_36, %div3A_28, %dot_general3A_37 {dimension_numbers = #tpu.dot_dimension_numbers<[1], [0], [0], [1], [0, 0, 1, 1], [], []>, transpose_lhs_hint = false} : vector<5x200xf32>, vector<200x128xf32>, vector<5x128xf32> -> vector<5x128xf32>
    %reduce_sum3A_39 = arith.constant dense<0.000000e+00> : vector<5xf32>
    %reduce_sum3A_40 = vector.multi_reduction <add>, %convert_element_type3A_36, %reduce_sum3A_39 [1] : vector<5x200xf32> to vector<5xf32>
    %broadcast_in_dim3A_41 = vector.shape_cast %reduce_sum3A_40 : vector<5xf32> to vector<5x1xf32>
    %max3A_42 = arith.constant 1.000000e+00 : f32
    %max3A_43 = vector.broadcast %max3A_42 : f32 to vector<5x1xf32>
    %max3A_44 = arith.maximumf %broadcast_in_dim3A_41, %max3A_43 : vector<5x1xf32>
    %div3A_45 = vector.broadcast %max3A_44 : vector<5x1xf32> to vector<5x128xf32>
    %div3A_46 = arith.divf %dot_general3A_38, %div3A_45 : vector<5x128xf32>
    %mul3A = arith.mulf %div3A_28, %div3A_28 : vector<200x128xf32>
    %reduce_sum3A_47 = arith.constant dense<0.000000e+00> : vector<200xf32>
    %reduce_sum3A_48 = vector.multi_reduction <add>, %mul3A, %reduce_sum3A_47 [1] : vector<200x128xf32> to vector<200xf32>
    %broadcast_in_dim3A_49 = vector.shape_cast %reduce_sum3A_48 : vector<200xf32> to vector<200x1xf32>
    %sqrt3A = math.sqrt %broadcast_in_dim3A_49 : vector<200x1xf32>
    %add3A_50 = arith.constant 9.99999993E-9 : f32
    %add3A_51 = vector.broadcast %add3A_50 : f32 to vector<200x1xf32>
    %add3A_52 = arith.addf %sqrt3A, %add3A_51 : vector<200x1xf32>
    %div3A_53 = vector.broadcast %add3A_52 : vector<200x1xf32> to vector<200x128xf32>
    %div3A_54 = arith.divf %div3A_28, %div3A_53 : vector<200x128xf32>
    %mul3A_55 = arith.mulf %div3A_46, %div3A_46 : vector<5x128xf32>
    %reduce_sum3A_56 = arith.constant dense<0.000000e+00> : vector<5xf32>
    %reduce_sum3A_57 = vector.multi_reduction <add>, %mul3A_55, %reduce_sum3A_56 [1] : vector<5x128xf32> to vector<5xf32>
    %broadcast_in_dim3A_58 = vector.shape_cast %reduce_sum3A_57 : vector<5xf32> to vector<5x1xf32>
    %sqrt3A_59 = math.sqrt %broadcast_in_dim3A_58 : vector<5x1xf32>
    %add3A_60 = arith.constant 9.99999993E-9 : f32
    %add3A_61 = vector.broadcast %add3A_60 : f32 to vector<5x1xf32>
    %add3A_62 = arith.addf %sqrt3A_59, %add3A_61 : vector<5x1xf32>
    %div3A_63 = vector.broadcast %add3A_62 : vector<5x1xf32> to vector<5x128xf32>
    %div3A_64 = arith.divf %div3A_46, %div3A_63 : vector<5x128xf32>
    %swap3A = arith.constant 0 : index
    %swap3A_65 = arith.constant 0 : index
    %swap3A_66 = vector.load %arg5[%swap3A, %swap3A_65] : memref<200x128xf32, #tpu.memory_space<vmem>>, vector<200x128xf32>
    tpu.vector_store %arg5[%swap3A, %swap3A_65], %div3A_28 {strides = array<i32>} : memref<200x128xf32, #tpu.memory_space<vmem>>, vector<200x128xf32>,
    %swap3A_67 = arith.constant 0 : index
    %swap3A_68 = arith.constant 0 : index
    %swap3A_69 = vector.load %arg6[%swap3A_67, %swap3A_68] : memref<5x128xf32, #tpu.memory_space<vmem>>, vector<5x128xf32>
    tpu.vector_store %arg6[%swap3A_67, %swap3A_68], %div3A_46 {strides = array<i32>} : memref<5x128xf32, #tpu.memory_space<vmem>>, vector<5x128xf32>,
    %dot_general3A_70 = arith.constant dense<0.000000e+00> : vector<200x5xf32>
    %dot_general3A_71 = tpu.matmul %div3A_54, %div3A_64, %dot_general3A_70 {dimension_numbers = #tpu.dot_dimension_numbers<[1], [1], [0], [0], [0, 0, 1, 0], [], []>, transpose_lhs_hint = false} : vector<200x128xf32>, vector<5x128xf32>, vector<200x5xf32> -> vector<200x5xf32>
    %swap3A_72 = arith.constant 0 : index
    %swap3A_73 = arith.constant 0 : index
    %swap3A_74 = vector.load %arg7[%swap3A_72, %swap3A_73] : memref<200x5xf32, #tpu.memory_space<vmem>>, vector<200x5xf32>
    tpu.vector_store %arg7[%swap3A_72, %swap3A_73], %dot_general3A_71 {strides = array<i32>} : memref<200x5xf32, #tpu.memory_space<vmem>>, vector<200x5xf32>,
    return
  }
}

</mosaic_0001>

<sc_bundles>
// kernel: kernel.6.cloned.1.call-start
scs
__scs_entry_jumppad:
0x0: {  	(pc) =	sbr.rel $0x88, $3  }
0x1: {  	(tag) =	ssettag $0x0;
	lr =	simm.s32 $0x1  }
0x2: {  	[smem:$0x3F99] =	sst lr;
	_ =	strace $0xD0000000  }
0x3: {  	_ = 	snop  }
0x4: {  	_ = 	snop  }
0x5: {  	_ = 	snop  }
0x6: {  	_ = 	snop  }
0x7: {  	_ = 	snop  }
__scs_overlays_trampoline_lowered:
0x8: {  	[smem:$0x3FA8] =	sst s0  }
0x9: {  	[smem:$0x3FA9] =	sst s1  }
0xa: {  	[smem:$0x3FAA] =	sst s2  }
0xb: {  	[smem:$0x3FAB] =	sst s3  }
0xc: {  	[smem:$0x3FAC] =	sst s4  }
0xd: {  	[smem:$0x3FAD] =	sst s5  }
0xe: {  	[smem:$0x3FAE] =	sst s6  }
0xf: {  	[smem:$0x3FAF] =	sst s7  }
0x10: {  	[smem:$0x3FB0] =	sst s8  }
0x11: {  	[smem:$0x3FB1] =	sst s9;
	s0 =	simm.s32 @!p0 $0x0  }
0x12: {  	s1 =	sld [smem:$0x3F97];
	s0 =	simm.s32 @p0 $0x1  }
0x13: {  	[smem:$0x3FB2] =	sst s0;
	s0 =	simm.s32 @!p1 $0x0  }
0x14: {  	s2 =	sld [smem:$0x3F96];
	s0 =	simm.s32 @p1 $0x1  }
0x15: {  	[smem:$0x3FB3] =	sst s0;
	s0 =	simm.s32 @!p2 $0x0  }
0x16: {  	s3 =	sld [smem:$0x3FDB];
	s0 =	simm.s32 @p2 $0x1  }
0x17: {  	s4 =	simm.s32 $0x1BF5;
	[smem:$0x3FB5] =	sst s0  }
0x18: {  	s0 =	sld [smem:$0x3F98];
	_ =	swait.ge [sflag:s4], $0x0  }
0x19: {  	s7 =	sld [smem:$0x3F99]  }
0x1a: {  	s8 =	sadd.s32 $0xFFFFE003, lr  }
0x1b: {  	s9 =	sadd.s32 $0xFFFFFEF7, lr;
	s5 =	simm.s32 $0xFFFFFFFF;
	p2 =	slt.u32 s8, $0xFFFFF086  }
0x1c: {  	p1 =	slt.u32 s9, $0xF7A;
	s5 =	simm.s32 @!p2 $0x0  }
0x1d: {  	s5 =	simm.s32 @p1 $0x1;
	p0 =	seq.s32 s7, s2  }
0x1e: {  	s7 =	smul.u32 @!p0 $0xF7A, s2;
	p2 =	seq.s32 @!p0 s5, $0x0  }
0x1f: {  	s9 =	smul.u32 $0xF7A, s1;
	s8 =	simm.s32 @!p0 $0x1BF5;
	p2 =	por !p2, p0  }
0x20: {  	[sflag:s8] =	ssyncset.s32 @!p0 $0xFFFFF086;
	s6 =	sadd.s32 @!p0 s3, s7;
	s7 =	simm.s32 @!p0 $0x108  }
0x21: {  	s3 =	sadd.s32 s3, s9;
	s6 =	sadd.s32 @!p0 $0x88, s6;
	s7 =	simm.s32 @p2 $0x1082  }
0x22: {  	[simem:s7], [sflag:s8] =	dma.local @!p0 [hbm:s6], $0xF7A  }
0x23: {  	s9 =	sor.u32 $0xD0000000, s2;
	s6 =	simm.s32 $0x108;
	_ =	swait.ge @!p0 [sflag:s8], $0x0  }
0x24: {  	s3 =	sadd.s32 $0x88, s3;
	s6 =	simm.s32 @!p1 $0x1082;
	[sflag:s4] =	ssyncset.s32 $0xFFFFF086  }
0x25: {  	[simem:s6], [sflag:s4] =	dma.local [hbm:s3], $0xF7A  }
0x26: {  	[smem:$0x3F99] =	sst s1;
	(tag) =	ssettag s2;
	_ =	strace s9  }
0x27: {  	s1 =	sld [smem:$0x3FA9]  }
0x28: {  	s2 =	sld [smem:$0x3FAA]  }
0x29: {  	s4 =	sld [smem:$0x3FAC]  }
0x2a: {  	p0 =	seq.s32 s5, $0x0;
	s5 =	sld [smem:$0x3FAD]  }
0x2b: {  	s6 =	sld [smem:$0x3FAE]  }
0x2c: {  	s7 =	sld [smem:$0x3FAF]  }
0x2d: {  	s3 =	simm.s32 $0x108;
	s8 =	sld [smem:$0x3FB0]  }
0x2e: {  	s3 =	simm.s32 @!p0 $0x1082;
	s9 =	sld [smem:$0x3FB1]  }
0x2f: {  	lr =	sadd.s32 s0, s3;
	s0 =	sld [smem:$0x3FA8]  }
0x30: {  	s3 =	sld [smem:$0x3FAB]  }
0x31: {  	[smem:$0x3FB4] =	sst s10  }
0x32: {  	s10 =	sld [smem:$0x3FB2];
	_ =	sdelay $0x3  }
0x33: {  	p0 =	seq.s32 s10, $0x1;
	s10 =	sld [smem:$0x3FB4];
	_ =	sdelay $0x3  }
0x34: {  	[smem:$0x3FB4] =	sst s10  }
0x35: {  	s10 =	sld [smem:$0x3FB3];
	_ =	sdelay $0x3  }
0x36: {  	p1 =	seq.s32 s10, $0x1;
	s10 =	sld [smem:$0x3FB4];
	_ =	sdelay $0x3  }
0x37: {  	[smem:$0x3FB4] =	sst s10  }
0x38: {  	s10 =	sld [smem:$0x3FB5]  }
0x39: {  	_ = 	snop;
	(pc) =	sbr.ind lr, $3  }
0x3a: {  	_ = 	snop  }
0x3b: {  	_ = 	snop  }
0x3c: {  	p2 =	seq.s32 s10, $0x1;
	s10 =	sld [smem:$0x3FB4]  }
0x3d: {  	_ =	shalt  }
0x3e: {  	_ =	shalt  }
0x3f: {  	_ =	shalt  }
0x40: {  	_ =	shalt  }
0x41: {  	_ =	shalt  }
0x42: {  	_ =	shalt  }
0x43: {  	_ =	shalt  }
0x44: {  	_ =	shalt  }
0x45: {  	_ =	shalt  }
0x46: {  	_ =	shalt  }
0x47: {  	_ =	shalt  }
0x48: {  	_ =	shalt  }
0x49: {  	_ =	shalt  }
0x4a: {  	_ =	shalt  }
0x4b: {  	_ =	shalt  }
0x4c: {  	_ =	shalt  }
0x4d: {  	_ =	shalt  }
0x4e: {  	_ =	shalt  }
0x4f: {  	_ =	shalt  }
0x50: {  	_ =	shalt  }
0x51: {  	_ =	shalt  }
0x52: {  	_ =	shalt  }
0x53: {  	_ =	shalt  }
0x54: {  	_ =	shalt  }
0x55: {  	_ =	shalt  }
0x56: {  	_ =	shalt  }
0x57: {  	_ =	shalt  }
0x58: {  	_ =	shalt  }
0x59: {  	_ =	shalt  }
0x5a: {  	_ =	shalt  }
0x5b: {  	_ =	shalt  }
0x5c: {  	_ =	shalt  }
0x5d: {  	_ =	shalt  }
0x5e: {  	_ =	shalt  }
0x5f: {  	_ =	shalt  }
0x60: {  	_ =	shalt  }
0x61: {  	_ =	shalt  }
0x62: {  	_ =	shalt  }
0x63: {  	_ =	shalt  }
0x64: {  	_ =	shalt  }
0x65: {  	_ =	shalt  }
0x66: {  	_ =	shalt  }
0x67: {  	_ =	shalt  }
0x68: {  	_ =	shalt  }
0x69: {  	_ =	shalt  }
0x6a: {  	_ =	shalt  }
0x6b: {  	_ =	shalt  }
0x6c: {  	_ =	shalt  }
0x6d: {  	_ =	shalt  }
0x6e: {  	_ =	shalt  }
0x6f: {  	_ =	shalt  }
0x70: {  	_ =	shalt  }
0x71: {  	_ =	shalt  }
0x72: {  	_ =	shalt  }
0x73: {  	_ =	shalt  }
0x74: {  	_ =	shalt  }
0x75: {  	_ =	shalt  }
0x76: {  	_ =	shalt  }
0x77: {  	_ =	shalt  }
0x78: {  	_ =	shalt  }
0x79: {  	_ =	shalt  }
0x7a: {  	_ =	shalt  }
0x7b: {  	_ =	shalt  }
0x7c: {  	_ =	shalt  }
0x7d: {  	_ =	shalt  }
0x7e: {  	_ =	shalt  }
0x7f: {  	_ =	shalt  }
0x80: {  	_ =	shalt  }
0x81: {  	_ =	shalt  }
0x82: {  	_ =	shalt  }
0x83: {  	_ =	shalt  }
0x84: {  	_ =	shalt  }
0x85: {  	_ =	shalt  }
0x86: {  	_ =	shalt  }
0x87: {  	_ =	shalt  }
.Lfunc_end0:
.L_simem_size_0:
called_computation_lowered:
.L_overlay_start_0:
0x88: {  	s2 =	sld [smem:$0x3FD9]  }
0x89: {  	s3 =	sld [smem:$0x3FFE];
	_ =	sdelay $0x1  }
0x8a: {  	s1 =	srdreg.scid  }
0x8b: {  	s0 =	sand.u32 $0x1, s1  }
0x8c: {  	s17 =	sshll.u32 s0, $0xA;
	s2 =	sadd.s32 s3, s2  }
0x8d: {  	s2 =	sadd.s32 s2, s17  }
0x8e: {  	[smem:$0x3FC0] =	sst s2  }
0x8f: {  	_ = 	snop  }
0x90: {  	s2 =	sld [smem:$0x3FC9];
	(tm) =	ssettm $0x1  }
0x91: {  	s18 =	sld [smem:$0x3FFB];
	_ =	sdelay $0x3  }
0x92: {  	_ =	strace s18  }
0x93: {  	s3 =	sld [smem:$0x3FFC];
	_ =	sdelay $0x3  }
0x94: {  	_ =	strace s3  }
0x95: {  	s3 =	sld [smem:$0x3FFD];
	_ =	sdelay $0x3  }
0x96: {  	_ =	strace s3  }
0x97: {  	_ =	strace $0x8FFFFFFF  }
0x98: {  	s19 =	sld [smem:$0x3FDB];
	_ =	sdelay $0x1  }
0x99: {  	s4 =	simm.s32 $_scs_section_size  }
0x9a: {  	s5 =	simm.s32 $_size__tile_overlayer_lowered;
	s6 =	simm.s32 $_tile_overlayer_lowered  }
0x9b: {  	s22 =	simm.s32 $0x1BFF;
	s21 =	sshll.u32 s6, $0x1;
	s3 =	sadd.s32 s4, s19  }
0x9c: {  	s7 =	simm.s32 $0x0;
	s20 =	sshll.u32 s5, $0x1;
	s5 =	sadd.s32 s21, s3  }
0x9d: {  	[timem:s7], [sflag:s22] =	dma.local [hbm:s5], s20  }
0x9e: {  	_ =	swait.ge [sflag:s22], s20  }
0x9f: {  	s4 =	ssub.s32 $0x0, s20;
	[sflag:s22] =	ssyncset.done $0x0  }
0xa0: {  	[sflag:s22] =	ssyncadd.s32 s4;
	_ =	sdelay $0x1  }
0xa1: {  	s23 =	simm.s32 $0x1B8B  }
0xa2: {  	_ =	swait.ge [sflag:s23], $0x1  }
0xa3: {  	[sflag:s23] =	ssyncset.done $0x0  }
0xa4: {  	s25 =	simm.s32 $0x1B8E;
	s24 =	sld [smem:$0x3FFE];
	[sflag:s23] =	ssyncadd.s32 $0xFFFFFFFF  }
0xa5: {  	s26 =	simm.s32 $execute0_lowered;
	[smem:$0x3FD2] =	sst s25  }
0xa6: {  	s5 =	sshll.u32 s26, $0x1;
	_ =	strace $0x80000046;
	[dreg:$0x1] =	wrdreg $0xFFFFFFFF  }
0xa7: {  	s28 =	simm.s32 $_size_execute0_lowered;
	s3 =	sadd.s32 s3, s5;
	[dreg:$0x0] =	wrdreg $0x0  }
0xa8: {  	s5 =	sshll.u32 s28, $0x1;
	[dreg:$0x2] =	wrdreg s3  }
0xa9: {  	[dreg:$0x3] =	wrdreg s5  }
0xaa: {  	[dreg:$0x4] =	wrdreg $0xC0  }
0xab: {  	_ =	task [dreg:s7], $0x5FFFF  }
0xac: {  	[dreg:$0x1] =	wrdreg $0xFFFFFFFF  }
0xad: {  	[dreg:$0x0] =	wrdreg $0x60  }
0xae: {  	[dreg:$0x2] =	wrdreg s2  }
0xaf: {  	[dreg:$0x3] =	wrdreg s24  }
0xb0: {  	[dreg:$0x4] =	wrdreg $0xA8000  }
0xb1: {  	[dreg:$0x5] =	wrdreg $0x9  }
0xb2: {  	_ =	task.clear_ibuf [dreg:s7], $0x6FFFF;
	_ =	strace $0x90000046  }
0xb3: {  	s29 =	simm.s32 $0x9;
	_ =	strace $0x80000048  }
0xb4: {  	_ =	swait.ge [sflag:s29], $0x1  }
0xb5: {  	[sflag:s29] =	ssyncadd.s32 $0xFFFFFFFF  }
0xb6: {  	_ =	strace $0x90000048  }
0xb7: {  	_ =	sfence  }
0xb8: {  	s30 =	sld [smem:$0x0];
	_ =	sdelay $0x2  }
0xb9: {  	s31 =	sshll.u32 s1, $0xD;
	s1 =	sshrl.u32 s1, $0x2  }
0xba: {  	s3 =	sand.u32 $0x4000, s31;
	s1 =	sadd.s32 s1, s30  }
0xbb: {  	s0 =	sor.u32 s3, s0;
	s1 =	sshll.u32 s1, $0x11  }
0xbc: {  	s0 =	sor.u32 s1, s0  }
0xbd: {  	s0 =	sadd.s32 $0x8F2B, s0  }
0xbe: {  	[sflag:s0] =	ssyncadd.remote.s32 $0x1  }
0xbf: {  	_ =	sfence.sel $0xFFFF  }
0xc0: {  	[dreg:$0x0] =	wrdreg $0xFFFFFFFF;
	(pc) =	sbr.abs _section_cstart, $3  }
0xc1: {  	[dreg:$0x1] =	wrdreg $0xFFFFFFFF  }
0xc2: {  	_ =	task.clear_ibuf [dreg:s7], $0x2FFFF;
	_ =	strace $0x9FFFFFFF  }
0xc3: {  	(tm) =	ssettm $0x7FFFFFFF  }
tec
execute0_lowered:
.L_overlay_start_1:
0x0: {  	(tag) =	ssettag $0x1  }
0x1: {  	s1 =	rddreg [dreg:$0x0]  }
0x2: {  	s0 =	rddreg [dreg:$0x1]  }
0x3: {  	s2 =	rddreg [dreg:$0x2];
	s3 =	srdreg.scid;
	s4 =	simm.s32 $0x0  }
0x4: {  	s17 =	simm.s32 $0x9;
	s19 =	simm.s32 $0x40;
	s20 =	simm.s32 $0x2800  }
0x5: {  	s28 =	simm.s32 $0x1;
	s29 =	simm.s32 $0x2;
	s30 =	simm.s32 $0x3  }
0x6: {  	s31 =	simm.s32 $0x4;
	s18 =	simm.s32 $0x27C0;
	s5 =	sand.u32 $0x1, s3  }
0x7: {  	[smem:$0x7FF] =	sst s4;
	s3 =	stileid.u32;
	s14 =	sadd.s32 $0x15400, s0  }
0x8: {  	s10 =	sadd.s32 $0x1400, s0;
	s11 =	sadd.s32 $0xB400, s0;
	s0 =	sadd.s32 $0x3C600, s0  }
0x9: {  	s6 =	sshll.u32 s5, $0x4;
	_ =	strace $0x80000047;
	s9 =	smul.u32 $0x4F000, s3  }
0xa: {  	s7 =	ssub.s32 $0x2, s5;
	p2 =	seq.s32 s5, $0x0;
	s12 =	smul.u32 $0x2780, s3  }
0xb: {  	p4 =	sne.s32 s3, $0xF;
	p3 =	seq.s32 s5, $0x1;
	s5 =	smul.u32 $0x138800, s5  }
0xc: {  	p0 =	seq.s32 s3, $0xF;
	s13 =	smul.u32 $0x13C00, s3;
	[dreg:$0x4] =	wrdreg s14  }
0xd: {  	s6 =	sor.u32 s3, s6;
	s8 =	sshrl.u32 s7, $0x1;
	p1 =	por !p2, !p4  }
0xe: {  	p2 =	por !p2, !p0;
	p4 =	por !p4, !p3;
	s6 =	smul.u32 $0x2800, s6  }
0xf: {  	s7 =	ssub.s32 s7, s8;
	p1 =	por !p1, !p1;
	p2 =	por !p2, !p2  }
0x10: {  	s8 =	sadd.s32 $0x128400, s2;
	s9 =	sshrl.u32 s9, $0x2;
	s15 =	sadd.s32 s1, s12  }
0x11: {  	p4 =	por !p4, !p4;
	s12 =	sadd.s32 s14, s12;
	s23 =	sadd.s32 s13, s5  }
0x12: {  	s5 =	sshrl.u32 s5, $0x3;
	s13 =	simm.s32 $0x0;
	[dreg:$0x7] =	wrdreg s15  }
0x13: {  	s9 =	sadd.s32 s9, s2;
	[dreg:$0x8] =	wrdreg s12;
	s24 =	sshrl.u32 s23, $0x3  }
0x14: {  	s5 =	sadd.s32 s0, s5;
	s26 =	smax.u32 s7, $0x1;
	s23 =	simm.s32 $0x80  }
0x15: {  	s7 =	simm.s32 $0x2740;
	s12 =	simm.s32 $0x2780;
	s6 =	sshrl.u32 s6, $0x3  }
0x16: {  	s0 =	sadd.s32 s0, s24;
	s25 =	sadd.s32 $0x25080, s5;
	[dreg:$0xd] =	wrdreg s26  }
0x17: {  	s24 =	simm.s32 $0x6800;
	s26 =	simm.s32 $0x8800;
	[dreg:$0xb] =	wrdreg s0  }
0x18: {  	s5 =	simm.s32 $0x7;
	s21 =	sadd.s32 s10, s6;
	[dreg:$0xc] =	wrdreg s25  }
0x19: {  	s22 =	sadd.s32 s11, s6;
	s6 =	sadd.s32 $0x280, s6;
	[dreg:$0x5] =	wrdreg s21  }
0x1a: {  	s25 =	simm.s32 $0xC0;
	s0 =	simm.s32 $0x5;
	[dreg:$0x6] =	wrdreg s22  }
0x1b: {  	s10 =	sadd.s32 s10, s6;
	s6 =	sadd.s32 s11, s6;
	s21 =	simm.s32 $0x3D  }
0x1c: {  	s22 =	simm.s32 $0x4800;
	s11 =	simm.s32 $0x8;
	[dreg:$0x9] =	wrdreg s10  }
0x1d: {  	[dreg:$0xa] =	wrdreg s6;
	s10 =	simm.s32 $0x6;
	s6 =	simm.s32 $0x2700  }
.LBB2_1:
0x1e: {  	s14 =	rddreg [dreg:$0x5]  }
0x1f: {  	[tilespmem:s4], [sflag:$0x9] =	stream.linear.gather [hbm4b:s14+s4], $0x1400, $0x38;
	[tilespmem:$0x1E080] =	vst v63  }
0x20: {  	_ =	swait.ge [sflag:s17], $0x1400  }
0x21: {  	[sflag:s17] =	ssyncset.done $0x0  }
0x22: {  	s15 =	simm.s32 $0x1400;
	s16 =	rddreg [dreg:$0x6];
	[sflag:s17] =	ssyncadd.s32 $0xFFFFEC00  }
0x23: {  	[tilespmem:s15], [sflag:$0x9] =	stream.linear.gather [hbm4b:s16+s4], $0x1400, $0x38;
	[tilespmem:$0x1E080] =	vst v63  }
0x24: {  	_ =	swait.ge [sflag:s17], $0x1400  }
0x25: {  	[sflag:s17] =	ssyncset.done $0x0  }
0x26: {  	[sflag:s17] =	ssyncadd.s32 $0xFFFFEC00  }
0x27: {  	[tilespmem:s20], [sflag:$0x1] =	stream.indirect.gather [hbm4b:s1+s19], $0x80, s4, s19, $0xb8;
	[tilespmem:$0x1E080] =	vst v63  }
0x28: {  	_ = 	snop  }
0x29: {  	[tilespmem:s22], [sflag:$0x2] =	stream.indirect.gather [hbm4b:s1+s21], $0x80, s19, s21, $0xb8;
	[tilespmem:$0x1E080] =	vst v63  }
.Ltmp0:
0x2a: {  	_ = 	snop;
	(pc) =	sbr.rel @!p1 .LBB2_4-.Ltmp0, $4  }
0x2b: {  	_ = 	snop  }
0x2c: {  	[tilespmem:s24], [sflag:$0x3] =	stream.indirect.gather [hbm4b:s1+s19], $0x80, s23, s19, $0xb8;
	[tilespmem:$0x1E080] =	vst v63  }
0x2d: {  	_ = 	snop  }
0x2e: {  	[tilespmem:s26], [sflag:$0x4] =	stream.indirect.gather [hbm4b:s1+s21], $0x80, s25, s21, $0xb8;
	[tilespmem:$0x1E080] =	vst v63  }
0x2f: {  	s14 =	sshll.u32 s3, $0x6;
	s15 =	sshrl.u32 s9, $0x3  }
.Ltmp1:
0x30: {  	s16 =	rddreg [dreg:$0x7];
	s14 =	sor.u32 $0x1C09, s14;
	(pc) =	sbr.rel .LBB2_3-.Ltmp1, $4  }
0x31: {  	[spmem:s15], [sflag:s14] =	dma.local [hbm:s16], $0x2780  }
0x32: {  	_ =	swait.ge [sflag:s17], $0x2780  }
0x33: {  	[sflag:s17] =	ssyncset.done $0x0  }
0x34: {  	p5 =	por $0x0, $0x0;
	[sflag:s17] =	ssyncadd.s32 $0xFFFFD880  }
.LBB2_4:
.Ltmp2:
0x35: {  	(pc) =	sbr.rel @!p2 .LBB2_3-.Ltmp2, $2  }
0x36: {  	_ =	sdelay $0x2  }
0x37: {  	p5 =	por p0, p0  }
.Ltmp3:
0x38: {  	(pc) =	sbr.rel .LBB2_6-.Ltmp3, $2  }
0x39: {  	_ =	sdelay $0x2  }
0x3a: {  	p5 =	por $0x1, $0x1;
	s15 =	simm.s32 $0xF;
	s14 =	smov.u32 s1  }
.LBB2_3:
0x3b: {  	s14 =	sshll.u32 @p4 s3, $0x6;
	s15 =	sshrl.u32 @p4 s9, $0x3;
	p6 =	por @p4 $0x1, $0x1  }
0x3c: {  	s16 =	rddreg [dreg:$0x8];
	s14 =	sor.u32 @p4 $0x1C09, s14;
	p6 =	por @!p4 p3, p3  }
0x3d: {  	[spmem:s15], [sflag:s14] =	dma.local @p4 [hbm:s16], $0x2780  }
0x3e: {  	p6 =	por !p6, !p5  }
0x3f: {  	p6 =	por !p6, !p6  }
.Ltmp4:
0x40: {  	_ = 	snop;
	(pc) =	sbr.rel @!p6 .LBB2_7-.Ltmp4, $4  }
0x41: {  	s14 =	simm.s32 @p4 $0x9  }
0x42: {  	_ =	swait.ge @p4 [sflag:s14], $0x2780  }
0x43: {  	[sflag:s14] =	ssyncset.done @p4 $0x0  }
0x44: {  	s15 =	stileid.u32;
	[sflag:s14] =	ssyncadd.s32 @p4 $0xFFFFD880;
	s14 =	rddreg [dreg:$0x4]  }
.LBB2_6:
0x45: {  	s15 =	sshll.u32 s15, $0x6  }
0x46: {  	s14 =	sadd.s32 $0x25080, s14;
	s16 =	sshrl.u32 s8, $0x3;
	s15 =	sor.u32 $0x1C09, s15  }
0x47: {  	[spmem:s16], [sflag:s15] =	dma.local [hbm:s14], $0x2080  }
0x48: {  	_ =	swait.ge [sflag:s17], $0x2080  }
0x49: {  	[sflag:s17] =	ssyncset.done $0x0  }
0x4a: {  	[sflag:s17] =	ssyncadd.s32 $0xFFFFDF80  }
.LBB2_7:
0x4b: {  	[bflag:$0x0] =	sbarrier.arrive $0xFFFF  }
0x4c: {  	_ =	swait.ge [sflag:s28], $0x2000  }
0x4d: {  	[sflag:s28] =	ssyncset.done $0x0  }
0x4e: {  	[sflag:s28] =	ssyncadd.s32 $0xFFFFE000  }
0x4f: {  	_ =	swait.ge [sflag:s29], $0x1E80  }
0x50: {  	[sflag:s29] =	ssyncset.done $0x0  }
0x51: {  	s14 =	simm.s32 $0x1400;
	[sflag:s29] =	ssyncadd.s32 $0xFFFFE180  }
0x52: {  	[spmem:s2] =	stream.indirect.scatter.add.f32 [tilespmem:s20], [sflag:$0x5], $0x80, s14, s19, $0xb8;
	[tilespmem:$0x1E080] =	vst v63  }
0x53: {  	s15 =	simm.s32 $0x1440  }
0x54: {  	[spmem:s2] =	stream.indirect.scatter.add.f32 [tilespmem:s22], [sflag:$0x6], $0x80, s15, s21, $0xb8;
	[tilespmem:$0x1E080] =	vst v63  }
0x55: {  	_ =	swait.ge [sflag:s30], $0x2000  }
0x56: {  	[sflag:s30] =	ssyncset.done $0x0  }
0x57: {  	[sflag:s30] =	ssyncadd.s32 $0xFFFFE000  }
0x58: {  	_ =	swait.ge [sflag:s31], $0x1E80  }
0x59: {  	[sflag:s31] =	ssyncset.done $0x0  }
0x5a: {  	s16 =	simm.s32 $0x1480;
	[sflag:s31] =	ssyncadd.s32 $0xFFFFE180  }
0x5b: {  	[spmem:s2] =	stream.indirect.scatter.add.f32 [tilespmem:s24], [sflag:$0x7], $0x80, s16, s19, $0xb8;
	[tilespmem:$0x1E080] =	vst v63  }
0x5c: {  	s15 =	simm.s32 $0x14C0  }
0x5d: {  	[spmem:s2] =	stream.indirect.scatter.add.f32 [tilespmem:s26], [sflag:$0x8], $0x80, s15, s21, $0xb8;
	[tilespmem:$0x1E080] =	vst v63  }
0x5e: {  	_ =	swait.ge [sflag:s0], $0x2000  }
0x5f: {  	[sflag:s0] =	ssyncset.done $0x0  }
0x60: {  	[sflag:s0] =	ssyncadd.s32 $0xFFFFE000  }
0x61: {  	_ =	swait.ge [sflag:s10], $0x1E80  }
0x62: {  	[sflag:s10] =	ssyncset.done $0x0  }
0x63: {  	s16 =	simm.s32 $0x100;
	[sflag:s10] =	ssyncadd.s32 $0xFFFFE180  }
0x64: {  	[tilespmem:s20], [sflag:$0x1] =	stream.indirect.gather [hbm4b:s1+s19], $0x80, s16, s19, $0xb8;
	[tilespmem:$0x1E080] =	vst v63  }
0x65: {  	s15 =	simm.s32 $0x140  }
0x66: {  	[tilespmem:s22], [sflag:$0x2] =	stream.indirect.gather [hbm4b:s1+s21], $0x80, s15, s21, $0xb8;
	[tilespmem:$0x1E080] =	vst v63  }
0x67: {  	_ =	swait.ge [sflag:s5], $0x2000  }
0x68: {  	[sflag:s5] =	ssyncset.done $0x0  }
0x69: {  	[sflag:s5] =	ssyncadd.s32 $0xFFFFE000  }
0x6a: {  	_ =	swait.ge [sflag:s11], $0x1E80  }
0x6b: {  	s14 =	simm.s32 $0x400;
	[sflag:s11] =	ssyncset.done $0x0  }
0x6c: {  	s16 =	simm.s32 $0x180;
	s15 =	simm.s32 $0x1C0;
	[sflag:s11] =	ssyncadd.s32 $0xFFFFE180  }
0x6d: {  	[tilespmem:s24], [sflag:$0x3] =	stream.indirect.gather [hbm4b:s1+s19], $0x80, s16, s19, $0xb8;
	[tilespmem:$0x1E080] =	vst v63  }
.LBB2_8:
0x6e: {  	[tilespmem:s26], [sflag:$0x4] =	stream.indirect.gather [hbm4b:s1+s21], $0x80, s15, s21, $0xb8;
	[tilespmem:$0x1E080] =	vst v63  }
0x6f: {  	s15 =	smov.u32 s14  }
0x70: {  	p6 =	sne.s32 s14, $0x4800;
	s14 =	sadd.s32 $0x400, s14;
	_ =	swait.ge [sflag:s28], $0x2000  }
0x71: {  	[sflag:s28] =	ssyncset.done $0x0  }
0x72: {  	[sflag:s28] =	ssyncadd.s32 $0xFFFFE000  }
0x73: {  	_ =	swait.ge [sflag:s29], $0x1E80  }
0x74: {  	s15 =	sshra.s32 s15, $0x2;
	[sflag:s29] =	ssyncset.done $0x0  }
0x75: {  	s16 =	sadd.s32 $0x1400, s15;
	[sflag:s29] =	ssyncadd.s32 $0xFFFFE180  }
0x76: {  	[spmem:s2] =	stream.indirect.scatter.add.f32 [tilespmem:s20], [sflag:$0x5], $0x80, s16, s19, $0xb8;
	[tilespmem:$0x1E080] =	vst v63  }
0x77: {  	s16 =	sadd.s32 $0x1440, s15  }
0x78: {  	[spmem:s2] =	stream.indirect.scatter.add.f32 [tilespmem:s22], [sflag:$0x6], $0x80, s16, s21, $0xb8;
	[tilespmem:$0x1E080] =	vst v63  }
0x79: {  	_ =	swait.ge [sflag:s30], $0x2000  }
0x7a: {  	[sflag:s30] =	ssyncset.done $0x0  }
0x7b: {  	[sflag:s30] =	ssyncadd.s32 $0xFFFFE000  }
0x7c: {  	_ =	swait.ge [sflag:s31], $0x1E80  }
0x7d: {  	[sflag:s31] =	ssyncset.done $0x0  }
0x7e: {  	s16 =	sadd.s32 $0x1480, s15;
	[sflag:s31] =	ssyncadd.s32 $0xFFFFE180  }
0x7f: {  	[spmem:s2] =	stream.indirect.scatter.add.f32 [tilespmem:s24], [sflag:$0x7], $0x80, s16, s19, $0xb8;
	[tilespmem:$0x1E080] =	vst v63  }
0x80: {  	s16 =	sadd.s32 $0x14C0, s15  }
0x81: {  	[spmem:s2] =	stream.indirect.scatter.add.f32 [tilespmem:s26], [sflag:$0x8], $0x80, s16, s21, $0xb8;
	[tilespmem:$0x1E080] =	vst v63  }
0x82: {  	_ =	swait.ge [sflag:s0], $0x2000  }
0x83: {  	[sflag:s0] =	ssyncset.done $0x0  }
0x84: {  	[sflag:s0] =	ssyncadd.s32 $0xFFFFE000  }
0x85: {  	_ =	swait.ge [sflag:s10], $0x1E80  }
0x86: {  	[sflag:s10] =	ssyncset.done $0x0  }
0x87: {  	s16 =	sadd.s32 $0x100, s15;
	[sflag:s10] =	ssyncadd.s32 $0xFFFFE180  }
0x88: {  	[tilespmem:s20], [sflag:$0x1] =	stream.indirect.gather [hbm4b:s1+s19], $0x80, s16, s19, $0xb8;
	[tilespmem:$0x1E080] =	vst v63  }
0x89: {  	s16 =	sadd.s32 $0x140, s15  }
0x8a: {  	[tilespmem:s22], [sflag:$0x2] =	stream.indirect.gather [hbm4b:s1+s21], $0x80, s16, s21, $0xb8;
	[tilespmem:$0x1E080] =	vst v63  }
0x8b: {  	_ =	swait.ge [sflag:s5], $0x2000  }
0x8c: {  	[sflag:s5] =	ssyncset.done $0x0  }
0x8d: {  	[sflag:s5] =	ssyncadd.s32 $0xFFFFE000  }
.Ltmp5:
0x8e: {  	_ =	swait.ge [sflag:s11], $0x1E80;
	(pc) =	sbr.rel @p6 .LBB2_8-.Ltmp5, $4  }
0x8f: {  	[sflag:s11] =	ssyncset.done $0x0  }
0x90: {  	s16 =	sadd.s32 $0x180, s15;
	[sflag:s11] =	ssyncadd.s32 $0xFFFFE180  }
0x91: {  	[tilespmem:s24], [sflag:$0x3] =	stream.indirect.gather [hbm4b:s1+s19], $0x80, s16, s19, $0xb8;
	[tilespmem:$0x1E080] =	vst v63  }
0x92: {  	s15 =	sadd.s32 $0x1C0, s15  }
0x93: {  	[tilespmem:s26], [sflag:$0x4] =	stream.indirect.gather [hbm4b:s1+s21], $0x80, s15, s21, $0xb8;
	[tilespmem:$0x1E080] =	vst v63  }
0x94: {  	_ =	swait.ge [sflag:s28], $0x2000  }
0x95: {  	[sflag:s28] =	ssyncset.done $0x0  }
0x96: {  	[sflag:s28] =	ssyncadd.s32 $0xFFFFE000  }
0x97: {  	_ =	swait.ge [sflag:s29], $0x1E80  }
0x98: {  	[sflag:s29] =	ssyncset.done $0x0  }
0x99: {  	[sflag:s29] =	ssyncadd.s32 $0xFFFFE180  }
0x9a: {  	[spmem:s2] =	stream.indirect.scatter.add.f32 [tilespmem:s20], [sflag:$0x5], $0x80, s6, s19, $0xb8;
	[tilespmem:$0x1E080] =	vst v63  }
0x9b: {  	_ = 	snop  }
0x9c: {  	[spmem:s2] =	stream.indirect.scatter.add.f32 [tilespmem:s22], [sflag:$0x6], $0x80, s7, s21, $0xb8;
	[tilespmem:$0x1E080] =	vst v63  }
0x9d: {  	_ =	swait.ge [sflag:s30], $0x2000  }
0x9e: {  	[sflag:s30] =	ssyncset.done $0x0  }
0x9f: {  	[sflag:s30] =	ssyncadd.s32 $0xFFFFE000  }
0xa0: {  	_ =	swait.ge [sflag:s31], $0x1E80  }
0xa1: {  	[sflag:s31] =	ssyncset.done $0x0  }
0xa2: {  	[sflag:s31] =	ssyncadd.s32 $0xFFFFE180  }
0xa3: {  	[spmem:s2] =	stream.indirect.scatter.add.f32 [tilespmem:s24], [sflag:$0x7], $0x80, s12, s19, $0xb8;
	[tilespmem:$0x1E080] =	vst v63  }
0xa4: {  	_ = 	snop  }
0xa5: {  	[spmem:s2] =	stream.indirect.scatter.add.f32 [tilespmem:s26], [sflag:$0x8], $0x80, s18, s21, $0xb8;
	[tilespmem:$0x1E080] =	vst v63  }
0xa6: {  	_ =	swait.ge [sflag:s0], $0x2000  }
0xa7: {  	[sflag:s0] =	ssyncset.done $0x0  }
0xa8: {  	[sflag:s0] =	ssyncadd.s32 $0xFFFFE000  }
0xa9: {  	_ =	swait.ge [sflag:s10], $0x1E80  }
0xaa: {  	[sflag:s10] =	ssyncset.done $0x0  }
0xab: {  	[sflag:s10] =	ssyncadd.s32 $0xFFFFE180  }
0xac: {  	_ =	swait.ge [sflag:s5], $0x2000  }
0xad: {  	[sflag:s5] =	ssyncset.done $0x0  }
0xae: {  	[sflag:s5] =	ssyncadd.s32 $0xFFFFE000  }
0xaf: {  	_ =	swait.ge [sflag:s11], $0x1E80  }
0xb0: {  	[sflag:s11] =	ssyncset.done $0x0  }
0xb1: {  	s14 =	simm.s32 $0x0;
	s16 =	rddreg [dreg:$0x9];
	[sflag:s11] =	ssyncadd.s32 $0xFFFFE180  }
0xb2: {  	[tilespmem:s14], [sflag:$0x9] =	stream.linear.gather [hbm4b:s16+s14], $0x1400, $0x38;
	[tilespmem:$0x1E080] =	vst v63  }
0xb3: {  	_ =	swait.ge [sflag:s17], $0x1400  }
0xb4: {  	[sflag:s17] =	ssyncset.done $0x0  }
0xb5: {  	s16 =	simm.s32 $0x1400;
	s15 =	rddreg [dreg:$0xa];
	[sflag:s17] =	ssyncadd.s32 $0xFFFFEC00  }
0xb6: {  	[tilespmem:s16], [sflag:$0x9] =	stream.linear.gather [hbm4b:s15+s14], $0x1400, $0x38;
	[tilespmem:$0x1E080] =	vst v63  }
0xb7: {  	_ =	swait.ge [sflag:s17], $0x1400  }
0xb8: {  	[sflag:s17] =	ssyncset.done $0x0  }
0xb9: {  	[sflag:s17] =	ssyncadd.s32 $0xFFFFEC00  }
0xba: {  	[tilespmem:s20], [sflag:$0x1] =	stream.indirect.gather [hbm4b:s1+s19], $0x80, s14, s19, $0xb8;
	[tilespmem:$0x1E080] =	vst v63  }
0xbb: {  	_ = 	snop  }
0xbc: {  	[tilespmem:s22], [sflag:$0x2] =	stream.indirect.gather [hbm4b:s1+s21], $0x80, s19, s21, $0xb8;
	[tilespmem:$0x1E080] =	vst v63  }
0xbd: {  	_ = 	snop  }
0xbe: {  	[tilespmem:s24], [sflag:$0x3] =	stream.indirect.gather [hbm4b:s1+s19], $0x80, s23, s19, $0xb8;
	[tilespmem:$0x1E080] =	vst v63  }
0xbf: {  	_ = 	snop  }
0xc0: {  	[tilespmem:s26], [sflag:$0x4] =	stream.indirect.gather [hbm4b:s1+s21], $0x80, s25, s21, $0xb8;
	[tilespmem:$0x1E080] =	vst v63  }
0xc1: {  	_ =	swait.ge [sflag:s28], $0x2000  }
0xc2: {  	[sflag:s28] =	ssyncset.done $0x0  }
0xc3: {  	[sflag:s28] =	ssyncadd.s32 $0xFFFFE000  }
0xc4: {  	_ =	swait.ge [sflag:s29], $0x1E80  }
0xc5: {  	[sflag:s29] =	ssyncset.done $0x0  }
0xc6: {  	s16 =	simm.s32 $0x1400;
	[sflag:s29] =	ssyncadd.s32 $0xFFFFE180  }
0xc7: {  	[spmem:s2] =	stream.indirect.scatter.add.f32 [tilespmem:s20], [sflag:$0x5], $0x80, s16, s19, $0xb8;
	[tilespmem:$0x1E080] =	vst v63  }
0xc8: {  	s15 =	simm.s32 $0x1440  }
0xc9: {  	[spmem:s2] =	stream.indirect.scatter.add.f32 [tilespmem:s22], [sflag:$0x6], $0x80, s15, s21, $0xb8;
	[tilespmem:$0x1E080] =	vst v63  }
0xca: {  	_ =	swait.ge [sflag:s30], $0x2000  }
0xcb: {  	[sflag:s30] =	ssyncset.done $0x0  }
0xcc: {  	[sflag:s30] =	ssyncadd.s32 $0xFFFFE000  }
0xcd: {  	_ =	swait.ge [sflag:s31], $0x1E80  }
0xce: {  	[sflag:s31] =	ssyncset.done $0x0  }
0xcf: {  	s16 =	simm.s32 $0x1480;
	[sflag:s31] =	ssyncadd.s32 $0xFFFFE180  }
0xd0: {  	[spmem:s2] =	stream.indirect.scatter.add.f32 [tilespmem:s24], [sflag:$0x7], $0x80, s16, s19, $0xb8;
	[tilespmem:$0x1E080] =	vst v63  }
0xd1: {  	s15 =	simm.s32 $0x14C0  }
0xd2: {  	[spmem:s2] =	stream.indirect.scatter.add.f32 [tilespmem:s26], [sflag:$0x8], $0x80, s15, s21, $0xb8;
	[tilespmem:$0x1E080] =	vst v63  }
0xd3: {  	_ =	swait.ge [sflag:s0], $0x2000  }
0xd4: {  	[sflag:s0] =	ssyncset.done $0x0  }
0xd5: {  	[sflag:s0] =	ssyncadd.s32 $0xFFFFE000  }
0xd6: {  	_ =	swait.ge [sflag:s10], $0x1E80  }
0xd7: {  	[sflag:s10] =	ssyncset.done $0x0  }
0xd8: {  	s16 =	simm.s32 $0x100;
	[sflag:s10] =	ssyncadd.s32 $0xFFFFE180  }
0xd9: {  	[tilespmem:s20], [sflag:$0x1] =	stream.indirect.gather [hbm4b:s1+s19], $0x80, s16, s19, $0xb8;
	[tilespmem:$0x1E080] =	vst v63  }
0xda: {  	s15 =	simm.s32 $0x140  }
0xdb: {  	[tilespmem:s22], [sflag:$0x2] =	stream.indirect.gather [hbm4b:s1+s21], $0x80, s15, s21, $0xb8;
	[tilespmem:$0x1E080] =	vst v63  }
0xdc: {  	_ =	swait.ge [sflag:s5], $0x2000  }
0xdd: {  	[sflag:s5] =	ssyncset.done $0x0  }
0xde: {  	[sflag:s5] =	ssyncadd.s32 $0xFFFFE000  }
0xdf: {  	_ =	swait.ge [sflag:s11], $0x1E80  }
0xe0: {  	s14 =	simm.s32 $0x400;
	[sflag:s11] =	ssyncset.done $0x0  }
0xe1: {  	s16 =	simm.s32 $0x180;
	s15 =	simm.s32 $0x1C0;
	[sflag:s11] =	ssyncadd.s32 $0xFFFFE180  }
0xe2: {  	[tilespmem:s24], [sflag:$0x3] =	stream.indirect.gather [hbm4b:s1+s19], $0x80, s16, s19, $0xb8;
	[tilespmem:$0x1E080] =	vst v63  }
.LBB2_10:
0xe3: {  	[tilespmem:s26], [sflag:$0x4] =	stream.indirect.gather [hbm4b:s1+s21], $0x80, s15, s21, $0xb8;
	[tilespmem:$0x1E080] =	vst v63  }
0xe4: {  	s15 =	smov.u32 s14  }
0xe5: {  	p6 =	sne.s32 s14, $0x4800;
	s14 =	sadd.s32 $0x400, s14;
	_ =	swait.ge [sflag:s28], $0x2000  }
0xe6: {  	[sflag:s28] =	ssyncset.done $0x0  }
0xe7: {  	[sflag:s28] =	ssyncadd.s32 $0xFFFFE000  }
0xe8: {  	_ =	swait.ge [sflag:s29], $0x1E80  }
0xe9: {  	s15 =	sshra.s32 s15, $0x2;
	[sflag:s29] =	ssyncset.done $0x0  }
0xea: {  	s16 =	sadd.s32 $0x1400, s15;
	[sflag:s29] =	ssyncadd.s32 $0xFFFFE180  }
0xeb: {  	[spmem:s2] =	stream.indirect.scatter.add.f32 [tilespmem:s20], [sflag:$0x5], $0x80, s16, s19, $0xb8;
	[tilespmem:$0x1E080] =	vst v63  }
0xec: {  	s16 =	sadd.s32 $0x1440, s15  }
0xed: {  	[spmem:s2] =	stream.indirect.scatter.add.f32 [tilespmem:s22], [sflag:$0x6], $0x80, s16, s21, $0xb8;
	[tilespmem:$0x1E080] =	vst v63  }
0xee: {  	_ =	swait.ge [sflag:s30], $0x2000  }
0xef: {  	[sflag:s30] =	ssyncset.done $0x0  }
0xf0: {  	[sflag:s30] =	ssyncadd.s32 $0xFFFFE000  }
0xf1: {  	_ =	swait.ge [sflag:s31], $0x1E80  }
0xf2: {  	[sflag:s31] =	ssyncset.done $0x0  }
0xf3: {  	s16 =	sadd.s32 $0x1480, s15;
	[sflag:s31] =	ssyncadd.s32 $0xFFFFE180  }
0xf4: {  	[spmem:s2] =	stream.indirect.scatter.add.f32 [tilespmem:s24], [sflag:$0x7], $0x80, s16, s19, $0xb8;
	[tilespmem:$0x1E080] =	vst v63  }
0xf5: {  	s16 =	sadd.s32 $0x14C0, s15  }
0xf6: {  	[spmem:s2] =	stream.indirect.scatter.add.f32 [tilespmem:s26], [sflag:$0x8], $0x80, s16, s21, $0xb8;
	[tilespmem:$0x1E080] =	vst v63  }
0xf7: {  	_ =	swait.ge [sflag:s0], $0x2000  }
0xf8: {  	[sflag:s0] =	ssyncset.done $0x0  }
0xf9: {  	[sflag:s0] =	ssyncadd.s32 $0xFFFFE000  }
0xfa: {  	_ =	swait.ge [sflag:s10], $0x1E80  }
0xfb: {  	[sflag:s10] =	ssyncset.done $0x0  }
0xfc: {  	s16 =	sadd.s32 $0x100, s15;
	[sflag:s10] =	ssyncadd.s32 $0xFFFFE180  }
0xfd: {  	[tilespmem:s20], [sflag:$0x1] =	stream.indirect.gather [hbm4b:s1+s19], $0x80, s16, s19, $0xb8;
	[tilespmem:$0x1E080] =	vst v63  }
0xfe: {  	s16 =	sadd.s32 $0x140, s15  }
0xff: {  	[tilespmem:s22], [sflag:$0x2] =	stream.indirect.gather [hbm4b:s1+s21], $0x80, s16, s21, $0xb8;
	[tilespmem:$0x1E080] =	vst v63  }
0x100: {  	_ =	swait.ge [sflag:s5], $0x2000  }
0x101: {  	[sflag:s5] =	ssyncset.done $0x0  }
0x102: {  	[sflag:s5] =	ssyncadd.s32 $0xFFFFE000  }
.Ltmp6:
0x103: {  	_ =	swait.ge [sflag:s11], $0x1E80;
	(pc) =	sbr.rel @p6 .LBB2_10-.Ltmp6, $4  }
0x104: {  	[sflag:s11] =	ssyncset.done $0x0  }
0x105: {  	s16 =	sadd.s32 $0x180, s15;
	[sflag:s11] =	ssyncadd.s32 $0xFFFFE180  }
0x106: {  	[tilespmem:s24], [sflag:$0x3] =	stream.indirect.gather [hbm4b:s1+s19], $0x80, s16, s19, $0xb8;
	[tilespmem:$0x1E080] =	vst v63  }
0x107: {  	s15 =	sadd.s32 $0x1C0, s15  }
0x108: {  	[tilespmem:s26], [sflag:$0x4] =	stream.indirect.gather [hbm4b:s1+s21], $0x80, s15, s21, $0xb8;
	[tilespmem:$0x1E080] =	vst v63  }
0x109: {  	_ =	swait.ge [sflag:s28], $0x2000  }
0x10a: {  	[sflag:s28] =	ssyncset.done $0x0  }
0x10b: {  	[sflag:s28] =	ssyncadd.s32 $0xFFFFE000  }
0x10c: {  	_ =	swait.ge [sflag:s29], $0x1E80  }
0x10d: {  	[sflag:s29] =	ssyncset.done $0x0  }
0x10e: {  	[sflag:s29] =	ssyncadd.s32 $0xFFFFE180  }
0x10f: {  	[spmem:s2] =	stream.indirect.scatter.add.f32 [tilespmem:s20], [sflag:$0x5], $0x80, s6, s19, $0xb8;
	[tilespmem:$0x1E080] =	vst v63  }
0x110: {  	_ = 	snop  }
0x111: {  	[spmem:s2] =	stream.indirect.scatter.add.f32 [tilespmem:s22], [sflag:$0x6], $0x80, s7, s21, $0xb8;
	[tilespmem:$0x1E080] =	vst v63  }
0x112: {  	_ =	swait.ge [sflag:s30], $0x2000  }
0x113: {  	[sflag:s30] =	ssyncset.done $0x0  }
0x114: {  	[sflag:s30] =	ssyncadd.s32 $0xFFFFE000  }
0x115: {  	_ =	swait.ge [sflag:s31], $0x1E80  }
0x116: {  	[sflag:s31] =	ssyncset.done $0x0  }
0x117: {  	[sflag:s31] =	ssyncadd.s32 $0xFFFFE180  }
0x118: {  	[spmem:s2] =	stream.indirect.scatter.add.f32 [tilespmem:s24], [sflag:$0x7], $0x80, s12, s19, $0xb8;
	[tilespmem:$0x1E080] =	vst v63  }
0x119: {  	_ = 	snop  }
0x11a: {  	[spmem:s2] =	stream.indirect.scatter.add.f32 [tilespmem:s26], [sflag:$0x8], $0x80, s18, s21, $0xb8;
	[tilespmem:$0x1E080] =	vst v63  }
0x11b: {  	_ =	swait.ge [sflag:s0], $0x2000  }
0x11c: {  	[sflag:s0] =	ssyncset.done $0x0  }
0x11d: {  	[sflag:s0] =	ssyncadd.s32 $0xFFFFE000  }
0x11e: {  	_ =	swait.ge [sflag:s10], $0x1E80  }
0x11f: {  	[sflag:s10] =	ssyncset.done $0x0  }
0x120: {  	[sflag:s10] =	ssyncadd.s32 $0xFFFFE180  }
0x121: {  	_ =	swait.ge [sflag:s5], $0x2000  }
0x122: {  	[sflag:s5] =	ssyncset.done $0x0  }
0x123: {  	[sflag:s5] =	ssyncadd.s32 $0xFFFFE000  }
0x124: {  	_ =	swait.ge [sflag:s11], $0x1E80  }
0x125: {  	[sflag:s11] =	ssyncset.done $0x0  }
0x126: {  	[sflag:s11] =	ssyncadd.s32 $0xFFFFE180  }
0x127: {  	s14 =	sshll.u32 @!p0 s3, $0x6;
	[bflag:$0x0] =	sbarrier.arrive $0xFFFF  }
0x128: {  	s15 =	sshrl.u32 @!p0 s9, $0x3;
	s14 =	sor.u32 @!p0 $0x1C09, s14;
	s16 =	rddreg [dreg:$0xb]  }
0x129: {  	[hbm:s16], [sflag:s14] =	dma.local @!p0 [spmem:s15], $0x2780  }
0x12a: {  	s14 =	simm.s32 @!p0 $0x9  }
0x12b: {  	_ =	swait.ge @!p0 [sflag:s14], $0x2780  }
0x12c: {  	s15 =	sshll.u32 @p5 s3, $0x6;
	[sflag:s14] =	ssyncset.done @!p0 $0x0;
	s16 =	rddreg [dreg:$0xc]  }
0x12d: {  	[sflag:s14] =	ssyncadd.s32 @!p0 $0xFFFFD880;
	s14 =	sor.u32 @p5 $0x1C09, s15;
	s15 =	sshrl.u32 @p5 s8, $0x3  }
0x12e: {  	[hbm:s16], [sflag:s14] =	dma.local @p5 [spmem:s15], $0x2080  }
0x12f: {  	s14 =	simm.s32 @p5 $0x9  }
0x130: {  	_ =	swait.ge @p5 [sflag:s14], $0x2080  }
0x131: {  	s13 =	sadd.s32 $0x1, s13;
	s16 =	rddreg [dreg:$0xd]  }
0x132: {  	p6 =	sne.s32 s13, s16  }
.Ltmp7:
0x133: {  	_ = 	snop;
	(pc) =	sbr.rel @p6 .LBB2_1-.Ltmp7, $3  }
0x134: {  	_ =	sdelay $0x1  }
0x135: {  	[sflag:s14] =	ssyncset.done @p5 $0x0  }
0x136: {  	[sflag:s14] =	ssyncadd.s32 @p5 $0xFFFFDF80  }
0x137: {  	_ =	sfence.sel $0x180000  }
0x138: {  	[bflag:$0x0] =	sbarrier.arrive $0xFFFF  }
0x139: {  	_ =	strace $0x90000047  }
0x13a: {  	[bflag:$0x2] =	sbarrier.arrive $0xFFFF  }
0x13b: {  	p0 =	sne.s32 s3, $0x0;
	s0 =	rddreg [dreg:$0x3]  }
0x13c: {  	s0 =	sadd.s32 @!p0 $0x100000, s0  }
0x13d: {  	[sflag:s0] =	ssyncadd.tile.s32 @!p0 $0x1;
	_ =	shalt  }
.Lfunc_end2:
_tile_overlayer_lowered:
.L_overlay_start_2:
0x13e: {  	(tag) =	ssettag $0x2  }
0x13f: {  	s0 =	rddreg [dreg:$0x0];
	s2 =	stileid.u32  }
0x140: {  	s1 =	rddreg [dreg:$0x1];
	p0 =	sne.s32 s2, $0x0  }
0x141: {  	s3 =	rddreg [dreg:$0x2];
	[bflag:$0x3] =	sbarrier.arrive $0xFFFF;
	s2 =	simm.s32 @!p0 $0x1C09  }
0x142: {  	[timem:s3], [sflag:s2] =	dma.local @!p0 [hbm:s0], s1  }
0x143: {  	s0 =	simm.s32 @!p0 $0x9  }
0x144: {  	_ =	swait.ge @!p0 [sflag:s0], s1  }
0x145: {  	s1 =	ssub.s32 @!p0 $0x0, s1;
	[sflag:s0] =	ssyncset.done @!p0 $0x0  }
0x146: {  	[sflag:s0] =	ssyncadd.s32 @!p0 s1  }
0x147: {  	[bflag:$0x3] =	sbarrier.arrive $0xFFFF  }
0x148: {  	_ =	shalt  }

// kernel: kernel.9.cloned.1.call-start
scs
__scs_entry_jumppad:
0x0: {  	(pc) =	sbr.rel $0x88, $3  }
0x1: {  	(tag) =	ssettag $0x0;
	lr =	simm.s32 $0x1  }
0x2: {  	[smem:$0x3F99] =	sst lr;
	_ =	strace $0xD0000000  }
0x3: {  	_ = 	snop  }
0x4: {  	_ = 	snop  }
0x5: {  	_ = 	snop  }
0x6: {  	_ = 	snop  }
0x7: {  	_ = 	snop  }
__scs_overlays_trampoline_lowered:
0x8: {  	[smem:$0x3FA8] =	sst s0  }
0x9: {  	[smem:$0x3FA9] =	sst s1  }
0xa: {  	[smem:$0x3FAA] =	sst s2  }
0xb: {  	[smem:$0x3FAB] =	sst s3  }
0xc: {  	[smem:$0x3FAC] =	sst s4  }
0xd: {  	[smem:$0x3FAD] =	sst s5  }
0xe: {  	[smem:$0x3FAE] =	sst s6  }
0xf: {  	[smem:$0x3FAF] =	sst s7  }
0x10: {  	[smem:$0x3FB0] =	sst s8  }
0x11: {  	[smem:$0x3FB1] =	sst s9;
	s0 =	simm.s32 @!p0 $0x0  }
0x12: {  	s1 =	sld [smem:$0x3F97];
	s0 =	simm.s32 @p0 $0x1  }
0x13: {  	[smem:$0x3FB2] =	sst s0;
	s0 =	simm.s32 @!p1 $0x0  }
0x14: {  	s2 =	sld [smem:$0x3F96];
	s0 =	simm.s32 @p1 $0x1  }
0x15: {  	[smem:$0x3FB3] =	sst s0;
	s0 =	simm.s32 @!p2 $0x0  }
0x16: {  	s3 =	sld [smem:$0x3FDB];
	s0 =	simm.s32 @p2 $0x1  }
0x17: {  	s4 =	simm.s32 $0x1BF5;
	[smem:$0x3FB5] =	sst s0  }
0x18: {  	s0 =	sld [smem:$0x3F98];
	_ =	swait.ge [sflag:s4], $0x0  }
0x19: {  	s7 =	sld [smem:$0x3F99]  }
0x1a: {  	s8 =	sadd.s32 $0xFFFFE003, lr  }
0x1b: {  	s9 =	sadd.s32 $0xFFFFFEF7, lr;
	s5 =	simm.s32 $0xFFFFFFFF;
	p2 =	slt.u32 s8, $0xFFFFF086  }
0x1c: {  	p1 =	slt.u32 s9, $0xF7A;
	s5 =	simm.s32 @!p2 $0x0  }
0x1d: {  	s5 =	simm.s32 @p1 $0x1;
	p0 =	seq.s32 s7, s2  }
0x1e: {  	s7 =	smul.u32 @!p0 $0xF7A, s2;
	p2 =	seq.s32 @!p0 s5, $0x0  }
0x1f: {  	s9 =	smul.u32 $0xF7A, s1;
	s8 =	simm.s32 @!p0 $0x1BF5;
	p2 =	por !p2, p0  }
0x20: {  	[sflag:s8] =	ssyncset.s32 @!p0 $0xFFFFF086;
	s6 =	sadd.s32 @!p0 s3, s7;
	s7 =	simm.s32 @!p0 $0x108  }
0x21: {  	s3 =	sadd.s32 s3, s9;
	s6 =	sadd.s32 @!p0 $0x88, s6;
	s7 =	simm.s32 @p2 $0x1082  }
0x22: {  	[simem:s7], [sflag:s8] =	dma.local @!p0 [hbm:s6], $0xF7A  }
0x23: {  	s9 =	sor.u32 $0xD0000000, s2;
	s6 =	simm.s32 $0x108;
	_ =	swait.ge @!p0 [sflag:s8], $0x0  }
0x24: {  	s3 =	sadd.s32 $0x88, s3;
	s6 =	simm.s32 @!p1 $0x1082;
	[sflag:s4] =	ssyncset.s32 $0xFFFFF086  }
0x25: {  	[simem:s6], [sflag:s4] =	dma.local [hbm:s3], $0xF7A  }
0x26: {  	[smem:$0x3F99] =	sst s1;
	(tag) =	ssettag s2;
	_ =	strace s9  }
0x27: {  	s1 =	sld [smem:$0x3FA9]  }
0x28: {  	s2 =	sld [smem:$0x3FAA]  }
0x29: {  	s4 =	sld [smem:$0x3FAC]  }
0x2a: {  	p0 =	seq.s32 s5, $0x0;
	s5 =	sld [smem:$0x3FAD]  }
0x2b: {  	s6 =	sld [smem:$0x3FAE]  }
0x2c: {  	s7 =	sld [smem:$0x3FAF]  }
0x2d: {  	s3 =	simm.s32 $0x108;
	s8 =	sld [smem:$0x3FB0]  }
0x2e: {  	s3 =	simm.s32 @!p0 $0x1082;
	s9 =	sld [smem:$0x3FB1]  }
0x2f: {  	lr =	sadd.s32 s0, s3;
	s0 =	sld [smem:$0x3FA8]  }
0x30: {  	s3 =	sld [smem:$0x3FAB]  }
0x31: {  	[smem:$0x3FB4] =	sst s10  }
0x32: {  	s10 =	sld [smem:$0x3FB2];
	_ =	sdelay $0x3  }
0x33: {  	p0 =	seq.s32 s10, $0x1;
	s10 =	sld [smem:$0x3FB4];
	_ =	sdelay $0x3  }
0x34: {  	[smem:$0x3FB4] =	sst s10  }
0x35: {  	s10 =	sld [smem:$0x3FB3];
	_ =	sdelay $0x3  }
0x36: {  	p1 =	seq.s32 s10, $0x1;
	s10 =	sld [smem:$0x3FB4];
	_ =	sdelay $0x3  }
0x37: {  	[smem:$0x3FB4] =	sst s10  }
0x38: {  	s10 =	sld [smem:$0x3FB5]  }
0x39: {  	_ = 	snop;
	(pc) =	sbr.ind lr, $3  }
0x3a: {  	_ = 	snop  }
0x3b: {  	_ = 	snop  }
0x3c: {  	p2 =	seq.s32 s10, $0x1;
	s10 =	sld [smem:$0x3FB4]  }
0x3d: {  	_ =	shalt  }
0x3e: {  	_ =	shalt  }
0x3f: {  	_ =	shalt  }
0x40: {  	_ =	shalt  }
0x41: {  	_ =	shalt  }
0x42: {  	_ =	shalt  }
0x43: {  	_ =	shalt  }
0x44: {  	_ =	shalt  }
0x45: {  	_ =	shalt  }
0x46: {  	_ =	shalt  }
0x47: {  	_ =	shalt  }
0x48: {  	_ =	shalt  }
0x49: {  	_ =	shalt  }
0x4a: {  	_ =	shalt  }
0x4b: {  	_ =	shalt  }
0x4c: {  	_ =	shalt  }
0x4d: {  	_ =	shalt  }
0x4e: {  	_ =	shalt  }
0x4f: {  	_ =	shalt  }
0x50: {  	_ =	shalt  }
0x51: {  	_ =	shalt  }
0x52: {  	_ =	shalt  }
0x53: {  	_ =	shalt  }
0x54: {  	_ =	shalt  }
0x55: {  	_ =	shalt  }
0x56: {  	_ =	shalt  }
0x57: {  	_ =	shalt  }
0x58: {  	_ =	shalt  }
0x59: {  	_ =	shalt  }
0x5a: {  	_ =	shalt  }
0x5b: {  	_ =	shalt  }
0x5c: {  	_ =	shalt  }
0x5d: {  	_ =	shalt  }
0x5e: {  	_ =	shalt  }
0x5f: {  	_ =	shalt  }
0x60: {  	_ =	shalt  }
0x61: {  	_ =	shalt  }
0x62: {  	_ =	shalt  }
0x63: {  	_ =	shalt  }
0x64: {  	_ =	shalt  }
0x65: {  	_ =	shalt  }
0x66: {  	_ =	shalt  }
0x67: {  	_ =	shalt  }
0x68: {  	_ =	shalt  }
0x69: {  	_ =	shalt  }
0x6a: {  	_ =	shalt  }
0x6b: {  	_ =	shalt  }
0x6c: {  	_ =	shalt  }
0x6d: {  	_ =	shalt  }
0x6e: {  	_ =	shalt  }
0x6f: {  	_ =	shalt  }
0x70: {  	_ =	shalt  }
0x71: {  	_ =	shalt  }
0x72: {  	_ =	shalt  }
0x73: {  	_ =	shalt  }
0x74: {  	_ =	shalt  }
0x75: {  	_ =	shalt  }
0x76: {  	_ =	shalt  }
0x77: {  	_ =	shalt  }
0x78: {  	_ =	shalt  }
0x79: {  	_ =	shalt  }
0x7a: {  	_ =	shalt  }
0x7b: {  	_ =	shalt  }
0x7c: {  	_ =	shalt  }
0x7d: {  	_ =	shalt  }
0x7e: {  	_ =	shalt  }
0x7f: {  	_ =	shalt  }
0x80: {  	_ =	shalt  }
0x81: {  	_ =	shalt  }
0x82: {  	_ =	shalt  }
0x83: {  	_ =	shalt  }
0x84: {  	_ =	shalt  }
0x85: {  	_ =	shalt  }
0x86: {  	_ =	shalt  }
0x87: {  	_ =	shalt  }
.Lfunc_end0:
.L_simem_size_0:
called_computation.1_lowered:
.L_overlay_start_0:
0x88: {  	s2 =	sld [smem:$0x3FD9]  }
0x89: {  	s3 =	sld [smem:$0x3FFE];
	_ =	sdelay $0x1  }
0x8a: {  	s1 =	srdreg.scid  }
0x8b: {  	s0 =	sand.u32 $0x1, s1  }
0x8c: {  	s16 =	sshll.u32 s0, $0xA;
	s2 =	sadd.s32 s3, s2  }
0x8d: {  	s2 =	sadd.s32 s2, s16  }
0x8e: {  	[smem:$0x3FC0] =	sst s2  }
0x8f: {  	_ = 	snop  }
0x90: {  	(tm) =	ssettm $0x1  }
0x91: {  	s17 =	sld [smem:$0x3FFB];
	_ =	sdelay $0x3  }
0x92: {  	_ =	strace s17  }
0x93: {  	s2 =	sld [smem:$0x3FFC];
	_ =	sdelay $0x3  }
0x94: {  	_ =	strace s2  }
0x95: {  	s2 =	sld [smem:$0x3FFD];
	_ =	sdelay $0x3  }
0x96: {  	_ =	strace s2  }
0x97: {  	_ =	strace $0x8FFFFFFF  }
0x98: {  	s18 =	sld [smem:$0x3FDB];
	_ =	sdelay $0x1  }
0x99: {  	s19 =	simm.s32 $_scs_section_size  }
0x9a: {  	s4 =	simm.s32 $_size__tile_overlayer_lowered;
	s5 =	simm.s32 $_tile_overlayer_lowered  }
0x9b: {  	s22 =	simm.s32 $0x1BFF;
	s21 =	sshll.u32 s5, $0x1;
	s2 =	sadd.s32 s19, s18  }
0x9c: {  	s6 =	simm.s32 $0x0;
	s20 =	sshll.u32 s4, $0x1;
	s4 =	sadd.s32 s21, s2  }
0x9d: {  	[timem:s6], [sflag:s22] =	dma.local [hbm:s4], s20  }
0x9e: {  	_ =	swait.ge [sflag:s22], s20  }
0x9f: {  	s3 =	ssub.s32 $0x0, s20;
	[sflag:s22] =	ssyncset.done $0x0  }
0xa0: {  	[sflag:s22] =	ssyncadd.s32 s3;
	_ =	sdelay $0x1  }
0xa1: {  	s23 =	simm.s32 $0x1B8B  }
0xa2: {  	_ =	swait.ge [sflag:s23], $0x1  }
0xa3: {  	[sflag:s23] =	ssyncset.done $0x0  }
0xa4: {  	s25 =	simm.s32 $0x1B8E;
	s24 =	sld [smem:$0x3FFE];
	[sflag:s23] =	ssyncadd.s32 $0xFFFFFFFF  }
0xa5: {  	s26 =	simm.s32 $execute0_lowered;
	[smem:$0x3FD2] =	sst s25  }
0xa6: {  	s4 =	sshll.u32 s26, $0x1;
	_ =	strace $0x80000049;
	[dreg:$0x1] =	wrdreg $0xFFFFFFFF  }
0xa7: {  	s28 =	simm.s32 $_size_execute0_lowered;
	s2 =	sadd.s32 s2, s4;
	[dreg:$0x0] =	wrdreg $0x0  }
0xa8: {  	s4 =	sshll.u32 s28, $0x1;
	[dreg:$0x2] =	wrdreg s2  }
0xa9: {  	[dreg:$0x3] =	wrdreg s4  }
0xaa: {  	[dreg:$0x4] =	wrdreg $0xC0  }
0xab: {  	_ =	task [dreg:s6], $0x5FFFF  }
0xac: {  	[dreg:$0x1] =	wrdreg $0xFFFFFFFF  }
0xad: {  	[dreg:$0x0] =	wrdreg $0x60  }
0xae: {  	[dreg:$0x2] =	wrdreg s24  }
0xaf: {  	[dreg:$0x3] =	wrdreg $0xA8000  }
0xb0: {  	[dreg:$0x4] =	wrdreg $0x9  }
0xb1: {  	_ =	task.clear_ibuf [dreg:s6], $0x5FFFF;
	_ =	strace $0x90000049  }
0xb2: {  	s29 =	simm.s32 $0x9;
	_ =	strace $0x8000004B  }
0xb3: {  	_ =	swait.ge [sflag:s29], $0x1  }
0xb4: {  	[sflag:s29] =	ssyncadd.s32 $0xFFFFFFFF  }
0xb5: {  	_ =	strace $0x9000004B  }
0xb6: {  	_ =	sfence  }
0xb7: {  	s30 =	sld [smem:$0x0];
	_ =	sdelay $0x2  }
0xb8: {  	s31 =	sshll.u32 s1, $0xD;
	s1 =	sshrl.u32 s1, $0x2  }
0xb9: {  	s3 =	sand.u32 $0x4000, s31;
	s1 =	sadd.s32 s1, s30  }
0xba: {  	s0 =	sor.u32 s3, s0;
	s1 =	sshll.u32 s1, $0x11  }
0xbb: {  	s0 =	sor.u32 s1, s0  }
0xbc: {  	s0 =	sadd.s32 $0x8F2B, s0  }
0xbd: {  	[sflag:s0] =	ssyncadd.remote.s32 $0x1  }
0xbe: {  	_ =	sfence.sel $0xFFFF  }
0xbf: {  	[dreg:$0x0] =	wrdreg $0xFFFFFFFF;
	(pc) =	sbr.abs _section_cstart, $3  }
0xc0: {  	[dreg:$0x1] =	wrdreg $0xFFFFFFFF  }
0xc1: {  	_ =	task.clear_ibuf [dreg:s6], $0x2FFFF;
	_ =	strace $0x9FFFFFFF  }
0xc2: {  	(tm) =	ssettm $0x7FFFFFFF  }
0xc3: {  	_ =	shalt  }
tec
execute0_lowered:
.L_overlay_start_1:
0x0: {  	(tag) =	ssettag $0x1  }
0x1: {  	s0 =	rddreg [dreg:$0x0]  }
0x2: {  	s1 =	rddreg [dreg:$0x1]  }
0x3: {  	s2 =	srdreg.scid;
	s3 =	simm.s32 $0x0;
	s17 =	simm.s32 $0x9  }
0x4: {  	s19 =	simm.s32 $0x40;
	s20 =	simm.s32 $0x2800;
	s28 =	simm.s32 $0x1  }
0x5: {  	s29 =	simm.s32 $0x2;
	s30 =	simm.s32 $0x3;
	s31 =	simm.s32 $0x4  }
0x6: {  	s18 =	simm.s32 $0x27C0;
	s5 =	sand.u32 $0x1, s2;
	[smem:$0x7FF] =	sst s3  }
0x7: {  	s2 =	stileid.u32;
	s4 =	sadd.s32 $0x3C600, s0;
	s14 =	sadd.s32 $0x15400, s0  }
0x8: {  	s10 =	sadd.s32 $0x1400, s0;
	s11 =	sadd.s32 $0xB400, s0;
	s0 =	sadd.s32 $0x63800, s0  }
0x9: {  	s6 =	sshll.u32 s5, $0x4;
	_ =	strace $0x8000004A;
	s9 =	smul.u32 $0x4F000, s2  }
0xa: {  	s7 =	ssub.s32 $0x2, s5;
	p2 =	seq.s32 s5, $0x0;
	s12 =	smul.u32 $0x2780, s2  }
0xb: {  	p4 =	sne.s32 s2, $0xF;
	p3 =	seq.s32 s5, $0x1;
	s5 =	smul.u32 $0x138800, s5  }
0xc: {  	p0 =	seq.s32 s2, $0xF;
	s13 =	smul.u32 $0x13C00, s2;
	[dreg:$0x3] =	wrdreg s14  }
0xd: {  	s6 =	sor.u32 s2, s6;
	s8 =	sshrl.u32 s7, $0x1;
	p1 =	por !p2, !p4  }
0xe: {  	p2 =	por !p2, !p0;
	p4 =	por !p4, !p3;
	s6 =	smul.u32 $0x2800, s6  }
0xf: {  	s7 =	ssub.s32 s7, s8;
	p1 =	por !p1, !p1;
	p2 =	por !p2, !p2  }
0x10: {  	s8 =	sadd.s32 $0x128400, s1;
	s9 =	sshrl.u32 s9, $0x2;
	s15 =	sadd.s32 s4, s12  }
0x11: {  	p4 =	por !p4, !p4;
	s12 =	sadd.s32 s14, s12;
	s23 =	sadd.s32 s13, s5  }
0x12: {  	s5 =	sshrl.u32 s5, $0x3;
	s13 =	simm.s32 $0x0;
	[dreg:$0x6] =	wrdreg s15  }
0x13: {  	s9 =	sadd.s32 s9, s1;
	[dreg:$0x7] =	wrdreg s12;
	s24 =	sshrl.u32 s23, $0x3  }
0x14: {  	s5 =	sadd.s32 s0, s5;
	s26 =	smax.u32 s7, $0x1;
	s23 =	simm.s32 $0x80  }
0x15: {  	s7 =	simm.s32 $0x2740;
	s12 =	simm.s32 $0x2780;
	s6 =	sshrl.u32 s6, $0x3  }
0x16: {  	s0 =	sadd.s32 s0, s24;
	s25 =	sadd.s32 $0x25080, s5;
	[dreg:$0xc] =	wrdreg s26  }
0x17: {  	s24 =	simm.s32 $0x6800;
	s26 =	simm.s32 $0x8800;
	[dreg:$0xa] =	wrdreg s0  }
0x18: {  	s5 =	simm.s32 $0x7;
	s21 =	sadd.s32 s10, s6;
	[dreg:$0xb] =	wrdreg s25  }
0x19: {  	s22 =	sadd.s32 s11, s6;
	s6 =	sadd.s32 $0x280, s6;
	[dreg:$0x4] =	wrdreg s21  }
0x1a: {  	s25 =	simm.s32 $0xC0;
	s0 =	simm.s32 $0x5;
	[dreg:$0x5] =	wrdreg s22  }
0x1b: {  	s10 =	sadd.s32 s10, s6;
	s6 =	sadd.s32 s11, s6;
	s21 =	simm.s32 $0x3D  }
0x1c: {  	s22 =	simm.s32 $0x4800;
	s11 =	simm.s32 $0x8;
	[dreg:$0x8] =	wrdreg s10  }
0x1d: {  	[dreg:$0x9] =	wrdreg s6;
	s10 =	simm.s32 $0x6;
	s6 =	simm.s32 $0x2700  }
.LBB2_1:
0x1e: {  	s14 =	rddreg [dreg:$0x4]  }
0x1f: {  	[tilespmem:s3], [sflag:$0x9] =	stream.linear.gather [hbm4b:s14+s3], $0x1400, $0x38;
	[tilespmem:$0x1E080] =	vst v63  }
0x20: {  	_ =	swait.ge [sflag:s17], $0x1400  }
0x21: {  	[sflag:s17] =	ssyncset.done $0x0  }
0x22: {  	s15 =	simm.s32 $0x1400;
	s16 =	rddreg [dreg:$0x5];
	[sflag:s17] =	ssyncadd.s32 $0xFFFFEC00  }
0x23: {  	[tilespmem:s15], [sflag:$0x9] =	stream.linear.gather [hbm4b:s16+s3], $0x1400, $0x38;
	[tilespmem:$0x1E080] =	vst v63  }
0x24: {  	_ =	swait.ge [sflag:s17], $0x1400  }
0x25: {  	[sflag:s17] =	ssyncset.done $0x0  }
0x26: {  	[sflag:s17] =	ssyncadd.s32 $0xFFFFEC00  }
0x27: {  	[tilespmem:s20], [sflag:$0x1] =	stream.indirect.gather [hbm4b:s4+s19], $0x80, s3, s19, $0xb8;
	[tilespmem:$0x1E080] =	vst v63  }
0x28: {  	_ = 	snop  }
0x29: {  	[tilespmem:s22], [sflag:$0x2] =	stream.indirect.gather [hbm4b:s4+s21], $0x80, s19, s21, $0xb8;
	[tilespmem:$0x1E080] =	vst v63  }
.Ltmp0:
0x2a: {  	_ = 	snop;
	(pc) =	sbr.rel @!p1 .LBB2_4-.Ltmp0, $4  }
0x2b: {  	_ = 	snop  }
0x2c: {  	[tilespmem:s24], [sflag:$0x3] =	stream.indirect.gather [hbm4b:s4+s19], $0x80, s23, s19, $0xb8;
	[tilespmem:$0x1E080] =	vst v63  }
0x2d: {  	_ = 	snop  }
0x2e: {  	[tilespmem:s26], [sflag:$0x4] =	stream.indirect.gather [hbm4b:s4+s21], $0x80, s25, s21, $0xb8;
	[tilespmem:$0x1E080] =	vst v63  }
0x2f: {  	s14 =	sshll.u32 s2, $0x6;
	s15 =	sshrl.u32 s9, $0x3  }
.Ltmp1:
0x30: {  	s16 =	rddreg [dreg:$0x6];
	s14 =	sor.u32 $0x1C09, s14;
	(pc) =	sbr.rel .LBB2_3-.Ltmp1, $4  }
0x31: {  	[spmem:s15], [sflag:s14] =	dma.local [hbm:s16], $0x2780  }
0x32: {  	_ =	swait.ge [sflag:s17], $0x2780  }
0x33: {  	[sflag:s17] =	ssyncset.done $0x0  }
0x34: {  	p5 =	por $0x0, $0x0;
	[sflag:s17] =	ssyncadd.s32 $0xFFFFD880  }
.LBB2_4:
.Ltmp2:
0x35: {  	(pc) =	sbr.rel @!p2 .LBB2_3-.Ltmp2, $2  }
0x36: {  	_ =	sdelay $0x2  }
0x37: {  	p5 =	por p0, p0  }
.Ltmp3:
0x38: {  	(pc) =	sbr.rel .LBB2_6-.Ltmp3, $2  }
0x39: {  	_ =	sdelay $0x2  }
0x3a: {  	p5 =	por $0x1, $0x1;
	s15 =	simm.s32 $0xF;
	s14 =	smov.u32 s4  }
.LBB2_3:
0x3b: {  	s14 =	sshll.u32 @p4 s2, $0x6;
	s15 =	sshrl.u32 @p4 s9, $0x3;
	p6 =	por @p4 $0x1, $0x1  }
0x3c: {  	s16 =	rddreg [dreg:$0x7];
	s14 =	sor.u32 @p4 $0x1C09, s14;
	p6 =	por @!p4 p3, p3  }
0x3d: {  	[spmem:s15], [sflag:s14] =	dma.local @p4 [hbm:s16], $0x2780  }
0x3e: {  	p6 =	por !p6, !p5  }
0x3f: {  	p6 =	por !p6, !p6  }
.Ltmp4:
0x40: {  	_ = 	snop;
	(pc) =	sbr.rel @!p6 .LBB2_7-.Ltmp4, $4  }
0x41: {  	s14 =	simm.s32 @p4 $0x9  }
0x42: {  	_ =	swait.ge @p4 [sflag:s14], $0x2780  }
0x43: {  	[sflag:s14] =	ssyncset.done @p4 $0x0  }
0x44: {  	s15 =	stileid.u32;
	[sflag:s14] =	ssyncadd.s32 @p4 $0xFFFFD880;
	s14 =	rddreg [dreg:$0x3]  }
.LBB2_6:
0x45: {  	s15 =	sshll.u32 s15, $0x6  }
0x46: {  	s14 =	sadd.s32 $0x25080, s14;
	s16 =	sshrl.u32 s8, $0x3;
	s15 =	sor.u32 $0x1C09, s15  }
0x47: {  	[spmem:s16], [sflag:s15] =	dma.local [hbm:s14], $0x2080  }
0x48: {  	_ =	swait.ge [sflag:s17], $0x2080  }
0x49: {  	[sflag:s17] =	ssyncset.done $0x0  }
0x4a: {  	[sflag:s17] =	ssyncadd.s32 $0xFFFFDF80  }
.LBB2_7:
0x4b: {  	[bflag:$0x0] =	sbarrier.arrive $0xFFFF  }
0x4c: {  	_ =	swait.ge [sflag:s28], $0x2000  }
0x4d: {  	[sflag:s28] =	ssyncset.done $0x0  }
0x4e: {  	[sflag:s28] =	ssyncadd.s32 $0xFFFFE000  }
0x4f: {  	_ =	swait.ge [sflag:s29], $0x1E80  }
0x50: {  	[sflag:s29] =	ssyncset.done $0x0  }
0x51: {  	s14 =	simm.s32 $0x1400;
	[sflag:s29] =	ssyncadd.s32 $0xFFFFE180  }
0x52: {  	[spmem:s1] =	stream.indirect.scatter.add.f32 [tilespmem:s20], [sflag:$0x5], $0x80, s14, s19, $0xb8;
	[tilespmem:$0x1E080] =	vst v63  }
0x53: {  	s15 =	simm.s32 $0x1440  }
0x54: {  	[spmem:s1] =	stream.indirect.scatter.add.f32 [tilespmem:s22], [sflag:$0x6], $0x80, s15, s21, $0xb8;
	[tilespmem:$0x1E080] =	vst v63  }
0x55: {  	_ =	swait.ge [sflag:s30], $0x2000  }
0x56: {  	[sflag:s30] =	ssyncset.done $0x0  }
0x57: {  	[sflag:s30] =	ssyncadd.s32 $0xFFFFE000  }
0x58: {  	_ =	swait.ge [sflag:s31], $0x1E80  }
0x59: {  	[sflag:s31] =	ssyncset.done $0x0  }
0x5a: {  	s16 =	simm.s32 $0x1480;
	[sflag:s31] =	ssyncadd.s32 $0xFFFFE180  }
0x5b: {  	[spmem:s1] =	stream.indirect.scatter.add.f32 [tilespmem:s24], [sflag:$0x7], $0x80, s16, s19, $0xb8;
	[tilespmem:$0x1E080] =	vst v63  }
0x5c: {  	s15 =	simm.s32 $0x14C0  }
0x5d: {  	[spmem:s1] =	stream.indirect.scatter.add.f32 [tilespmem:s26], [sflag:$0x8], $0x80, s15, s21, $0xb8;
	[tilespmem:$0x1E080] =	vst v63  }
0x5e: {  	_ =	swait.ge [sflag:s0], $0x2000  }
0x5f: {  	[sflag:s0] =	ssyncset.done $0x0  }
0x60: {  	[sflag:s0] =	ssyncadd.s32 $0xFFFFE000  }
0x61: {  	_ =	swait.ge [sflag:s10], $0x1E80  }
0x62: {  	[sflag:s10] =	ssyncset.done $0x0  }
0x63: {  	s16 =	simm.s32 $0x100;
	[sflag:s10] =	ssyncadd.s32 $0xFFFFE180  }
0x64: {  	[tilespmem:s20], [sflag:$0x1] =	stream.indirect.gather [hbm4b:s4+s19], $0x80, s16, s19, $0xb8;
	[tilespmem:$0x1E080] =	vst v63  }
0x65: {  	s15 =	simm.s32 $0x140  }
0x66: {  	[tilespmem:s22], [sflag:$0x2] =	stream.indirect.gather [hbm4b:s4+s21], $0x80, s15, s21, $0xb8;
	[tilespmem:$0x1E080] =	vst v63  }
0x67: {  	_ =	swait.ge [sflag:s5], $0x2000  }
0x68: {  	[sflag:s5] =	ssyncset.done $0x0  }
0x69: {  	[sflag:s5] =	ssyncadd.s32 $0xFFFFE000  }
0x6a: {  	_ =	swait.ge [sflag:s11], $0x1E80  }
0x6b: {  	s14 =	simm.s32 $0x400;
	[sflag:s11] =	ssyncset.done $0x0  }
0x6c: {  	s16 =	simm.s32 $0x180;
	s15 =	simm.s32 $0x1C0;
	[sflag:s11] =	ssyncadd.s32 $0xFFFFE180  }
0x6d: {  	[tilespmem:s24], [sflag:$0x3] =	stream.indirect.gather [hbm4b:s4+s19], $0x80, s16, s19, $0xb8;
	[tilespmem:$0x1E080] =	vst v63  }
.LBB2_8:
0x6e: {  	[tilespmem:s26], [sflag:$0x4] =	stream.indirect.gather [hbm4b:s4+s21], $0x80, s15, s21, $0xb8;
	[tilespmem:$0x1E080] =	vst v63  }
0x6f: {  	s15 =	smov.u32 s14  }
0x70: {  	p6 =	sne.s32 s14, $0x4800;
	s14 =	sadd.s32 $0x400, s14;
	_ =	swait.ge [sflag:s28], $0x2000  }
0x71: {  	[sflag:s28] =	ssyncset.done $0x0  }
0x72: {  	[sflag:s28] =	ssyncadd.s32 $0xFFFFE000  }
0x73: {  	_ =	swait.ge [sflag:s29], $0x1E80  }
0x74: {  	s15 =	sshra.s32 s15, $0x2;
	[sflag:s29] =	ssyncset.done $0x0  }
0x75: {  	s16 =	sadd.s32 $0x1400, s15;
	[sflag:s29] =	ssyncadd.s32 $0xFFFFE180  }
0x76: {  	[spmem:s1] =	stream.indirect.scatter.add.f32 [tilespmem:s20], [sflag:$0x5], $0x80, s16, s19, $0xb8;
	[tilespmem:$0x1E080] =	vst v63  }
0x77: {  	s16 =	sadd.s32 $0x1440, s15  }
0x78: {  	[spmem:s1] =	stream.indirect.scatter.add.f32 [tilespmem:s22], [sflag:$0x6], $0x80, s16, s21, $0xb8;
	[tilespmem:$0x1E080] =	vst v63  }
0x79: {  	_ =	swait.ge [sflag:s30], $0x2000  }
0x7a: {  	[sflag:s30] =	ssyncset.done $0x0  }
0x7b: {  	[sflag:s30] =	ssyncadd.s32 $0xFFFFE000  }
0x7c: {  	_ =	swait.ge [sflag:s31], $0x1E80  }
0x7d: {  	[sflag:s31] =	ssyncset.done $0x0  }
0x7e: {  	s16 =	sadd.s32 $0x1480, s15;
	[sflag:s31] =	ssyncadd.s32 $0xFFFFE180  }
0x7f: {  	[spmem:s1] =	stream.indirect.scatter.add.f32 [tilespmem:s24], [sflag:$0x7], $0x80, s16, s19, $0xb8;
	[tilespmem:$0x1E080] =	vst v63  }
0x80: {  	s16 =	sadd.s32 $0x14C0, s15  }
0x81: {  	[spmem:s1] =	stream.indirect.scatter.add.f32 [tilespmem:s26], [sflag:$0x8], $0x80, s16, s21, $0xb8;
	[tilespmem:$0x1E080] =	vst v63  }
0x82: {  	_ =	swait.ge [sflag:s0], $0x2000  }
0x83: {  	[sflag:s0] =	ssyncset.done $0x0  }
0x84: {  	[sflag:s0] =	ssyncadd.s32 $0xFFFFE000  }
0x85: {  	_ =	swait.ge [sflag:s10], $0x1E80  }
0x86: {  	[sflag:s10] =	ssyncset.done $0x0  }
0x87: {  	s16 =	sadd.s32 $0x100, s15;
	[sflag:s10] =	ssyncadd.s32 $0xFFFFE180  }
0x88: {  	[tilespmem:s20], [sflag:$0x1] =	stream.indirect.gather [hbm4b:s4+s19], $0x80, s16, s19, $0xb8;
	[tilespmem:$0x1E080] =	vst v63  }
0x89: {  	s16 =	sadd.s32 $0x140, s15  }
0x8a: {  	[tilespmem:s22], [sflag:$0x2] =	stream.indirect.gather [hbm4b:s4+s21], $0x80, s16, s21, $0xb8;
	[tilespmem:$0x1E080] =	vst v63  }
0x8b: {  	_ =	swait.ge [sflag:s5], $0x2000  }
0x8c: {  	[sflag:s5] =	ssyncset.done $0x0  }
0x8d: {  	[sflag:s5] =	ssyncadd.s32 $0xFFFFE000  }
.Ltmp5:
0x8e: {  	_ =	swait.ge [sflag:s11], $0x1E80;
	(pc) =	sbr.rel @p6 .LBB2_8-.Ltmp5, $4  }
0x8f: {  	[sflag:s11] =	ssyncset.done $0x0  }
0x90: {  	s16 =	sadd.s32 $0x180, s15;
	[sflag:s11] =	ssyncadd.s32 $0xFFFFE180  }
0x91: {  	[tilespmem:s24], [sflag:$0x3] =	stream.indirect.gather [hbm4b:s4+s19], $0x80, s16, s19, $0xb8;
	[tilespmem:$0x1E080] =	vst v63  }
0x92: {  	s15 =	sadd.s32 $0x1C0, s15  }
0x93: {  	[tilespmem:s26], [sflag:$0x4] =	stream.indirect.gather [hbm4b:s4+s21], $0x80, s15, s21, $0xb8;
	[tilespmem:$0x1E080] =	vst v63  }
0x94: {  	_ =	swait.ge [sflag:s28], $0x2000  }
0x95: {  	[sflag:s28] =	ssyncset.done $0x0  }
0x96: {  	[sflag:s28] =	ssyncadd.s32 $0xFFFFE000  }
0x97: {  	_ =	swait.ge [sflag:s29], $0x1E80  }
0x98: {  	[sflag:s29] =	ssyncset.done $0x0  }
0x99: {  	[sflag:s29] =	ssyncadd.s32 $0xFFFFE180  }
0x9a: {  	[spmem:s1] =	stream.indirect.scatter.add.f32 [tilespmem:s20], [sflag:$0x5], $0x80, s6, s19, $0xb8;
	[tilespmem:$0x1E080] =	vst v63  }
0x9b: {  	_ = 	snop  }
0x9c: {  	[spmem:s1] =	stream.indirect.scatter.add.f32 [tilespmem:s22], [sflag:$0x6], $0x80, s7, s21, $0xb8;
	[tilespmem:$0x1E080] =	vst v63  }
0x9d: {  	_ =	swait.ge [sflag:s30], $0x2000  }
0x9e: {  	[sflag:s30] =	ssyncset.done $0x0  }
0x9f: {  	[sflag:s30] =	ssyncadd.s32 $0xFFFFE000  }
0xa0: {  	_ =	swait.ge [sflag:s31], $0x1E80  }
0xa1: {  	[sflag:s31] =	ssyncset.done $0x0  }
0xa2: {  	[sflag:s31] =	ssyncadd.s32 $0xFFFFE180  }
0xa3: {  	[spmem:s1] =	stream.indirect.scatter.add.f32 [tilespmem:s24], [sflag:$0x7], $0x80, s12, s19, $0xb8;
	[tilespmem:$0x1E080] =	vst v63  }
0xa4: {  	_ = 	snop  }
0xa5: {  	[spmem:s1] =	stream.indirect.scatter.add.f32 [tilespmem:s26], [sflag:$0x8], $0x80, s18, s21, $0xb8;
	[tilespmem:$0x1E080] =	vst v63  }
0xa6: {  	_ =	swait.ge [sflag:s0], $0x2000  }
0xa7: {  	[sflag:s0] =	ssyncset.done $0x0  }
0xa8: {  	[sflag:s0] =	ssyncadd.s32 $0xFFFFE000  }
0xa9: {  	_ =	swait.ge [sflag:s10], $0x1E80  }
0xaa: {  	[sflag:s10] =	ssyncset.done $0x0  }
0xab: {  	[sflag:s10] =	ssyncadd.s32 $0xFFFFE180  }
0xac: {  	_ =	swait.ge [sflag:s5], $0x2000  }
0xad: {  	[sflag:s5] =	ssyncset.done $0x0  }
0xae: {  	[sflag:s5] =	ssyncadd.s32 $0xFFFFE000  }
0xaf: {  	_ =	swait.ge [sflag:s11], $0x1E80  }
0xb0: {  	[sflag:s11] =	ssyncset.done $0x0  }
0xb1: {  	s14 =	simm.s32 $0x0;
	s16 =	rddreg [dreg:$0x8];
	[sflag:s11] =	ssyncadd.s32 $0xFFFFE180  }
0xb2: {  	[tilespmem:s14], [sflag:$0x9] =	stream.linear.gather [hbm4b:s16+s14], $0x1400, $0x38;
	[tilespmem:$0x1E080] =	vst v63  }
0xb3: {  	_ =	swait.ge [sflag:s17], $0x1400  }
0xb4: {  	[sflag:s17] =	ssyncset.done $0x0  }
0xb5: {  	s16 =	simm.s32 $0x1400;
	s15 =	rddreg [dreg:$0x9];
	[sflag:s17] =	ssyncadd.s32 $0xFFFFEC00  }
0xb6: {  	[tilespmem:s16], [sflag:$0x9] =	stream.linear.gather [hbm4b:s15+s14], $0x1400, $0x38;
	[tilespmem:$0x1E080] =	vst v63  }
0xb7: {  	_ =	swait.ge [sflag:s17], $0x1400  }
0xb8: {  	[sflag:s17] =	ssyncset.done $0x0  }
0xb9: {  	[sflag:s17] =	ssyncadd.s32 $0xFFFFEC00  }
0xba: {  	[tilespmem:s20], [sflag:$0x1] =	stream.indirect.gather [hbm4b:s4+s19], $0x80, s14, s19, $0xb8;
	[tilespmem:$0x1E080] =	vst v63  }
0xbb: {  	_ = 	snop  }
0xbc: {  	[tilespmem:s22], [sflag:$0x2] =	stream.indirect.gather [hbm4b:s4+s21], $0x80, s19, s21, $0xb8;
	[tilespmem:$0x1E080] =	vst v63  }
0xbd: {  	_ = 	snop  }
0xbe: {  	[tilespmem:s24], [sflag:$0x3] =	stream.indirect.gather [hbm4b:s4+s19], $0x80, s23, s19, $0xb8;
	[tilespmem:$0x1E080] =	vst v63  }
0xbf: {  	_ = 	snop  }
0xc0: {  	[tilespmem:s26], [sflag:$0x4] =	stream.indirect.gather [hbm4b:s4+s21], $0x80, s25, s21, $0xb8;
	[tilespmem:$0x1E080] =	vst v63  }
0xc1: {  	_ =	swait.ge [sflag:s28], $0x2000  }
0xc2: {  	[sflag:s28] =	ssyncset.done $0x0  }
0xc3: {  	[sflag:s28] =	ssyncadd.s32 $0xFFFFE000  }
0xc4: {  	_ =	swait.ge [sflag:s29], $0x1E80  }
0xc5: {  	[sflag:s29] =	ssyncset.done $0x0  }
0xc6: {  	s16 =	simm.s32 $0x1400;
	[sflag:s29] =	ssyncadd.s32 $0xFFFFE180  }
0xc7: {  	[spmem:s1] =	stream.indirect.scatter.add.f32 [tilespmem:s20], [sflag:$0x5], $0x80, s16, s19, $0xb8;
	[tilespmem:$0x1E080] =	vst v63  }
0xc8: {  	s15 =	simm.s32 $0x1440  }
0xc9: {  	[spmem:s1] =	stream.indirect.scatter.add.f32 [tilespmem:s22], [sflag:$0x6], $0x80, s15, s21, $0xb8;
	[tilespmem:$0x1E080] =	vst v63  }
0xca: {  	_ =	swait.ge [sflag:s30], $0x2000  }
0xcb: {  	[sflag:s30] =	ssyncset.done $0x0  }
0xcc: {  	[sflag:s30] =	ssyncadd.s32 $0xFFFFE000  }
0xcd: {  	_ =	swait.ge [sflag:s31], $0x1E80  }
0xce: {  	[sflag:s31] =	ssyncset.done $0x0  }
0xcf: {  	s16 =	simm.s32 $0x1480;
	[sflag:s31] =	ssyncadd.s32 $0xFFFFE180  }
0xd0: {  	[spmem:s1] =	stream.indirect.scatter.add.f32 [tilespmem:s24], [sflag:$0x7], $0x80, s16, s19, $0xb8;
	[tilespmem:$0x1E080] =	vst v63  }
0xd1: {  	s15 =	simm.s32 $0x14C0  }
0xd2: {  	[spmem:s1] =	stream.indirect.scatter.add.f32 [tilespmem:s26], [sflag:$0x8], $0x80, s15, s21, $0xb8;
	[tilespmem:$0x1E080] =	vst v63  }
0xd3: {  	_ =	swait.ge [sflag:s0], $0x2000  }
0xd4: {  	[sflag:s0] =	ssyncset.done $0x0  }
0xd5: {  	[sflag:s0] =	ssyncadd.s32 $0xFFFFE000  }
0xd6: {  	_ =	swait.ge [sflag:s10], $0x1E80  }
0xd7: {  	[sflag:s10] =	ssyncset.done $0x0  }
0xd8: {  	s16 =	simm.s32 $0x100;
	[sflag:s10] =	ssyncadd.s32 $0xFFFFE180  }
0xd9: {  	[tilespmem:s20], [sflag:$0x1] =	stream.indirect.gather [hbm4b:s4+s19], $0x80, s16, s19, $0xb8;
	[tilespmem:$0x1E080] =	vst v63  }
0xda: {  	s15 =	simm.s32 $0x140  }
0xdb: {  	[tilespmem:s22], [sflag:$0x2] =	stream.indirect.gather [hbm4b:s4+s21], $0x80, s15, s21, $0xb8;
	[tilespmem:$0x1E080] =	vst v63  }
0xdc: {  	_ =	swait.ge [sflag:s5], $0x2000  }
0xdd: {  	[sflag:s5] =	ssyncset.done $0x0  }
0xde: {  	[sflag:s5] =	ssyncadd.s32 $0xFFFFE000  }
0xdf: {  	_ =	swait.ge [sflag:s11], $0x1E80  }
0xe0: {  	s14 =	simm.s32 $0x400;
	[sflag:s11] =	ssyncset.done $0x0  }
0xe1: {  	s16 =	simm.s32 $0x180;
	s15 =	simm.s32 $0x1C0;
	[sflag:s11] =	ssyncadd.s32 $0xFFFFE180  }
0xe2: {  	[tilespmem:s24], [sflag:$0x3] =	stream.indirect.gather [hbm4b:s4+s19], $0x80, s16, s19, $0xb8;
	[tilespmem:$0x1E080] =	vst v63  }
.LBB2_10:
0xe3: {  	[tilespmem:s26], [sflag:$0x4] =	stream.indirect.gather [hbm4b:s4+s21], $0x80, s15, s21, $0xb8;
	[tilespmem:$0x1E080] =	vst v63  }
0xe4: {  	s15 =	smov.u32 s14  }
0xe5: {  	p6 =	sne.s32 s14, $0x4800;
	s14 =	sadd.s32 $0x400, s14;
	_ =	swait.ge [sflag:s28], $0x2000  }
0xe6: {  	[sflag:s28] =	ssyncset.done $0x0  }
0xe7: {  	[sflag:s28] =	ssyncadd.s32 $0xFFFFE000  }
0xe8: {  	_ =	swait.ge [sflag:s29], $0x1E80  }
0xe9: {  	s15 =	sshra.s32 s15, $0x2;
	[sflag:s29] =	ssyncset.done $0x0  }
0xea: {  	s16 =	sadd.s32 $0x1400, s15;
	[sflag:s29] =	ssyncadd.s32 $0xFFFFE180  }
0xeb: {  	[spmem:s1] =	stream.indirect.scatter.add.f32 [tilespmem:s20], [sflag:$0x5], $0x80, s16, s19, $0xb8;
	[tilespmem:$0x1E080] =	vst v63  }
0xec: {  	s16 =	sadd.s32 $0x1440, s15  }
0xed: {  	[spmem:s1] =	stream.indirect.scatter.add.f32 [tilespmem:s22], [sflag:$0x6], $0x80, s16, s21, $0xb8;
	[tilespmem:$0x1E080] =	vst v63  }
0xee: {  	_ =	swait.ge [sflag:s30], $0x2000  }
0xef: {  	[sflag:s30] =	ssyncset.done $0x0  }
0xf0: {  	[sflag:s30] =	ssyncadd.s32 $0xFFFFE000  }
0xf1: {  	_ =	swait.ge [sflag:s31], $0x1E80  }
0xf2: {  	[sflag:s31] =	ssyncset.done $0x0  }
0xf3: {  	s16 =	sadd.s32 $0x1480, s15;
	[sflag:s31] =	ssyncadd.s32 $0xFFFFE180  }
0xf4: {  	[spmem:s1] =	stream.indirect.scatter.add.f32 [tilespmem:s24], [sflag:$0x7], $0x80, s16, s19, $0xb8;
	[tilespmem:$0x1E080] =	vst v63  }
0xf5: {  	s16 =	sadd.s32 $0x14C0, s15  }
0xf6: {  	[spmem:s1] =	stream.indirect.scatter.add.f32 [tilespmem:s26], [sflag:$0x8], $0x80, s16, s21, $0xb8;
	[tilespmem:$0x1E080] =	vst v63  }
0xf7: {  	_ =	swait.ge [sflag:s0], $0x2000  }
0xf8: {  	[sflag:s0] =	ssyncset.done $0x0  }
0xf9: {  	[sflag:s0] =	ssyncadd.s32 $0xFFFFE000  }
0xfa: {  	_ =	swait.ge [sflag:s10], $0x1E80  }
0xfb: {  	[sflag:s10] =	ssyncset.done $0x0  }
0xfc: {  	s16 =	sadd.s32 $0x100, s15;
	[sflag:s10] =	ssyncadd.s32 $0xFFFFE180  }
0xfd: {  	[tilespmem:s20], [sflag:$0x1] =	stream.indirect.gather [hbm4b:s4+s19], $0x80, s16, s19, $0xb8;
	[tilespmem:$0x1E080] =	vst v63  }
0xfe: {  	s16 =	sadd.s32 $0x140, s15  }
0xff: {  	[tilespmem:s22], [sflag:$0x2] =	stream.indirect.gather [hbm4b:s4+s21], $0x80, s16, s21, $0xb8;
	[tilespmem:$0x1E080] =	vst v63  }
0x100: {  	_ =	swait.ge [sflag:s5], $0x2000  }
0x101: {  	[sflag:s5] =	ssyncset.done $0x0  }
0x102: {  	[sflag:s5] =	ssyncadd.s32 $0xFFFFE000  }
.Ltmp6:
0x103: {  	_ =	swait.ge [sflag:s11], $0x1E80;
	(pc) =	sbr.rel @p6 .LBB2_10-.Ltmp6, $4  }
0x104: {  	[sflag:s11] =	ssyncset.done $0x0  }
0x105: {  	s16 =	sadd.s32 $0x180, s15;
	[sflag:s11] =	ssyncadd.s32 $0xFFFFE180  }
0x106: {  	[tilespmem:s24], [sflag:$0x3] =	stream.indirect.gather [hbm4b:s4+s19], $0x80, s16, s19, $0xb8;
	[tilespmem:$0x1E080] =	vst v63  }
0x107: {  	s15 =	sadd.s32 $0x1C0, s15  }
0x108: {  	[tilespmem:s26], [sflag:$0x4] =	stream.indirect.gather [hbm4b:s4+s21], $0x80, s15, s21, $0xb8;
	[tilespmem:$0x1E080] =	vst v63  }
0x109: {  	_ =	swait.ge [sflag:s28], $0x2000  }
0x10a: {  	[sflag:s28] =	ssyncset.done $0x0  }
0x10b: {  	[sflag:s28] =	ssyncadd.s32 $0xFFFFE000  }
0x10c: {  	_ =	swait.ge [sflag:s29], $0x1E80  }
0x10d: {  	[sflag:s29] =	ssyncset.done $0x0  }
0x10e: {  	[sflag:s29] =	ssyncadd.s32 $0xFFFFE180  }
0x10f: {  	[spmem:s1] =	stream.indirect.scatter.add.f32 [tilespmem:s20], [sflag:$0x5], $0x80, s6, s19, $0xb8;
	[tilespmem:$0x1E080] =	vst v63  }
0x110: {  	_ = 	snop  }
0x111: {  	[spmem:s1] =	stream.indirect.scatter.add.f32 [tilespmem:s22], [sflag:$0x6], $0x80, s7, s21, $0xb8;
	[tilespmem:$0x1E080] =	vst v63  }
0x112: {  	_ =	swait.ge [sflag:s30], $0x2000  }
0x113: {  	[sflag:s30] =	ssyncset.done $0x0  }
0x114: {  	[sflag:s30] =	ssyncadd.s32 $0xFFFFE000  }
0x115: {  	_ =	swait.ge [sflag:s31], $0x1E80  }
0x116: {  	[sflag:s31] =	ssyncset.done $0x0  }
0x117: {  	[sflag:s31] =	ssyncadd.s32 $0xFFFFE180  }
0x118: {  	[spmem:s1] =	stream.indirect.scatter.add.f32 [tilespmem:s24], [sflag:$0x7], $0x80, s12, s19, $0xb8;
	[tilespmem:$0x1E080] =	vst v63  }
0x119: {  	_ = 	snop  }
0x11a: {  	[spmem:s1] =	stream.indirect.scatter.add.f32 [tilespmem:s26], [sflag:$0x8], $0x80, s18, s21, $0xb8;
	[tilespmem:$0x1E080] =	vst v63  }
0x11b: {  	_ =	swait.ge [sflag:s0], $0x2000  }
0x11c: {  	[sflag:s0] =	ssyncset.done $0x0  }
0x11d: {  	[sflag:s0] =	ssyncadd.s32 $0xFFFFE000  }
0x11e: {  	_ =	swait.ge [sflag:s10], $0x1E80  }
0x11f: {  	[sflag:s10] =	ssyncset.done $0x0  }
0x120: {  	[sflag:s10] =	ssyncadd.s32 $0xFFFFE180  }
0x121: {  	_ =	swait.ge [sflag:s5], $0x2000  }
0x122: {  	[sflag:s5] =	ssyncset.done $0x0  }
0x123: {  	[sflag:s5] =	ssyncadd.s32 $0xFFFFE000  }
0x124: {  	_ =	swait.ge [sflag:s11], $0x1E80  }
0x125: {  	[sflag:s11] =	ssyncset.done $0x0  }
0x126: {  	[sflag:s11] =	ssyncadd.s32 $0xFFFFE180  }
0x127: {  	s14 =	sshll.u32 @!p0 s2, $0x6;
	[bflag:$0x0] =	sbarrier.arrive $0xFFFF  }
0x128: {  	s15 =	sshrl.u32 @!p0 s9, $0x3;
	s14 =	sor.u32 @!p0 $0x1C09, s14;
	s16 =	rddreg [dreg:$0xa]  }
0x129: {  	[hbm:s16], [sflag:s14] =	dma.local @!p0 [spmem:s15], $0x2780  }
0x12a: {  	s14 =	simm.s32 @!p0 $0x9  }
0x12b: {  	_ =	swait.ge @!p0 [sflag:s14], $0x2780  }
0x12c: {  	s15 =	sshll.u32 @p5 s2, $0x6;
	[sflag:s14] =	ssyncset.done @!p0 $0x0;
	s16 =	rddreg [dreg:$0xb]  }
0x12d: {  	[sflag:s14] =	ssyncadd.s32 @!p0 $0xFFFFD880;
	s14 =	sor.u32 @p5 $0x1C09, s15;
	s15 =	sshrl.u32 @p5 s8, $0x3  }
0x12e: {  	[hbm:s16], [sflag:s14] =	dma.local @p5 [spmem:s15], $0x2080  }
0x12f: {  	s14 =	simm.s32 @p5 $0x9  }
0x130: {  	_ =	swait.ge @p5 [sflag:s14], $0x2080  }
0x131: {  	s13 =	sadd.s32 $0x1, s13;
	s16 =	rddreg [dreg:$0xc]  }
0x132: {  	p6 =	sne.s32 s13, s16  }
.Ltmp7:
0x133: {  	_ = 	snop;
	(pc) =	sbr.rel @p6 .LBB2_1-.Ltmp7, $3  }
0x134: {  	_ =	sdelay $0x1  }
0x135: {  	[sflag:s14] =	ssyncset.done @p5 $0x0  }
0x136: {  	[sflag:s14] =	ssyncadd.s32 @p5 $0xFFFFDF80  }
0x137: {  	_ =	sfence.sel $0x180000  }
0x138: {  	[bflag:$0x0] =	sbarrier.arrive $0xFFFF  }
0x139: {  	_ =	strace $0x9000004A  }
0x13a: {  	[bflag:$0x2] =	sbarrier.arrive $0xFFFF  }
0x13b: {  	p0 =	sne.s32 s2, $0x0;
	s0 =	rddreg [dreg:$0x2]  }
0x13c: {  	s0 =	sadd.s32 @!p0 $0x100000, s0  }
0x13d: {  	[sflag:s0] =	ssyncadd.tile.s32 @!p0 $0x1;
	_ =	shalt  }
.Lfunc_end2:
_tile_overlayer_lowered:
.L_overlay_start_2:
0x13e: {  	(tag) =	ssettag $0x2  }
0x13f: {  	s0 =	rddreg [dreg:$0x0];
	s2 =	stileid.u32  }
0x140: {  	s1 =	rddreg [dreg:$0x1];
	p0 =	sne.s32 s2, $0x0  }
0x141: {  	s3 =	rddreg [dreg:$0x2];
	[bflag:$0x3] =	sbarrier.arrive $0xFFFF;
	s2 =	simm.s32 @!p0 $0x1C09  }
0x142: {  	[timem:s3], [sflag:s2] =	dma.local @!p0 [hbm:s0], s1  }
0x143: {  	s0 =	simm.s32 @!p0 $0x9  }
0x144: {  	_ =	swait.ge @!p0 [sflag:s0], s1  }
0x145: {  	s1 =	ssub.s32 @!p0 $0x0, s1;
	[sflag:s0] =	ssyncset.done @!p0 $0x0  }
0x146: {  	[sflag:s0] =	ssyncadd.s32 @!p0 s1  }
0x147: {  	[bflag:$0x3] =	sbarrier.arrive $0xFFFF  }
0x148: {  	_ =	shalt  }

</sc_bundles>
